<compile_context>
chip_gen: v7x
topology: tpu7x:2x2x1
jax: 0.10.2.dev20260603
libtpu: 0.0.44.dev20260713+nightly
codegen_flags: <defaults>
</compile_context>

<pallas_src>
import functools

import jax
import jax.numpy as jnp
from jax.experimental import pallas as pl
from jax.experimental.pallas import tpu as pltpu
from jax.scipy.special import digamma

_K = 5
_NC = 10
_EPS = 0.01
_MAX_ITER = 50
_INTERPRET = False


def _dist_body(xi_ref, xj_ref, o_ref):
    xi = xi_ref[...]
    xj = xj_ref[...]
    sqi = jnp.sum(xi * xi, axis=1, keepdims=True)
    sqj = jnp.sum(xj * xj, axis=1, keepdims=True)
    dot = jax.lax.dot_general(
        xi, xj, (((1,), (1,)), ((), ())),
        preferred_element_type=jnp.float32)
    d2 = sqi + jnp.transpose(sqj) - 2.0 * dot
    o_ref[...] = jnp.sqrt(jnp.clip(d2, 0.0, None) + 1e-12)


def _pairwise_dists(X, tm=512):
    n, d = X.shape
    tm = min(tm, n)
    return pl.pallas_call(
        _dist_body,
        grid=(n // tm,),
        in_specs=[
            pl.BlockSpec((tm, d), lambda i: (i, 0)),
            pl.BlockSpec((n, d), lambda i: (0, 0)),
        ],
        out_specs=pl.BlockSpec((tm, n), lambda i: (i, 0)),
        out_shape=jax.ShapeDtypeStruct((n, n), jnp.float32),
        interpret=_INTERPRET,
    )(X, X)


def _stats_body(bnd_ref, cs_ref, d_ref, y_ref, yc_ref, o_ref, *, tr, w):
    i = pl.program_id(0)
    sk = pl.multiple_of(cs_ref[0, i], 128)
    dw = d_ref[:, pl.ds(sk, w)]
    yw = y_ref[:, pl.ds(sk, w)]
    yr = yc_ref[...]
    c_lo = bnd_ref[0, i]
    c_hi = bnd_ref[1, i]
    lane = jax.lax.broadcasted_iota(jnp.int32, (1, 128), 1)

    @pl.when(i == 0)
    def _init():
        row = jax.lax.broadcasted_iota(jnp.int32, (8, 128), 0)
        o_ref[...] = jnp.where(row == 0, jnp.inf,
                               jnp.where(row == 1, -jnp.inf, 0.0)
                               ).astype(jnp.float32)

    for c in range(_NC):
        @pl.when(jnp.logical_and(c >= c_lo, c <= c_hi))
        def _acc(c=c):
            m2 = jnp.logical_and(yr == c, yw == c)
            dmin_c = jnp.min(jnp.where(m2, dw, jnp.inf))
            dmax_c = jnp.max(jnp.where(m2, dw, -jnp.inf))
            p0 = o_ref[0:1, :]
            o_ref[0:1, :] = jnp.where(lane == c,
                                      jnp.minimum(p0, dmin_c), p0)
            p1 = o_ref[1:2, :]
            o_ref[1:2, :] = jnp.where(lane == c,
                                      jnp.maximum(p1, dmax_c), p1)


def _class_stats(dists, y2, ycol, bounds, cstarts, w, tr=128):
    n = dists.shape[0]
    return pl.pallas_call(
        functools.partial(_stats_body, tr=tr, w=w),
        grid=(n // tr,),
        in_specs=[
            pl.BlockSpec(memory_space=pltpu.SMEM),
            pl.BlockSpec(memory_space=pltpu.SMEM),
            pl.BlockSpec((tr, n), lambda i: (i, 0)),
            pl.BlockSpec((1, n), lambda i: (0, 0)),
            pl.BlockSpec((tr, 1), lambda i: (i, 0)),
        ],
        out_specs=pl.BlockSpec((8, 128), lambda i: (0, 0)),
        out_shape=jax.ShapeDtypeStruct((8, 128), jnp.float32),
        interpret=_INTERPRET,
    )(bounds, cstarts, dists, y2, ycol)


def _sinkhorn_body(p_ref, cs_ref, d_ref, y_ref, yc_ref, o_ref, *, tr, w):
    i = pl.program_id(0)
    sk = pl.multiple_of(cs_ref[0, i], 128)
    dw = d_ref[:, pl.ds(sk, w)]
    yw = y_ref[:, pl.ds(sk, w)]
    yr = yc_ref[...]
    mask = yw == yr

    def sel(row):
        v = jnp.zeros((tr, 1), jnp.float32)
        for c in range(_NC):
            v = jnp.where(yr == c, p_ref[row, c], v)
        return v

    smin = sel(0)
    inv_den = sel(1)
    log_nu0 = sel(2)
    log_nu1 = sel(3)
    log_mu = sel(4)

    inv_eps = 1.0 / _EPS
    s = jnp.log(1.0 / (dw + 1e-6))
    sn = (s - smin) * inv_den
    c0i = sn * sn * inv_eps
    c1i = (sn - 1.0) * (sn - 1.0) * inv_eps
    f0 = jnp.where(mask, 0.0, -jnp.inf)

    def body(_, carry):
        fi, _g0, _g1 = carry
        t0 = fi - c0i
        t1 = fi - c1i
        m0 = jnp.max(t0, axis=1, keepdims=True)
        m1 = jnp.max(t1, axis=1, keepdims=True)
        g0i = log_nu0 - (m0 + jnp.log(jnp.sum(jnp.exp(t0 - m0), axis=1,
                                              keepdims=True)))
        g1i = log_nu1 - (m1 + jnp.log(jnp.sum(jnp.exp(t1 - m1), axis=1,
                                              keepdims=True)))
        u0 = g0i - c0i
        u1 = g1i - c1i
        mm = jnp.maximum(u0, u1)
        lse = mm + jnp.log1p(jnp.exp(-jnp.abs(u1 - u0)))
        fi = log_mu - lse
        fi = jnp.where(mask, fi, -jnp.inf)
        return fi, g0i, g1i

    zero = jnp.zeros((tr, 1), jnp.float32)
    fi, _, g1i = jax.lax.fori_loop(0, _MAX_ITER, body, (f0, zero, zero))

    wgt = jnp.exp(fi + g1i - c1i)
    anchor = jnp.sum(jnp.where(mask, dw * wgt, 0.0), axis=1, keepdims=True)
    hard = jnp.where(anchor - d_ref[...] >= 0.0, 1.0, 0.0)
    o_ref[...] = jnp.sum(hard, axis=1, keepdims=True)


def _sinkhorn_counts(dists, y2, ycol, params, cstarts, w, tr=128):
    n = dists.shape[0]
    return pl.pallas_call(
        functools.partial(_sinkhorn_body, tr=tr, w=w),
        grid=(n // tr,),
        in_specs=[
            pl.BlockSpec(memory_space=pltpu.SMEM),
            pl.BlockSpec(memory_space=pltpu.SMEM),
            pl.BlockSpec((tr, n), lambda i: (i, 0)),
            pl.BlockSpec((1, n), lambda i: (0, 0)),
            pl.BlockSpec((tr, 1), lambda i: (i, 0)),
        ],
        out_specs=pl.BlockSpec((tr, 1), lambda i: (i, 0)),
        out_shape=jax.ShapeDtypeStruct((n, 1), jnp.float32),
        interpret=_INTERPRET,
    )(params, cstarts, dists, y2, ycol)


def kernel(X, y):
    n = X.shape[0]
    tr = min(256, n)
    w = min(768, n)

    oh = (y[:, None] == jnp.arange(_NC, dtype=y.dtype)[None, :]
          ).astype(jnp.int32)
    cnt_i = jnp.sum(oh, axis=0)
    cnt = cnt_i.astype(jnp.float32)
    starts = jnp.concatenate([jnp.zeros((1,), jnp.int32),
                              jnp.cumsum(cnt_i)[:-1]])
    ends = starts + cnt_i
    within = jnp.cumsum(oh, axis=0) - oh
    rank = starts[y] + jnp.sum(within * oh, axis=1)
    perm = jnp.zeros((n,), jnp.int32).at[rank].set(
        jnp.arange(n, dtype=jnp.int32))
    yp = y[perm]
    Xp = X[perm]
    y2 = jnp.reshape(yp, (1, n))
    ycol = jnp.reshape(yp, (n, 1))
    c_lo = yp[0::tr].astype(jnp.int32)
    c_hi = yp[tr - 1::tr].astype(jnp.int32)
    win_lo = starts[c_lo]
    win_hi = ends[c_hi]
    cstart = jnp.clip((win_lo // 128) * 128, 0, n - w)
    fits = jnp.all(win_hi - cstart <= w)
    nb = n // tr
    cstarts = jnp.reshape(cstart, (1, nb))
    zeros = jnp.zeros_like(cstarts)
    bounds = jnp.stack([c_lo, c_hi])
    bounds_full = jnp.stack([jnp.zeros((nb,), jnp.int32),
                             jnp.full((nb,), _NC - 1, jnp.int32)])

    dists = _pairwise_dists(Xp)

    stats = jax.lax.cond(
        fits,
        lambda: _class_stats(dists, y2, ycol, bounds, cstarts, w, tr),
        lambda: _class_stats(dists, y2, ycol, bounds_full, zeros, n, tr),
    )

    dmin = stats[0, :_NC]
    dmax = stats[1, :_NC]

    smax = jnp.log(1.0 / (dmin + 1e-6))
    smin = jnp.log(1.0 / (dmax + 1e-6))
    inv_den = 1.0 / (smax - smin + 1e-8)
    kk = float(_K + 1)
    log_nu0 = jnp.log((cnt - kk) / cnt)
    log_nu1 = jnp.log(kk / cnt)
    log_mu = -jnp.log(cnt)

    params = jnp.zeros((8, 16), jnp.float32)
    params = params.at[0, :_NC].set(smin)
    params = params.at[1, :_NC].set(inv_den)
    params = params.at[2, :_NC].set(log_nu0)
    params = params.at[3, :_NC].set(log_nu1)
    params = params.at[4, :_NC].set(log_mu)

    cnts = jax.lax.cond(
        fits,
        lambda: _sinkhorn_counts(dists, y2, ycol, params, cstarts, w, tr),
        lambda: _sinkhorn_counts(dists, y2, ycol, params, zeros, n, tr),
    )[:, 0]

    m_shift = jnp.float32(-1.0) + jnp.float32(1e-7)
    avg_m_i = jnp.mean(digamma(cnts + m_shift))
    n_x_w = cnt / float(n)
    avg_n_x = jnp.sum(n_x_w * digamma(cnt))
    mi = (digamma(jnp.asarray(float(n), jnp.float32)) - avg_n_x
          + digamma(jnp.asarray(float(_K), jnp.float32)) - avg_m_i)
    mi = mi / jnp.log(jnp.asarray(2.0, jnp.float32))
    return jax.nn.relu(mi)

# --- scband reference (transcript-rebuilt; emitter-appended) ---
"""Pipeline reference for scband-diff-cluster-mi-54477365182885 (READ-ONLY COPY).

The authoritative reference and input builder live on the scoring server;
editing this copy changes nothing except your own understanding.
"""

import jax, jax.numpy as jnp
import numpy as np
from jax.scipy.special import digamma, logsumexp

K = 5
N_CLASSES = 10
EPSILON = 0.01
MAX_ITER = 50

def pairwise_euclidean_dists(X):
    sq = jnp.sum(X * X, axis=1)
    d2 = sq[:, None] + sq[None, :] - 2.0 * (X @ X.T)
    return jnp.sqrt(jnp.clip(d2, 0.0, None) + 1e-12)

def sinkhorn_gamma(C, n_c, col_mask, k, epsilon, max_iter):
    bs, n, _ = C.shape
    log_mu = jnp.full((1, n, 1), -jnp.log(n_c), dtype=C.dtype)
    log_nu = jnp.log(jnp.stack([(n_c - k) / n_c, k / n_c]).astype(C.dtype)).reshape(1, 1, 2)
    cm = col_mask[None, :, None]
    f0 = jnp.where(cm, jnp.zeros((bs, n, 1), dtype=C.dtype), -jnp.inf)
    g0 = jnp.zeros((bs, 1, 2), dtype=C.dtype)
    def body(carry, _):
        f, g = carry
        g = epsilon * (log_nu - logsumexp((f - C) / epsilon, axis=1, keepdims=True))
        f = epsilon * (log_mu - logsumexp((g - C) / epsilon, axis=2, keepdims=True))
        f = jnp.where(cm, f, -jnp.inf)
        return (f, g), None
    (f, g), _ = jax.lax.scan(body, (f0, g0), None, length=max_iter)
    return jnp.exp((f + g - C) / epsilon)

def soft_top_k(scores, mask2d, col_mask, n_c, k, epsilon, max_iter):
    # SOFT top-k (Xie et al. 2020): entropic OT between scores and anchors {0,1};
    # returns transport plan Gamma [bs, n, 2]; column -1 is the (soft) in-top-k mass.
    s = scores[:, :, None]
    m3 = mask2d[:, :, None]
    smin = jax.lax.stop_gradient(jnp.min(jnp.where(m3, s, jnp.inf)))
    smax = jax.lax.stop_gradient(jnp.max(jnp.where(m3, s, -jnp.inf)))
    s = (s - smin) / (smax - smin + 1e-8)
    anchors = jnp.array([0.0, 1.0], dtype=s.dtype).reshape(1, 1, 2)
    C = (s - anchors) ** 2
    Cmax = jax.lax.stop_gradient(jnp.max(jnp.where(m3, C, -jnp.inf)))
    C = C / (Cmax + 1e-8)
    return sinkhorn_gamma(C, n_c, col_mask, k, epsilon, max_iter)

def st_heaviside(x):
    hard = jnp.where(x >= 0.0, 1.0, 0.0).astype(x.dtype)
    return x + jax.lax.stop_gradient(hard - x)

def mutual_information(X, y):
    N = X.shape[0]
    N_digamma = digamma(jnp.asarray(float(N), dtype=jnp.float32))
    N_x = jnp.stack([jnp.sum(y == i) for i in range(N_CLASSES)]).astype(jnp.float32)
    N_x_w = N_x / float(N)
    avg_N_x = jnp.sum(N_x_w * digamma(N_x))
    k_digamma = digamma(jnp.asarray(float(K), dtype=jnp.float32))
    dists = pairwise_euclidean_dists(X)
    mi = N_digamma - avg_N_x + k_digamma
    anchor_all = jnp.zeros_like(dists)
    scores = jnp.log(1.0 / (dists + 1e-6))
    for c in range(N_CLASSES):
        mask = (y == c)
        mask2d = mask[:, None] & mask[None, :]
        n_c = jnp.sum(mask).astype(jnp.float32)
        Gamma = soft_top_k(scores, mask2d, mask, n_c, K + 1, EPSILON, MAX_ITER)
        w = Gamma[:, :, -1]
        anchor = jnp.sum(jnp.where(mask[None, :], dists * w, 0.0), axis=1)
        anchor_all = jnp.where(mask[:, None], anchor[:, None], anchor_all)
    gtz = st_heaviside(anchor_all - dists)
    m_i = jnp.sum(gtz, axis=1) - 1.0
    avg_m_i = jnp.mean(digamma(m_i + 1e-7))
    mi = mi - avg_m_i
    mi = mi / jnp.log(jnp.asarray(2.0, dtype=jnp.float32))
    return jax.nn.relu(mi)

def setup_inputs(seed: int = 0):
    key = jax.random.key(seed)
    kx, ky = jax.random.split(key)
    X = jax.random.normal(kx, (2048, 1024), dtype=jnp.float32)
    y = jax.random.randint(ky, (2048,), 0, N_CLASSES, dtype=jnp.int32)
    return {"X": X, "y": y}

def reference(X, y):
    return mutual_information(X, y)

if __name__ == "__main__":
    import jax
    _d = setup_inputs()
    print(jax.jit(kernel)(*tuple(_d.values())))

</pallas_src>

<mosaic_0001>
module attributes {stable_mosaic.version = 14 : i64} {
  func.func @_dist_body(%arg0: i32, %arg1: memref<512x1024xf32, #tpu.memory_space<vmem>>, %arg2: memref<2048x1024xf32, #tpu.memory_space<vmem>>, %arg3: memref<512x2048xf32, #tpu.memory_space<vmem>>) attributes {dimension_semantics = [#tpu.dimension_semantics<arbitrary>], iteration_bounds = array<i64: 4>, scalar_prefetch = 0 : i64, scratch_operands = 0 : i64, tpu.core_type = #tpu.core_type<tc>, window_params = [{transform_indices = @transform_0, window_bounds = array<i64: 512, 1024>}, {pipeline_mode = #tpu.pipeline_mode<synchronous>, transform_indices = @transform_1, window_bounds = array<i64: 2048, 1024>}, {transform_indices = @transform_2, window_bounds = array<i64: 512, 2048>}]} {
    %get3A = arith.constant 0 : index
    %get3A_0 = arith.constant 0 : index
    %get3A_1 = vector.load %arg1[%get3A, %get3A_0] : memref<512x1024xf32, #tpu.memory_space<vmem>>, vector<512x1024xf32>
    %get3A_2 = arith.constant 0 : index
    %get3A_3 = arith.constant 0 : index
    %get3A_4 = vector.load %arg2[%get3A_2, %get3A_3] : memref<2048x1024xf32, #tpu.memory_space<vmem>>, vector<2048x1024xf32>
    %mul3A = arith.mulf %get3A_1, %get3A_1 : vector<512x1024xf32>
    %reduce_sum3A = arith.constant dense<0.000000e+00> : vector<512xf32>
    %reduce_sum3A_5 = vector.multi_reduction <add>, %mul3A, %reduce_sum3A [1] : vector<512x1024xf32> to vector<512xf32>
    %broadcast_in_dim3A = vector.shape_cast %reduce_sum3A_5 : vector<512xf32> to vector<512x1xf32>
    %mul3A_6 = arith.mulf %get3A_4, %get3A_4 : vector<2048x1024xf32>
    %reduce_sum3A_7 = arith.constant dense<0.000000e+00> : vector<2048xf32>
    %reduce_sum3A_8 = vector.multi_reduction <add>, %mul3A_6, %reduce_sum3A_7 [1] : vector<2048x1024xf32> to vector<2048xf32>
    %broadcast_in_dim3A_9 = vector.shape_cast %reduce_sum3A_8 : vector<2048xf32> to vector<2048x1xf32>
    %dot_general3A = arith.constant dense<0.000000e+00> : vector<512x2048xf32>
    %dot_general3A_10 = tpu.matmul %get3A_1, %get3A_4, %dot_general3A {dimension_numbers = #tpu.dot_dimension_numbers<[1], [1], [0], [0], [0, 0, 1, 0], [], []>, transpose_lhs_hint = false} : vector<512x1024xf32>, vector<2048x1024xf32>, vector<512x2048xf32> -> vector<512x2048xf32>
    %transpose3A = tpu.transpose %broadcast_in_dim3A_9, [1, 0] : vector<2048x1xf32> -> vector<1x2048xf32>
    %add3A = vector.broadcast %broadcast_in_dim3A : vector<512x1xf32> to vector<512x2048xf32>
    %add3A_11 = vector.broadcast %transpose3A : vector<1x2048xf32> to vector<512x2048xf32>
    %add3A_12 = arith.addf %add3A, %add3A_11 : vector<512x2048xf32>
    %mul3A_13 = arith.constant 2.000000e+00 : f32
    %mul3A_14 = vector.broadcast %mul3A_13 : f32 to vector<512x2048xf32>
    %mul3A_15 = arith.mulf %mul3A_14, %dot_general3A_10 : vector<512x2048xf32>
    %sub3A = arith.subf %add3A_12, %mul3A_15 : vector<512x2048xf32>
    %jit3A = arith.constant 0.000000e+00 : f32
    %max3A = vector.broadcast %jit3A : f32 to vector<512x2048xf32>
    %max3A_16 = arith.maximumf %max3A, %sub3A : vector<512x2048xf32>
    %add3A_17 = arith.constant 9.99999996E-13 : f32
    %add3A_18 = vector.broadcast %add3A_17 : f32 to vector<512x2048xf32>
    %add3A_19 = arith.addf %max3A_16, %add3A_18 : vector<512x2048xf32>
    %sqrt3A = math.sqrt %add3A_19 : vector<512x2048xf32>
    %swap3A = arith.constant 0 : index
    %swap3A_20 = arith.constant 0 : index
    %swap3A_21 = vector.load %arg3[%swap3A, %swap3A_20] : memref<512x2048xf32, #tpu.memory_space<vmem>>, vector<512x2048xf32>
    tpu.vector_store %arg3[%swap3A, %swap3A_20], %sqrt3A {strides = array<i32>} : memref<512x2048xf32, #tpu.memory_space<vmem>>, vector<512x2048xf32>,
    return
  }
  func.func @transform_0(%arg0: i32) -> (i32, i32) {
    %c0_i32 = arith.constant 0 : i32
    %c0_i32_0 = arith.constant 0 : i32
    return %arg0, %c0_i32 : i32, i32
  }
  func.func @transform_1(%arg0: i32) -> (i32, i32) {
    %c0_i32 = arith.constant 0 : i32
    %c0_i32_0 = arith.constant 0 : i32
    %c0_i32_1 = arith.constant 0 : i32
    return %c0_i32, %c0_i32_0 : i32, i32
  }
  func.func @transform_2(%arg0: i32) -> (i32, i32) {
    %c0_i32 = arith.constant 0 : i32
    %c0_i32_0 = arith.constant 0 : i32
    return %arg0, %c0_i32 : i32, i32
  }
}

module attributes {stable_mosaic.version = 14 : i64} {
  func.func @_stats_body(%arg0: i32, %arg1: memref<2x8xi32, #tpu.memory_space<smem>>, %arg2: memref<1x8xi32, #tpu.memory_space<smem>>, %arg3: memref<256x2048xf32, #tpu.memory_space<vmem>>, %arg4: memref<1x2048xi32, #tpu.memory_space<vmem>>, %arg5: memref<256x1xi32, #tpu.memory_space<vmem>>, %arg6: memref<8x128xf32, #tpu.memory_space<vmem>>) attributes {dimension_semantics = [#tpu.dimension_semantics<arbitrary>], iteration_bounds = array<i64: 8>, scalar_prefetch = 0 : i64, scratch_operands = 0 : i64, tpu.core_type = #tpu.core_type<tc>, window_params = [{transform_indices = @transform_0, window_bounds = array<i64: 2, 8>}, {transform_indices = @transform_1, window_bounds = array<i64: 1, 8>}, {transform_indices = @transform_2, window_bounds = array<i64: 256, 2048>}, {pipeline_mode = #tpu.pipeline_mode<synchronous>, transform_indices = @transform_3, window_bounds = array<i64: 1, 2048>}, {transform_indices = @transform_4, window_bounds = array<i64: 256, 1>}, {pipeline_mode = #tpu.pipeline_mode<synchronous>, transform_indices = @transform_5, window_bounds = array<i64: 8, 128>}]} {
    %get3A = arith.constant 0 : index
    %get3A_0 = arith.index_cast %arg0 : i32 to index
    %get3A_1 = memref.load %arg2[%get3A, %get3A_0] : memref<1x8xi32, #tpu.memory_space<smem>>
    %multiple_of3A = tpu.assume_multiple %get3A_1, 128 : i32
    %get3A_2 = arith.constant 0 : index
    %get3A_3 = arith.index_cast %multiple_of3A : i32 to index
    %get3A_4 = vector.load %arg3[%get3A_2, %get3A_3] : memref<256x2048xf32, #tpu.memory_space<vmem>>, vector<256x2048xf32>
    %get3A_5 = arith.constant 0 : index
    %get3A_6 = arith.index_cast %multiple_of3A : i32 to index
    %get3A_7 = vector.load %arg4[%get3A_5, %get3A_6] : memref<1x2048xi32, #tpu.memory_space<vmem>>, vector<1x2048xi32>
    %get3A_8 = arith.constant 0 : index
    %get3A_9 = arith.constant 0 : index
    %get3A_10 = vector.load %arg5[%get3A_8, %get3A_9] : memref<256x1xi32, #tpu.memory_space<vmem>>, vector<256x1xi32>
    %get3A_11 = arith.constant 0 : index
    %get3A_12 = arith.index_cast %arg0 : i32 to index
    %get3A_13 = memref.load %arg1[%get3A_11, %get3A_12] : memref<2x8xi32, #tpu.memory_space<smem>>
    %get3A_14 = arith.constant 1 : index
    %get3A_15 = arith.index_cast %arg0 : i32 to index
    %get3A_16 = memref.load %arg1[%get3A_14, %get3A_15] : memref<2x8xi32, #tpu.memory_space<smem>>
    %iota3A = tpu.iota {dimensions = array<i32: 1>} : vector<1x128xi32>
    %eq3A = arith.constant 0 : i32
    %eq3A_17 = arith.cmpi eq, %arg0, %eq3A : i32
    %convert_element_type3A = arith.extui %eq3A_17 : i1 to i32
    %cond3A = arith.constant 0 : i32
    %cond3A_18 = arith.cmpi ne, %convert_element_type3A, %cond3A : i32
    scf.if %cond3A_18 {
      %iota3A_96 = tpu.iota {dimensions = array<i32: 0>} : vector<8x128xi32>
      %eq3A_97 = arith.constant 0 : i32
      %eq3A_98 = vector.broadcast %eq3A_97 : i32 to vector<8x128xi32>
      %eq3A_99 = arith.cmpi eq, %iota3A_96, %eq3A_98 : vector<8x128xi32>
      %eq3A_100 = arith.constant 1 : i32
      %eq3A_101 = vector.broadcast %eq3A_100 : i32 to vector<8x128xi32>
      %eq3A_102 = arith.cmpi eq, %iota3A_96, %eq3A_101 : vector<8x128xi32>
      %jit3A = arith.constant 0xFF800000 : f32
      %jit3A_103 = arith.constant 0.000000e+00 : f32
      %broadcast_in_dim3A = vector.broadcast %jit3A : f32 to vector<8x128xf32>
      %broadcast_in_dim3A_104 = vector.broadcast %jit3A_103 : f32 to vector<8x128xf32>
      %select_n3A = arith.select %eq3A_102, %broadcast_in_dim3A, %broadcast_in_dim3A_104 : vector<8x128xi1>, vector<8x128xf32>
      %jit3A_105 = arith.constant 0x7F800000 : f32
      %broadcast_in_dim3A_106 = vector.broadcast %jit3A_105 : f32 to vector<8x128xf32>
      %select_n3A_107 = arith.select %eq3A_99, %broadcast_in_dim3A_106, %select_n3A : vector<8x128xi1>, vector<8x128xf32>
      %swap3A = arith.constant 0 : index
      %swap3A_108 = arith.constant 0 : index
      %swap3A_109 = vector.load %arg6[%swap3A, %swap3A_108] : memref<8x128xf32, #tpu.memory_space<vmem>>, vector<8x128xf32>
      tpu.vector_store %arg6[%swap3A, %swap3A_108], %select_n3A_107 {strides = array<i32>} : memref<8x128xf32, #tpu.memory_space<vmem>>, vector<8x128xf32>,
    } else {
    }
    %le3A = arith.constant 0 : i32
    %le3A_19 = arith.cmpi sle, %get3A_13, %le3A : i32
    %ge3A = arith.constant 0 : i32
    %ge3A_20 = arith.cmpi sge, %get3A_16, %ge3A : i32
    %and3A = arith.andi %le3A_19, %ge3A_20 : i1
    %convert_element_type3A_21 = arith.extui %and3A : i1 to i32
    %cond3A_22 = arith.constant 0 : i32
    %cond3A_23 = arith.cmpi ne, %convert_element_type3A_21, %cond3A_22 : i32
    scf.if %cond3A_23 {
      %eq3A_96 = arith.constant 0 : i32
      %eq3A_97 = vector.broadcast %eq3A_96 : i32 to vector<256x1xi32>
      %eq3A_98 = arith.cmpi eq, %get3A_10, %eq3A_97 : vector<256x1xi32>
      %eq3A_99 = arith.constant 0 : i32
      %eq3A_100 = vector.broadcast %eq3A_99 : i32 to vector<1x2048xi32>
      %eq3A_101 = arith.cmpi eq, %get3A_7, %eq3A_100 : vector<1x2048xi32>
      %and3A_102 = vector.broadcast %eq3A_98 : vector<256x1xi1> to vector<256x2048xi1>
      %and3A_103 = vector.broadcast %eq3A_101 : vector<1x2048xi1> to vector<256x2048xi1>
      %and3A_104 = arith.andi %and3A_102, %and3A_103 : vector<256x2048xi1>
      %jit3A = arith.constant 0x7F800000 : f32
      %broadcast_in_dim3A = vector.broadcast %jit3A : f32 to vector<256x2048xf32>
      %select_n3A = arith.select %and3A_104, %get3A_4, %broadcast_in_dim3A : vector<256x2048xi1>, vector<256x2048xf32>
      %reduce_min3A = vector.shape_cast %select_n3A : vector<256x2048xf32> to vector<1x256x2048xf32>
      %reduce_min3A_105 = arith.constant dense<0x7F800000> : vector<1xf32>
      %reduce_min3A_106 = vector.multi_reduction <minimumf>, %reduce_min3A, %reduce_min3A_105 [1, 2] : vector<1x256x2048xf32> to vector<1xf32>
      %reduce_min3A_107 = vector.shape_cast %reduce_min3A_106 : vector<1xf32> to vector<1x1x1xf32>
      %reduce_min3A_108 = vector.extract %reduce_min3A_107[0, 0, 0] : f32 from vector<1x1x1xf32>
      %jit3A_109 = arith.constant 0xFF800000 : f32
      %broadcast_in_dim3A_110 = vector.broadcast %jit3A_109 : f32 to vector<256x2048xf32>
      %select_n3A_111 = arith.select %and3A_104, %get3A_4, %broadcast_in_dim3A_110 : vector<256x2048xi1>, vector<256x2048xf32>
      %reduce_max3A = vector.shape_cast %select_n3A_111 : vector<256x2048xf32> to vector<1x256x2048xf32>
      %reduce_max3A_112 = arith.constant dense<0xFF800000> : vector<1xf32>
      %reduce_max3A_113 = vector.multi_reduction <maximumf>, %reduce_max3A, %reduce_max3A_112 [1, 2] : vector<1x256x2048xf32> to vector<1xf32>
      %reduce_max3A_114 = vector.shape_cast %reduce_max3A_113 : vector<1xf32> to vector<1x1x1xf32>
      %reduce_max3A_115 = vector.extract %reduce_max3A_114[0, 0, 0] : f32 from vector<1x1x1xf32>
      %get3A_116 = arith.constant 0 : index
      %get3A_117 = arith.constant 0 : index
      %get3A_118 = vector.load %arg6[%get3A_116, %get3A_117] : memref<8x128xf32, #tpu.memory_space<vmem>>, vector<1x128xf32>
      %eq3A_119 = arith.constant 0 : i32
      %eq3A_120 = vector.broadcast %eq3A_119 : i32 to vector<1x128xi32>
      %eq3A_121 = arith.cmpi eq, %iota3A, %eq3A_120 : vector<1x128xi32>
      %min3A = vector.broadcast %reduce_min3A_108 : f32 to vector<1x128xf32>
      %min3A_122 = arith.minimumf %get3A_118, %min3A : vector<1x128xf32>
      %select_n3A_123 = arith.select %eq3A_121, %min3A_122, %get3A_118 : vector<1x128xi1>, vector<1x128xf32>
      %swap3A = arith.constant 0 : index
      %swap3A_124 = arith.constant 0 : index
      %swap3A_125 = vector.load %arg6[%swap3A, %swap3A_124] : memref<8x128xf32, #tpu.memory_space<vmem>>, vector<1x128xf32>
      tpu.vector_store %arg6[%swap3A, %swap3A_124], %select_n3A_123 {strides = array<i32>} : memref<8x128xf32, #tpu.memory_space<vmem>>, vector<1x128xf32>,
      %get3A_126 = arith.constant 1 : index
      %get3A_127 = arith.constant 0 : index
      %get3A_128 = vector.load %arg6[%get3A_126, %get3A_127] : memref<8x128xf32, #tpu.memory_space<vmem>>, vector<1x128xf32>
      %eq3A_129 = arith.constant 0 : i32
      %eq3A_130 = vector.broadcast %eq3A_129 : i32 to vector<1x128xi32>
      %eq3A_131 = arith.cmpi eq, %iota3A, %eq3A_130 : vector<1x128xi32>
      %max3A = vector.broadcast %reduce_max3A_115 : f32 to vector<1x128xf32>
      %max3A_132 = arith.maximumf %get3A_128, %max3A : vector<1x128xf32>
      %select_n3A_133 = arith.select %eq3A_131, %max3A_132, %get3A_128 : vector<1x128xi1>, vector<1x128xf32>
      %swap3A_134 = arith.constant 1 : index
      %swap3A_135 = arith.constant 0 : index
      %swap3A_136 = vector.load %arg6[%swap3A_134, %swap3A_135] : memref<8x128xf32, #tpu.memory_space<vmem>>, vector<1x128xf32>
      tpu.vector_store %arg6[%swap3A_134, %swap3A_135], %select_n3A_133 {strides = array<i32>} : memref<8x128xf32, #tpu.memory_space<vmem>>, vector<1x128xf32>,
    } else {
    }
    %le3A_24 = arith.constant 1 : i32
    %le3A_25 = arith.cmpi sle, %get3A_13, %le3A_24 : i32
    %ge3A_26 = arith.constant 1 : i32
    %ge3A_27 = arith.cmpi sge, %get3A_16, %ge3A_26 : i32
    %and3A_28 = arith.andi %le3A_25, %ge3A_27 : i1
    %convert_element_type3A_29 = arith.extui %and3A_28 : i1 to i32
    %cond3A_30 = arith.constant 0 : i32
    %cond3A_31 = arith.cmpi ne, %convert_element_type3A_29, %cond3A_30 : i32
    scf.if %cond3A_31 {
      %eq3A_96 = arith.constant 1 : i32
      %eq3A_97 = vector.broadcast %eq3A_96 : i32 to vector<256x1xi32>
      %eq3A_98 = arith.cmpi eq, %get3A_10, %eq3A_97 : vector<256x1xi32>
      %eq3A_99 = arith.constant 1 : i32
      %eq3A_100 = vector.broadcast %eq3A_99 : i32 to vector<1x2048xi32>
      %eq3A_101 = arith.cmpi eq, %get3A_7, %eq3A_100 : vector<1x2048xi32>
      %and3A_102 = vector.broadcast %eq3A_98 : vector<256x1xi1> to vector<256x2048xi1>
      %and3A_103 = vector.broadcast %eq3A_101 : vector<1x2048xi1> to vector<256x2048xi1>
      %and3A_104 = arith.andi %and3A_102, %and3A_103 : vector<256x2048xi1>
      %jit3A = arith.constant 0x7F800000 : f32
      %broadcast_in_dim3A = vector.broadcast %jit3A : f32 to vector<256x2048xf32>
      %select_n3A = arith.select %and3A_104, %get3A_4, %broadcast_in_dim3A : vector<256x2048xi1>, vector<256x2048xf32>
      %reduce_min3A = vector.shape_cast %select_n3A : vector<256x2048xf32> to vector<1x256x2048xf32>
      %reduce_min3A_105 = arith.constant dense<0x7F800000> : vector<1xf32>
      %reduce_min3A_106 = vector.multi_reduction <minimumf>, %reduce_min3A, %reduce_min3A_105 [1, 2] : vector<1x256x2048xf32> to vector<1xf32>
      %reduce_min3A_107 = vector.shape_cast %reduce_min3A_106 : vector<1xf32> to vector<1x1x1xf32>
      %reduce_min3A_108 = vector.extract %reduce_min3A_107[0, 0, 0] : f32 from vector<1x1x1xf32>
      %jit3A_109 = arith.constant 0xFF800000 : f32
      %broadcast_in_dim3A_110 = vector.broadcast %jit3A_109 : f32 to vector<256x2048xf32>
      %select_n3A_111 = arith.select %and3A_104, %get3A_4, %broadcast_in_dim3A_110 : vector<256x2048xi1>, vector<256x2048xf32>
      %reduce_max3A = vector.shape_cast %select_n3A_111 : vector<256x2048xf32> to vector<1x256x2048xf32>
      %reduce_max3A_112 = arith.constant dense<0xFF800000> : vector<1xf32>
      %reduce_max3A_113 = vector.multi_reduction <maximumf>, %reduce_max3A, %reduce_max3A_112 [1, 2] : vector<1x256x2048xf32> to vector<1xf32>
      %reduce_max3A_114 = vector.shape_cast %reduce_max3A_113 : vector<1xf32> to vector<1x1x1xf32>
      %reduce_max3A_115 = vector.extract %reduce_max3A_114[0, 0, 0] : f32 from vector<1x1x1xf32>
      %get3A_116 = arith.constant 0 : index
      %get3A_117 = arith.constant 0 : index
      %get3A_118 = vector.load %arg6[%get3A_116, %get3A_117] : memref<8x128xf32, #tpu.memory_space<vmem>>, vector<1x128xf32>
      %eq3A_119 = arith.constant 1 : i32
      %eq3A_120 = vector.broadcast %eq3A_119 : i32 to vector<1x128xi32>
      %eq3A_121 = arith.cmpi eq, %iota3A, %eq3A_120 : vector<1x128xi32>
      %min3A = vector.broadcast %reduce_min3A_108 : f32 to vector<1x128xf32>
      %min3A_122 = arith.minimumf %get3A_118, %min3A : vector<1x128xf32>
      %select_n3A_123 = arith.select %eq3A_121, %min3A_122, %get3A_118 : vector<1x128xi1>, vector<1x128xf32>
      %swap3A = arith.constant 0 : index
      %swap3A_124 = arith.constant 0 : index
      %swap3A_125 = vector.load %arg6[%swap3A, %swap3A_124] : memref<8x128xf32, #tpu.memory_space<vmem>>, vector<1x128xf32>
      tpu.vector_store %arg6[%swap3A, %swap3A_124], %select_n3A_123 {strides = array<i32>} : memref<8x128xf32, #tpu.memory_space<vmem>>, vector<1x128xf32>,
      %get3A_126 = arith.constant 1 : index
      %get3A_127 = arith.constant 0 : index
      %get3A_128 = vector.load %arg6[%get3A_126, %get3A_127] : memref<8x128xf32, #tpu.memory_space<vmem>>, vector<1x128xf32>
      %eq3A_129 = arith.constant 1 : i32
      %eq3A_130 = vector.broadcast %eq3A_129 : i32 to vector<1x128xi32>
      %eq3A_131 = arith.cmpi eq, %iota3A, %eq3A_130 : vector<1x128xi32>
      %max3A = vector.broadcast %reduce_max3A_115 : f32 to vector<1x128xf32>
      %max3A_132 = arith.maximumf %get3A_128, %max3A : vector<1x128xf32>
      %select_n3A_133 = arith.select %eq3A_131, %max3A_132, %get3A_128 : vector<1x128xi1>, vector<1x128xf32>
      %swap3A_134 = arith.constant 1 : index
      %swap3A_135 = arith.constant 0 : index
      %swap3A_136 = vector.load %arg6[%swap3A_134, %swap3A_135] : memref<8x128xf32, #tpu.memory_space<vmem>>, vector<1x128xf32>
      tpu.vector_store %arg6[%swap3A_134, %swap3A_135], %select_n3A_133 {strides = array<i32>} : memref<8x128xf32, #tpu.memory_space<vmem>>, vector<1x128xf32>,
    } else {
    }
    %le3A_32 = arith.constant 2 : i32
    %le3A_33 = arith.cmpi sle, %get3A_13, %le3A_32 : i32
    %ge3A_34 = arith.constant 2 : i32
    %ge3A_35 = arith.cmpi sge, %get3A_16, %ge3A_34 : i32
    %and3A_36 = arith.andi %le3A_33, %ge3A_35 : i1
    %convert_element_type3A_37 = arith.extui %and3A_36 : i1 to i32
    %cond3A_38 = arith.constant 0 : i32
    %cond3A_39 = arith.cmpi ne, %convert_element_type3A_37, %cond3A_38 : i32
    scf.if %cond3A_39 {
      %eq3A_96 = arith.constant 2 : i32
      %eq3A_97 = vector.broadcast %eq3A_96 : i32 to vector<256x1xi32>
      %eq3A_98 = arith.cmpi eq, %get3A_10, %eq3A_97 : vector<256x1xi32>
      %eq3A_99 = arith.constant 2 : i32
      %eq3A_100 = vector.broadcast %eq3A_99 : i32 to vector<1x2048xi32>
      %eq3A_101 = arith.cmpi eq, %get3A_7, %eq3A_100 : vector<1x2048xi32>
      %and3A_102 = vector.broadcast %eq3A_98 : vector<256x1xi1> to vector<256x2048xi1>
      %and3A_103 = vector.broadcast %eq3A_101 : vector<1x2048xi1> to vector<256x2048xi1>
      %and3A_104 = arith.andi %and3A_102, %and3A_103 : vector<256x2048xi1>
      %jit3A = arith.constant 0x7F800000 : f32
      %broadcast_in_dim3A = vector.broadcast %jit3A : f32 to vector<256x2048xf32>
      %select_n3A = arith.select %and3A_104, %get3A_4, %broadcast_in_dim3A : vector<256x2048xi1>, vector<256x2048xf32>
      %reduce_min3A = vector.shape_cast %select_n3A : vector<256x2048xf32> to vector<1x256x2048xf32>
      %reduce_min3A_105 = arith.constant dense<0x7F800000> : vector<1xf32>
      %reduce_min3A_106 = vector.multi_reduction <minimumf>, %reduce_min3A, %reduce_min3A_105 [1, 2] : vector<1x256x2048xf32> to vector<1xf32>
      %reduce_min3A_107 = vector.shape_cast %reduce_min3A_106 : vector<1xf32> to vector<1x1x1xf32>
      %reduce_min3A_108 = vector.extract %reduce_min3A_107[0, 0, 0] : f32 from vector<1x1x1xf32>
      %jit3A_109 = arith.constant 0xFF800000 : f32
      %broadcast_in_dim3A_110 = vector.broadcast %jit3A_109 : f32 to vector<256x2048xf32>
      %select_n3A_111 = arith.select %and3A_104, %get3A_4, %broadcast_in_dim3A_110 : vector<256x2048xi1>, vector<256x2048xf32>
      %reduce_max3A = vector.shape_cast %select_n3A_111 : vector<256x2048xf32> to vector<1x256x2048xf32>
      %reduce_max3A_112 = arith.constant dense<0xFF800000> : vector<1xf32>
      %reduce_max3A_113 = vector.multi_reduction <maximumf>, %reduce_max3A, %reduce_max3A_112 [1, 2] : vector<1x256x2048xf32> to vector<1xf32>
      %reduce_max3A_114 = vector.shape_cast %reduce_max3A_113 : vector<1xf32> to vector<1x1x1xf32>
      %reduce_max3A_115 = vector.extract %reduce_max3A_114[0, 0, 0] : f32 from vector<1x1x1xf32>
      %get3A_116 = arith.constant 0 : index
      %get3A_117 = arith.constant 0 : index
      %get3A_118 = vector.load %arg6[%get3A_116, %get3A_117] : memref<8x128xf32, #tpu.memory_space<vmem>>, vector<1x128xf32>
      %eq3A_119 = arith.constant 2 : i32
      %eq3A_120 = vector.broadcast %eq3A_119 : i32 to vector<1x128xi32>
      %eq3A_121 = arith.cmpi eq, %iota3A, %eq3A_120 : vector<1x128xi32>
      %min3A = vector.broadcast %reduce_min3A_108 : f32 to vector<1x128xf32>
      %min3A_122 = arith.minimumf %get3A_118, %min3A : vector<1x128xf32>
      %select_n3A_123 = arith.select %eq3A_121, %min3A_122, %get3A_118 : vector<1x128xi1>, vector<1x128xf32>
      %swap3A = arith.constant 0 : index
      %swap3A_124 = arith.constant 0 : index
      %swap3A_125 = vector.load %arg6[%swap3A, %swap3A_124] : memref<8x128xf32, #tpu.memory_space<vmem>>, vector<1x128xf32>
      tpu.vector_store %arg6[%swap3A, %swap3A_124], %select_n3A_123 {strides = array<i32>} : memref<8x128xf32, #tpu.memory_space<vmem>>, vector<1x128xf32>,
      %get3A_126 = arith.constant 1 : index
      %get3A_127 = arith.constant 0 : index
      %get3A_128 = vector.load %arg6[%get3A_126, %get3A_127] : memref<8x128xf32, #tpu.memory_space<vmem>>, vector<1x128xf32>
      %eq3A_129 = arith.constant 2 : i32
      %eq3A_130 = vector.broadcast %eq3A_129 : i32 to vector<1x128xi32>
      %eq3A_131 = arith.cmpi eq, %iota3A, %eq3A_130 : vector<1x128xi32>
      %max3A = vector.broadcast %reduce_max3A_115 : f32 to vector<1x128xf32>
      %max3A_132 = arith.maximumf %get3A_128, %max3A : vector<1x128xf32>
      %select_n3A_133 = arith.select %eq3A_131, %max3A_132, %get3A_128 : vector<1x128xi1>, vector<1x128xf32>
      %swap3A_134 = arith.constant 1 : index
      %swap3A_135 = arith.constant 0 : index
      %swap3A_136 = vector.load %arg6[%swap3A_134, %swap3A_135] : memref<8x128xf32, #tpu.memory_space<vmem>>, vector<1x128xf32>
      tpu.vector_store %arg6[%swap3A_134, %swap3A_135], %select_n3A_133 {strides = array<i32>} : memref<8x128xf32, #tpu.memory_space<vmem>>, vector<1x128xf32>,
    } else {
    }
    %le3A_40 = arith.constant 3 : i32
    %le3A_41 = arith.cmpi sle, %get3A_13, %le3A_40 : i32
    %ge3A_42 = arith.constant 3 : i32
    %ge3A_43 = arith.cmpi sge, %get3A_16, %ge3A_42 : i32
    %and3A_44 = arith.andi %le3A_41, %ge3A_43 : i1
    %convert_element_type3A_45 = arith.extui %and3A_44 : i1 to i32
    %cond3A_46 = arith.constant 0 : i32
    %cond3A_47 = arith.cmpi ne, %convert_element_type3A_45, %cond3A_46 : i32
    scf.if %cond3A_47 {
      %eq3A_96 = arith.constant 3 : i32
      %eq3A_97 = vector.broadcast %eq3A_96 : i32 to vector<256x1xi32>
      %eq3A_98 = arith.cmpi eq, %get3A_10, %eq3A_97 : vector<256x1xi32>
      %eq3A_99 = arith.constant 3 : i32
      %eq3A_100 = vector.broadcast %eq3A_99 : i32 to vector<1x2048xi32>
      %eq3A_101 = arith.cmpi eq, %get3A_7, %eq3A_100 : vector<1x2048xi32>
      %and3A_102 = vector.broadcast %eq3A_98 : vector<256x1xi1> to vector<256x2048xi1>
      %and3A_103 = vector.broadcast %eq3A_101 : vector<1x2048xi1> to vector<256x2048xi1>
      %and3A_104 = arith.andi %and3A_102, %and3A_103 : vector<256x2048xi1>
      %jit3A = arith.constant 0x7F800000 : f32
      %broadcast_in_dim3A = vector.broadcast %jit3A : f32 to vector<256x2048xf32>
      %select_n3A = arith.select %and3A_104, %get3A_4, %broadcast_in_dim3A : vector<256x2048xi1>, vector<256x2048xf32>
      %reduce_min3A = vector.shape_cast %select_n3A : vector<256x2048xf32> to vector<1x256x2048xf32>
      %reduce_min3A_105 = arith.constant dense<0x7F800000> : vector<1xf32>
      %reduce_min3A_106 = vector.multi_reduction <minimumf>, %reduce_min3A, %reduce_min3A_105 [1, 2] : vector<1x256x2048xf32> to vector<1xf32>
      %reduce_min3A_107 = vector.shape_cast %reduce_min3A_106 : vector<1xf32> to vector<1x1x1xf32>
      %reduce_min3A_108 = vector.extract %reduce_min3A_107[0, 0, 0] : f32 from vector<1x1x1xf32>
      %jit3A_109 = arith.constant 0xFF800000 : f32
      %broadcast_in_dim3A_110 = vector.broadcast %jit3A_109 : f32 to vector<256x2048xf32>
      %select_n3A_111 = arith.select %and3A_104, %get3A_4, %broadcast_in_dim3A_110 : vector<256x2048xi1>, vector<256x2048xf32>
      %reduce_max3A = vector.shape_cast %select_n3A_111 : vector<256x2048xf32> to vector<1x256x2048xf32>
      %reduce_max3A_112 = arith.constant dense<0xFF800000> : vector<1xf32>
      %reduce_max3A_113 = vector.multi_reduction <maximumf>, %reduce_max3A, %reduce_max3A_112 [1, 2] : vector<1x256x2048xf32> to vector<1xf32>
      %reduce_max3A_114 = vector.shape_cast %reduce_max3A_113 : vector<1xf32> to vector<1x1x1xf32>
      %reduce_max3A_115 = vector.extract %reduce_max3A_114[0, 0, 0] : f32 from vector<1x1x1xf32>
      %get3A_116 = arith.constant 0 : index
      %get3A_117 = arith.constant 0 : index
      %get3A_118 = vector.load %arg6[%get3A_116, %get3A_117] : memref<8x128xf32, #tpu.memory_space<vmem>>, vector<1x128xf32>
      %eq3A_119 = arith.constant 3 : i32
      %eq3A_120 = vector.broadcast %eq3A_119 : i32 to vector<1x128xi32>
      %eq3A_121 = arith.cmpi eq, %iota3A, %eq3A_120 : vector<1x128xi32>
      %min3A = vector.broadcast %reduce_min3A_108 : f32 to vector<1x128xf32>
      %min3A_122 = arith.minimumf %get3A_118, %min3A : vector<1x128xf32>
      %select_n3A_123 = arith.select %eq3A_121, %min3A_122, %get3A_118 : vector<1x128xi1>, vector<1x128xf32>
      %swap3A = arith.constant 0 : index
      %swap3A_124 = arith.constant 0 : index
      %swap3A_125 = vector.load %arg6[%swap3A, %swap3A_124] : memref<8x128xf32, #tpu.memory_space<vmem>>, vector<1x128xf32>
      tpu.vector_store %arg6[%swap3A, %swap3A_124], %select_n3A_123 {strides = array<i32>} : memref<8x128xf32, #tpu.memory_space<vmem>>, vector<1x128xf32>,
      %get3A_126 = arith.constant 1 : index
      %get3A_127 = arith.constant 0 : index
      %get3A_128 = vector.load %arg6[%get3A_126, %get3A_127] : memref<8x128xf32, #tpu.memory_space<vmem>>, vector<1x128xf32>
      %eq3A_129 = arith.constant 3 : i32
      %eq3A_130 = vector.broadcast %eq3A_129 : i32 to vector<1x128xi32>
      %eq3A_131 = arith.cmpi eq, %iota3A, %eq3A_130 : vector<1x128xi32>
      %max3A = vector.broadcast %reduce_max3A_115 : f32 to vector<1x128xf32>
      %max3A_132 = arith.maximumf %get3A_128, %max3A : vector<1x128xf32>
      %select_n3A_133 = arith.select %eq3A_131, %max3A_132, %get3A_128 : vector<1x128xi1>, vector<1x128xf32>
      %swap3A_134 = arith.constant 1 : index
      %swap3A_135 = arith.constant 0 : index
      %swap3A_136 = vector.load %arg6[%swap3A_134, %swap3A_135] : memref<8x128xf32, #tpu.memory_space<vmem>>, vector<1x128xf32>
      tpu.vector_store %arg6[%swap3A_134, %swap3A_135], %select_n3A_133 {strides = array<i32>} : memref<8x128xf32, #tpu.memory_space<vmem>>, vector<1x128xf32>,
    } else {
    }
    %le3A_48 = arith.constant 4 : i32
    %le3A_49 = arith.cmpi sle, %get3A_13, %le3A_48 : i32
    %ge3A_50 = arith.constant 4 : i32
    %ge3A_51 = arith.cmpi sge, %get3A_16, %ge3A_50 : i32
    %and3A_52 = arith.andi %le3A_49, %ge3A_51 : i1
    %convert_element_type3A_53 = arith.extui %and3A_52 : i1 to i32
    %cond3A_54 = arith.constant 0 : i32
    %cond3A_55 = arith.cmpi ne, %convert_element_type3A_53, %cond3A_54 : i32
    scf.if %cond3A_55 {
      %eq3A_96 = arith.constant 4 : i32
      %eq3A_97 = vector.broadcast %eq3A_96 : i32 to vector<256x1xi32>
      %eq3A_98 = arith.cmpi eq, %get3A_10, %eq3A_97 : vector<256x1xi32>
      %eq3A_99 = arith.constant 4 : i32
      %eq3A_100 = vector.broadcast %eq3A_99 : i32 to vector<1x2048xi32>
      %eq3A_101 = arith.cmpi eq, %get3A_7, %eq3A_100 : vector<1x2048xi32>
      %and3A_102 = vector.broadcast %eq3A_98 : vector<256x1xi1> to vector<256x2048xi1>
      %and3A_103 = vector.broadcast %eq3A_101 : vector<1x2048xi1> to vector<256x2048xi1>
      %and3A_104 = arith.andi %and3A_102, %and3A_103 : vector<256x2048xi1>
      %jit3A = arith.constant 0x7F800000 : f32
      %broadcast_in_dim3A = vector.broadcast %jit3A : f32 to vector<256x2048xf32>
      %select_n3A = arith.select %and3A_104, %get3A_4, %broadcast_in_dim3A : vector<256x2048xi1>, vector<256x2048xf32>
      %reduce_min3A = vector.shape_cast %select_n3A : vector<256x2048xf32> to vector<1x256x2048xf32>
      %reduce_min3A_105 = arith.constant dense<0x7F800000> : vector<1xf32>
      %reduce_min3A_106 = vector.multi_reduction <minimumf>, %reduce_min3A, %reduce_min3A_105 [1, 2] : vector<1x256x2048xf32> to vector<1xf32>
      %reduce_min3A_107 = vector.shape_cast %reduce_min3A_106 : vector<1xf32> to vector<1x1x1xf32>
      %reduce_min3A_108 = vector.extract %reduce_min3A_107[0, 0, 0] : f32 from vector<1x1x1xf32>
      %jit3A_109 = arith.constant 0xFF800000 : f32
      %broadcast_in_dim3A_110 = vector.broadcast %jit3A_109 : f32 to vector<256x2048xf32>
      %select_n3A_111 = arith.select %and3A_104, %get3A_4, %broadcast_in_dim3A_110 : vector<256x2048xi1>, vector<256x2048xf32>
      %reduce_max3A = vector.shape_cast %select_n3A_111 : vector<256x2048xf32> to vector<1x256x2048xf32>
      %reduce_max3A_112 = arith.constant dense<0xFF800000> : vector<1xf32>
      %reduce_max3A_113 = vector.multi_reduction <maximumf>, %reduce_max3A, %reduce_max3A_112 [1, 2] : vector<1x256x2048xf32> to vector<1xf32>
      %reduce_max3A_114 = vector.shape_cast %reduce_max3A_113 : vector<1xf32> to vector<1x1x1xf32>
      %reduce_max3A_115 = vector.extract %reduce_max3A_114[0, 0, 0] : f32 from vector<1x1x1xf32>
      %get3A_116 = arith.constant 0 : index
      %get3A_117 = arith.constant 0 : index
      %get3A_118 = vector.load %arg6[%get3A_116, %get3A_117] : memref<8x128xf32, #tpu.memory_space<vmem>>, vector<1x128xf32>
      %eq3A_119 = arith.constant 4 : i32
      %eq3A_120 = vector.broadcast %eq3A_119 : i32 to vector<1x128xi32>
      %eq3A_121 = arith.cmpi eq, %iota3A, %eq3A_120 : vector<1x128xi32>
      %min3A = vector.broadcast %reduce_min3A_108 : f32 to vector<1x128xf32>
      %min3A_122 = arith.minimumf %get3A_118, %min3A : vector<1x128xf32>
      %select_n3A_123 = arith.select %eq3A_121, %min3A_122, %get3A_118 : vector<1x128xi1>, vector<1x128xf32>
      %swap3A = arith.constant 0 : index
      %swap3A_124 = arith.constant 0 : index
      %swap3A_125 = vector.load %arg6[%swap3A, %swap3A_124] : memref<8x128xf32, #tpu.memory_space<vmem>>, vector<1x128xf32>
      tpu.vector_store %arg6[%swap3A, %swap3A_124], %select_n3A_123 {strides = array<i32>} : memref<8x128xf32, #tpu.memory_space<vmem>>, vector<1x128xf32>,
      %get3A_126 = arith.constant 1 : index
      %get3A_127 = arith.constant 0 : index
      %get3A_128 = vector.load %arg6[%get3A_126, %get3A_127] : memref<8x128xf32, #tpu.memory_space<vmem>>, vector<1x128xf32>
      %eq3A_129 = arith.constant 4 : i32
      %eq3A_130 = vector.broadcast %eq3A_129 : i32 to vector<1x128xi32>
      %eq3A_131 = arith.cmpi eq, %iota3A, %eq3A_130 : vector<1x128xi32>
      %max3A = vector.broadcast %reduce_max3A_115 : f32 to vector<1x128xf32>
      %max3A_132 = arith.maximumf %get3A_128, %max3A : vector<1x128xf32>
      %select_n3A_133 = arith.select %eq3A_131, %max3A_132, %get3A_128 : vector<1x128xi1>, vector<1x128xf32>
      %swap3A_134 = arith.constant 1 : index
      %swap3A_135 = arith.constant 0 : index
      %swap3A_136 = vector.load %arg6[%swap3A_134, %swap3A_135] : memref<8x128xf32, #tpu.memory_space<vmem>>, vector<1x128xf32>
      tpu.vector_store %arg6[%swap3A_134, %swap3A_135], %select_n3A_133 {strides = array<i32>} : memref<8x128xf32, #tpu.memory_space<vmem>>, vector<1x128xf32>,
    } else {
    }
    %le3A_56 = arith.constant 5 : i32
    %le3A_57 = arith.cmpi sle, %get3A_13, %le3A_56 : i32
    %ge3A_58 = arith.constant 5 : i32
    %ge3A_59 = arith.cmpi sge, %get3A_16, %ge3A_58 : i32
    %and3A_60 = arith.andi %le3A_57, %ge3A_59 : i1
    %convert_element_type3A_61 = arith.extui %and3A_60 : i1 to i32
    %cond3A_62 = arith.constant 0 : i32
    %cond3A_63 = arith.cmpi ne, %convert_element_type3A_61, %cond3A_62 : i32
    scf.if %cond3A_63 {
      %eq3A_96 = arith.constant 5 : i32
      %eq3A_97 = vector.broadcast %eq3A_96 : i32 to vector<256x1xi32>
      %eq3A_98 = arith.cmpi eq, %get3A_10, %eq3A_97 : vector<256x1xi32>
      %eq3A_99 = arith.constant 5 : i32
      %eq3A_100 = vector.broadcast %eq3A_99 : i32 to vector<1x2048xi32>
      %eq3A_101 = arith.cmpi eq, %get3A_7, %eq3A_100 : vector<1x2048xi32>
      %and3A_102 = vector.broadcast %eq3A_98 : vector<256x1xi1> to vector<256x2048xi1>
      %and3A_103 = vector.broadcast %eq3A_101 : vector<1x2048xi1> to vector<256x2048xi1>
      %and3A_104 = arith.andi %and3A_102, %and3A_103 : vector<256x2048xi1>
      %jit3A = arith.constant 0x7F800000 : f32
      %broadcast_in_dim3A = vector.broadcast %jit3A : f32 to vector<256x2048xf32>
      %select_n3A = arith.select %and3A_104, %get3A_4, %broadcast_in_dim3A : vector<256x2048xi1>, vector<256x2048xf32>
      %reduce_min3A = vector.shape_cast %select_n3A : vector<256x2048xf32> to vector<1x256x2048xf32>
      %reduce_min3A_105 = arith.constant dense<0x7F800000> : vector<1xf32>
      %reduce_min3A_106 = vector.multi_reduction <minimumf>, %reduce_min3A, %reduce_min3A_105 [1, 2] : vector<1x256x2048xf32> to vector<1xf32>
      %reduce_min3A_107 = vector.shape_cast %reduce_min3A_106 : vector<1xf32> to vector<1x1x1xf32>
      %reduce_min3A_108 = vector.extract %reduce_min3A_107[0, 0, 0] : f32 from vector<1x1x1xf32>
      %jit3A_109 = arith.constant 0xFF800000 : f32
      %broadcast_in_dim3A_110 = vector.broadcast %jit3A_109 : f32 to vector<256x2048xf32>
      %select_n3A_111 = arith.select %and3A_104, %get3A_4, %broadcast_in_dim3A_110 : vector<256x2048xi1>, vector<256x2048xf32>
      %reduce_max3A = vector.shape_cast %select_n3A_111 : vector<256x2048xf32> to vector<1x256x2048xf32>
      %reduce_max3A_112 = arith.constant dense<0xFF800000> : vector<1xf32>
      %reduce_max3A_113 = vector.multi_reduction <maximumf>, %reduce_max3A, %reduce_max3A_112 [1, 2] : vector<1x256x2048xf32> to vector<1xf32>
      %reduce_max3A_114 = vector.shape_cast %reduce_max3A_113 : vector<1xf32> to vector<1x1x1xf32>
      %reduce_max3A_115 = vector.extract %reduce_max3A_114[0, 0, 0] : f32 from vector<1x1x1xf32>
      %get3A_116 = arith.constant 0 : index
      %get3A_117 = arith.constant 0 : index
      %get3A_118 = vector.load %arg6[%get3A_116, %get3A_117] : memref<8x128xf32, #tpu.memory_space<vmem>>, vector<1x128xf32>
      %eq3A_119 = arith.constant 5 : i32
      %eq3A_120 = vector.broadcast %eq3A_119 : i32 to vector<1x128xi32>
      %eq3A_121 = arith.cmpi eq, %iota3A, %eq3A_120 : vector<1x128xi32>
      %min3A = vector.broadcast %reduce_min3A_108 : f32 to vector<1x128xf32>
      %min3A_122 = arith.minimumf %get3A_118, %min3A : vector<1x128xf32>
      %select_n3A_123 = arith.select %eq3A_121, %min3A_122, %get3A_118 : vector<1x128xi1>, vector<1x128xf32>
      %swap3A = arith.constant 0 : index
      %swap3A_124 = arith.constant 0 : index
      %swap3A_125 = vector.load %arg6[%swap3A, %swap3A_124] : memref<8x128xf32, #tpu.memory_space<vmem>>, vector<1x128xf32>
      tpu.vector_store %arg6[%swap3A, %swap3A_124], %select_n3A_123 {strides = array<i32>} : memref<8x128xf32, #tpu.memory_space<vmem>>, vector<1x128xf32>,
      %get3A_126 = arith.constant 1 : index
      %get3A_127 = arith.constant 0 : index
      %get3A_128 = vector.load %arg6[%get3A_126, %get3A_127] : memref<8x128xf32, #tpu.memory_space<vmem>>, vector<1x128xf32>
      %eq3A_129 = arith.constant 5 : i32
      %eq3A_130 = vector.broadcast %eq3A_129 : i32 to vector<1x128xi32>
      %eq3A_131 = arith.cmpi eq, %iota3A, %eq3A_130 : vector<1x128xi32>
      %max3A = vector.broadcast %reduce_max3A_115 : f32 to vector<1x128xf32>
      %max3A_132 = arith.maximumf %get3A_128, %max3A : vector<1x128xf32>
      %select_n3A_133 = arith.select %eq3A_131, %max3A_132, %get3A_128 : vector<1x128xi1>, vector<1x128xf32>
      %swap3A_134 = arith.constant 1 : index
      %swap3A_135 = arith.constant 0 : index
      %swap3A_136 = vector.load %arg6[%swap3A_134, %swap3A_135] : memref<8x128xf32, #tpu.memory_space<vmem>>, vector<1x128xf32>
      tpu.vector_store %arg6[%swap3A_134, %swap3A_135], %select_n3A_133 {strides = array<i32>} : memref<8x128xf32, #tpu.memory_space<vmem>>, vector<1x128xf32>,
    } else {
    }
    %le3A_64 = arith.constant 6 : i32
    %le3A_65 = arith.cmpi sle, %get3A_13, %le3A_64 : i32
    %ge3A_66 = arith.constant 6 : i32
    %ge3A_67 = arith.cmpi sge, %get3A_16, %ge3A_66 : i32
    %and3A_68 = arith.andi %le3A_65, %ge3A_67 : i1
    %convert_element_type3A_69 = arith.extui %and3A_68 : i1 to i32
    %cond3A_70 = arith.constant 0 : i32
    %cond3A_71 = arith.cmpi ne, %convert_element_type3A_69, %cond3A_70 : i32
    scf.if %cond3A_71 {
      %eq3A_96 = arith.constant 6 : i32
      %eq3A_97 = vector.broadcast %eq3A_96 : i32 to vector<256x1xi32>
      %eq3A_98 = arith.cmpi eq, %get3A_10, %eq3A_97 : vector<256x1xi32>
      %eq3A_99 = arith.constant 6 : i32
      %eq3A_100 = vector.broadcast %eq3A_99 : i32 to vector<1x2048xi32>
      %eq3A_101 = arith.cmpi eq, %get3A_7, %eq3A_100 : vector<1x2048xi32>
      %and3A_102 = vector.broadcast %eq3A_98 : vector<256x1xi1> to vector<256x2048xi1>
      %and3A_103 = vector.broadcast %eq3A_101 : vector<1x2048xi1> to vector<256x2048xi1>
      %and3A_104 = arith.andi %and3A_102, %and3A_103 : vector<256x2048xi1>
      %jit3A = arith.constant 0x7F800000 : f32
      %broadcast_in_dim3A = vector.broadcast %jit3A : f32 to vector<256x2048xf32>
      %select_n3A = arith.select %and3A_104, %get3A_4, %broadcast_in_dim3A : vector<256x2048xi1>, vector<256x2048xf32>
      %reduce_min3A = vector.shape_cast %select_n3A : vector<256x2048xf32> to vector<1x256x2048xf32>
      %reduce_min3A_105 = arith.constant dense<0x7F800000> : vector<1xf32>
      %reduce_min3A_106 = vector.multi_reduction <minimumf>, %reduce_min3A, %reduce_min3A_105 [1, 2] : vector<1x256x2048xf32> to vector<1xf32>
      %reduce_min3A_107 = vector.shape_cast %reduce_min3A_106 : vector<1xf32> to vector<1x1x1xf32>
      %reduce_min3A_108 = vector.extract %reduce_min3A_107[0, 0, 0] : f32 from vector<1x1x1xf32>
      %jit3A_109 = arith.constant 0xFF800000 : f32
      %broadcast_in_dim3A_110 = vector.broadcast %jit3A_109 : f32 to vector<256x2048xf32>
      %select_n3A_111 = arith.select %and3A_104, %get3A_4, %broadcast_in_dim3A_110 : vector<256x2048xi1>, vector<256x2048xf32>
      %reduce_max3A = vector.shape_cast %select_n3A_111 : vector<256x2048xf32> to vector<1x256x2048xf32>
      %reduce_max3A_112 = arith.constant dense<0xFF800000> : vector<1xf32>
      %reduce_max3A_113 = vector.multi_reduction <maximumf>, %reduce_max3A, %reduce_max3A_112 [1, 2] : vector<1x256x2048xf32> to vector<1xf32>
      %reduce_max3A_114 = vector.shape_cast %reduce_max3A_113 : vector<1xf32> to vector<1x1x1xf32>
      %reduce_max3A_115 = vector.extract %reduce_max3A_114[0, 0, 0] : f32 from vector<1x1x1xf32>
      %get3A_116 = arith.constant 0 : index
      %get3A_117 = arith.constant 0 : index
      %get3A_118 = vector.load %arg6[%get3A_116, %get3A_117] : memref<8x128xf32, #tpu.memory_space<vmem>>, vector<1x128xf32>
      %eq3A_119 = arith.constant 6 : i32
      %eq3A_120 = vector.broadcast %eq3A_119 : i32 to vector<1x128xi32>
      %eq3A_121 = arith.cmpi eq, %iota3A, %eq3A_120 : vector<1x128xi32>
      %min3A = vector.broadcast %reduce_min3A_108 : f32 to vector<1x128xf32>
      %min3A_122 = arith.minimumf %get3A_118, %min3A : vector<1x128xf32>
      %select_n3A_123 = arith.select %eq3A_121, %min3A_122, %get3A_118 : vector<1x128xi1>, vector<1x128xf32>
      %swap3A = arith.constant 0 : index
      %swap3A_124 = arith.constant 0 : index
      %swap3A_125 = vector.load %arg6[%swap3A, %swap3A_124] : memref<8x128xf32, #tpu.memory_space<vmem>>, vector<1x128xf32>
      tpu.vector_store %arg6[%swap3A, %swap3A_124], %select_n3A_123 {strides = array<i32>} : memref<8x128xf32, #tpu.memory_space<vmem>>, vector<1x128xf32>,
      %get3A_126 = arith.constant 1 : index
      %get3A_127 = arith.constant 0 : index
      %get3A_128 = vector.load %arg6[%get3A_126, %get3A_127] : memref<8x128xf32, #tpu.memory_space<vmem>>, vector<1x128xf32>
      %eq3A_129 = arith.constant 6 : i32
      %eq3A_130 = vector.broadcast %eq3A_129 : i32 to vector<1x128xi32>
      %eq3A_131 = arith.cmpi eq, %iota3A, %eq3A_130 : vector<1x128xi32>
      %max3A = vector.broadcast %reduce_max3A_115 : f32 to vector<1x128xf32>
      %max3A_132 = arith.maximumf %get3A_128, %max3A : vector<1x128xf32>
      %select_n3A_133 = arith.select %eq3A_131, %max3A_132, %get3A_128 : vector<1x128xi1>, vector<1x128xf32>
      %swap3A_134 = arith.constant 1 : index
      %swap3A_135 = arith.constant 0 : index
      %swap3A_136 = vector.load %arg6[%swap3A_134, %swap3A_135] : memref<8x128xf32, #tpu.memory_space<vmem>>, vector<1x128xf32>
      tpu.vector_store %arg6[%swap3A_134, %swap3A_135], %select_n3A_133 {strides = array<i32>} : memref<8x128xf32, #tpu.memory_space<vmem>>, vector<1x128xf32>,
    } else {
    }
    %le3A_72 = arith.constant 7 : i32
    %le3A_73 = arith.cmpi sle, %get3A_13, %le3A_72 : i32
    %ge3A_74 = arith.constant 7 : i32
    %ge3A_75 = arith.cmpi sge, %get3A_16, %ge3A_74 : i32
    %and3A_76 = arith.andi %le3A_73, %ge3A_75 : i1
    %convert_element_type3A_77 = arith.extui %and3A_76 : i1 to i32
    %cond3A_78 = arith.constant 0 : i32
    %cond3A_79 = arith.cmpi ne, %convert_element_type3A_77, %cond3A_78 : i32
    scf.if %cond3A_79 {
      %eq3A_96 = arith.constant 7 : i32
      %eq3A_97 = vector.broadcast %eq3A_96 : i32 to vector<256x1xi32>
      %eq3A_98 = arith.cmpi eq, %get3A_10, %eq3A_97 : vector<256x1xi32>
      %eq3A_99 = arith.constant 7 : i32
      %eq3A_100 = vector.broadcast %eq3A_99 : i32 to vector<1x2048xi32>
      %eq3A_101 = arith.cmpi eq, %get3A_7, %eq3A_100 : vector<1x2048xi32>
      %and3A_102 = vector.broadcast %eq3A_98 : vector<256x1xi1> to vector<256x2048xi1>
      %and3A_103 = vector.broadcast %eq3A_101 : vector<1x2048xi1> to vector<256x2048xi1>
      %and3A_104 = arith.andi %and3A_102, %and3A_103 : vector<256x2048xi1>
      %jit3A = arith.constant 0x7F800000 : f32
      %broadcast_in_dim3A = vector.broadcast %jit3A : f32 to vector<256x2048xf32>
      %select_n3A = arith.select %and3A_104, %get3A_4, %broadcast_in_dim3A : vector<256x2048xi1>, vector<256x2048xf32>
      %reduce_min3A = vector.shape_cast %select_n3A : vector<256x2048xf32> to vector<1x256x2048xf32>
      %reduce_min3A_105 = arith.constant dense<0x7F800000> : vector<1xf32>
      %reduce_min3A_106 = vector.multi_reduction <minimumf>, %reduce_min3A, %reduce_min3A_105 [1, 2] : vector<1x256x2048xf32> to vector<1xf32>
      %reduce_min3A_107 = vector.shape_cast %reduce_min3A_106 : vector<1xf32> to vector<1x1x1xf32>
      %reduce_min3A_108 = vector.extract %reduce_min3A_107[0, 0, 0] : f32 from vector<1x1x1xf32>
      %jit3A_109 = arith.constant 0xFF800000 : f32
      %broadcast_in_dim3A_110 = vector.broadcast %jit3A_109 : f32 to vector<256x2048xf32>
      %select_n3A_111 = arith.select %and3A_104, %get3A_4, %broadcast_in_dim3A_110 : vector<256x2048xi1>, vector<256x2048xf32>
      %reduce_max3A = vector.shape_cast %select_n3A_111 : vector<256x2048xf32> to vector<1x256x2048xf32>
      %reduce_max3A_112 = arith.constant dense<0xFF800000> : vector<1xf32>
      %reduce_max3A_113 = vector.multi_reduction <maximumf>, %reduce_max3A, %reduce_max3A_112 [1, 2] : vector<1x256x2048xf32> to vector<1xf32>
      %reduce_max3A_114 = vector.shape_cast %reduce_max3A_113 : vector<1xf32> to vector<1x1x1xf32>
      %reduce_max3A_115 = vector.extract %reduce_max3A_114[0, 0, 0] : f32 from vector<1x1x1xf32>
      %get3A_116 = arith.constant 0 : index
      %get3A_117 = arith.constant 0 : index
      %get3A_118 = vector.load %arg6[%get3A_116, %get3A_117] : memref<8x128xf32, #tpu.memory_space<vmem>>, vector<1x128xf32>
      %eq3A_119 = arith.constant 7 : i32
      %eq3A_120 = vector.broadcast %eq3A_119 : i32 to vector<1x128xi32>
      %eq3A_121 = arith.cmpi eq, %iota3A, %eq3A_120 : vector<1x128xi32>
      %min3A = vector.broadcast %reduce_min3A_108 : f32 to vector<1x128xf32>
      %min3A_122 = arith.minimumf %get3A_118, %min3A : vector<1x128xf32>
      %select_n3A_123 = arith.select %eq3A_121, %min3A_122, %get3A_118 : vector<1x128xi1>, vector<1x128xf32>
      %swap3A = arith.constant 0 : index
      %swap3A_124 = arith.constant 0 : index
      %swap3A_125 = vector.load %arg6[%swap3A, %swap3A_124] : memref<8x128xf32, #tpu.memory_space<vmem>>, vector<1x128xf32>
      tpu.vector_store %arg6[%swap3A, %swap3A_124], %select_n3A_123 {strides = array<i32>} : memref<8x128xf32, #tpu.memory_space<vmem>>, vector<1x128xf32>,
      %get3A_126 = arith.constant 1 : index
      %get3A_127 = arith.constant 0 : index
      %get3A_128 = vector.load %arg6[%get3A_126, %get3A_127] : memref<8x128xf32, #tpu.memory_space<vmem>>, vector<1x128xf32>
      %eq3A_129 = arith.constant 7 : i32
      %eq3A_130 = vector.broadcast %eq3A_129 : i32 to vector<1x128xi32>
      %eq3A_131 = arith.cmpi eq, %iota3A, %eq3A_130 : vector<1x128xi32>
      %max3A = vector.broadcast %reduce_max3A_115 : f32 to vector<1x128xf32>
      %max3A_132 = arith.maximumf %get3A_128, %max3A : vector<1x128xf32>
      %select_n3A_133 = arith.select %eq3A_131, %max3A_132, %get3A_128 : vector<1x128xi1>, vector<1x128xf32>
      %swap3A_134 = arith.constant 1 : index
      %swap3A_135 = arith.constant 0 : index
      %swap3A_136 = vector.load %arg6[%swap3A_134, %swap3A_135] : memref<8x128xf32, #tpu.memory_space<vmem>>, vector<1x128xf32>
      tpu.vector_store %arg6[%swap3A_134, %swap3A_135], %select_n3A_133 {strides = array<i32>} : memref<8x128xf32, #tpu.memory_space<vmem>>, vector<1x128xf32>,
    } else {
    }
    %le3A_80 = arith.constant 8 : i32
    %le3A_81 = arith.cmpi sle, %get3A_13, %le3A_80 : i32
    %ge3A_82 = arith.constant 8 : i32
    %ge3A_83 = arith.cmpi sge, %get3A_16, %ge3A_82 : i32
    %and3A_84 = arith.andi %le3A_81, %ge3A_83 : i1
    %convert_element_type3A_85 = arith.extui %and3A_84 : i1 to i32
    %cond3A_86 = arith.constant 0 : i32
    %cond3A_87 = arith.cmpi ne, %convert_element_type3A_85, %cond3A_86 : i32
    scf.if %cond3A_87 {
      %eq3A_96 = arith.constant 8 : i32
      %eq3A_97 = vector.broadcast %eq3A_96 : i32 to vector<256x1xi32>
      %eq3A_98 = arith.cmpi eq, %get3A_10, %eq3A_97 : vector<256x1xi32>
      %eq3A_99 = arith.constant 8 : i32
      %eq3A_100 = vector.broadcast %eq3A_99 : i32 to vector<1x2048xi32>
      %eq3A_101 = arith.cmpi eq, %get3A_7, %eq3A_100 : vector<1x2048xi32>
      %and3A_102 = vector.broadcast %eq3A_98 : vector<256x1xi1> to vector<256x2048xi1>
      %and3A_103 = vector.broadcast %eq3A_101 : vector<1x2048xi1> to vector<256x2048xi1>
      %and3A_104 = arith.andi %and3A_102, %and3A_103 : vector<256x2048xi1>
      %jit3A = arith.constant 0x7F800000 : f32
      %broadcast_in_dim3A = vector.broadcast %jit3A : f32 to vector<256x2048xf32>
      %select_n3A = arith.select %and3A_104, %get3A_4, %broadcast_in_dim3A : vector<256x2048xi1>, vector<256x2048xf32>
      %reduce_min3A = vector.shape_cast %select_n3A : vector<256x2048xf32> to vector<1x256x2048xf32>
      %reduce_min3A_105 = arith.constant dense<0x7F800000> : vector<1xf32>
      %reduce_min3A_106 = vector.multi_reduction <minimumf>, %reduce_min3A, %reduce_min3A_105 [1, 2] : vector<1x256x2048xf32> to vector<1xf32>
      %reduce_min3A_107 = vector.shape_cast %reduce_min3A_106 : vector<1xf32> to vector<1x1x1xf32>
      %reduce_min3A_108 = vector.extract %reduce_min3A_107[0, 0, 0] : f32 from vector<1x1x1xf32>
      %jit3A_109 = arith.constant 0xFF800000 : f32
      %broadcast_in_dim3A_110 = vector.broadcast %jit3A_109 : f32 to vector<256x2048xf32>
      %select_n3A_111 = arith.select %and3A_104, %get3A_4, %broadcast_in_dim3A_110 : vector<256x2048xi1>, vector<256x2048xf32>
      %reduce_max3A = vector.shape_cast %select_n3A_111 : vector<256x2048xf32> to vector<1x256x2048xf32>
      %reduce_max3A_112 = arith.constant dense<0xFF800000> : vector<1xf32>
      %reduce_max3A_113 = vector.multi_reduction <maximumf>, %reduce_max3A, %reduce_max3A_112 [1, 2] : vector<1x256x2048xf32> to vector<1xf32>
      %reduce_max3A_114 = vector.shape_cast %reduce_max3A_113 : vector<1xf32> to vector<1x1x1xf32>
      %reduce_max3A_115 = vector.extract %reduce_max3A_114[0, 0, 0] : f32 from vector<1x1x1xf32>
      %get3A_116 = arith.constant 0 : index
      %get3A_117 = arith.constant 0 : index
      %get3A_118 = vector.load %arg6[%get3A_116, %get3A_117] : memref<8x128xf32, #tpu.memory_space<vmem>>, vector<1x128xf32>
      %eq3A_119 = arith.constant 8 : i32
      %eq3A_120 = vector.broadcast %eq3A_119 : i32 to vector<1x128xi32>
      %eq3A_121 = arith.cmpi eq, %iota3A, %eq3A_120 : vector<1x128xi32>
      %min3A = vector.broadcast %reduce_min3A_108 : f32 to vector<1x128xf32>
      %min3A_122 = arith.minimumf %get3A_118, %min3A : vector<1x128xf32>
      %select_n3A_123 = arith.select %eq3A_121, %min3A_122, %get3A_118 : vector<1x128xi1>, vector<1x128xf32>
      %swap3A = arith.constant 0 : index
      %swap3A_124 = arith.constant 0 : index
      %swap3A_125 = vector.load %arg6[%swap3A, %swap3A_124] : memref<8x128xf32, #tpu.memory_space<vmem>>, vector<1x128xf32>
      tpu.vector_store %arg6[%swap3A, %swap3A_124], %select_n3A_123 {strides = array<i32>} : memref<8x128xf32, #tpu.memory_space<vmem>>, vector<1x128xf32>,
      %get3A_126 = arith.constant 1 : index
      %get3A_127 = arith.constant 0 : index
      %get3A_128 = vector.load %arg6[%get3A_126, %get3A_127] : memref<8x128xf32, #tpu.memory_space<vmem>>, vector<1x128xf32>
      %eq3A_129 = arith.constant 8 : i32
      %eq3A_130 = vector.broadcast %eq3A_129 : i32 to vector<1x128xi32>
      %eq3A_131 = arith.cmpi eq, %iota3A, %eq3A_130 : vector<1x128xi32>
      %max3A = vector.broadcast %reduce_max3A_115 : f32 to vector<1x128xf32>
      %max3A_132 = arith.maximumf %get3A_128, %max3A : vector<1x128xf32>
      %select_n3A_133 = arith.select %eq3A_131, %max3A_132, %get3A_128 : vector<1x128xi1>, vector<1x128xf32>
      %swap3A_134 = arith.constant 1 : index
      %swap3A_135 = arith.constant 0 : index
      %swap3A_136 = vector.load %arg6[%swap3A_134, %swap3A_135] : memref<8x128xf32, #tpu.memory_space<vmem>>, vector<1x128xf32>
      tpu.vector_store %arg6[%swap3A_134, %swap3A_135], %select_n3A_133 {strides = array<i32>} : memref<8x128xf32, #tpu.memory_space<vmem>>, vector<1x128xf32>,
    } else {
    }
    %le3A_88 = arith.constant 9 : i32
    %le3A_89 = arith.cmpi sle, %get3A_13, %le3A_88 : i32
    %ge3A_90 = arith.constant 9 : i32
    %ge3A_91 = arith.cmpi sge, %get3A_16, %ge3A_90 : i32
    %and3A_92 = arith.andi %le3A_89, %ge3A_91 : i1
    %convert_element_type3A_93 = arith.extui %and3A_92 : i1 to i32
    %cond3A_94 = arith.constant 0 : i32
    %cond3A_95 = arith.cmpi ne, %convert_element_type3A_93, %cond3A_94 : i32
    scf.if %cond3A_95 {
      %eq3A_96 = arith.constant 9 : i32
      %eq3A_97 = vector.broadcast %eq3A_96 : i32 to vector<256x1xi32>
      %eq3A_98 = arith.cmpi eq, %get3A_10, %eq3A_97 : vector<256x1xi32>
      %eq3A_99 = arith.constant 9 : i32
      %eq3A_100 = vector.broadcast %eq3A_99 : i32 to vector<1x2048xi32>
      %eq3A_101 = arith.cmpi eq, %get3A_7, %eq3A_100 : vector<1x2048xi32>
      %and3A_102 = vector.broadcast %eq3A_98 : vector<256x1xi1> to vector<256x2048xi1>
      %and3A_103 = vector.broadcast %eq3A_101 : vector<1x2048xi1> to vector<256x2048xi1>
      %and3A_104 = arith.andi %and3A_102, %and3A_103 : vector<256x2048xi1>
      %jit3A = arith.constant 0x7F800000 : f32
      %broadcast_in_dim3A = vector.broadcast %jit3A : f32 to vector<256x2048xf32>
      %select_n3A = arith.select %and3A_104, %get3A_4, %broadcast_in_dim3A : vector<256x2048xi1>, vector<256x2048xf32>
      %reduce_min3A = vector.shape_cast %select_n3A : vector<256x2048xf32> to vector<1x256x2048xf32>
      %reduce_min3A_105 = arith.constant dense<0x7F800000> : vector<1xf32>
      %reduce_min3A_106 = vector.multi_reduction <minimumf>, %reduce_min3A, %reduce_min3A_105 [1, 2] : vector<1x256x2048xf32> to vector<1xf32>
      %reduce_min3A_107 = vector.shape_cast %reduce_min3A_106 : vector<1xf32> to vector<1x1x1xf32>
      %reduce_min3A_108 = vector.extract %reduce_min3A_107[0, 0, 0] : f32 from vector<1x1x1xf32>
      %jit3A_109 = arith.constant 0xFF800000 : f32
      %broadcast_in_dim3A_110 = vector.broadcast %jit3A_109 : f32 to vector<256x2048xf32>
      %select_n3A_111 = arith.select %and3A_104, %get3A_4, %broadcast_in_dim3A_110 : vector<256x2048xi1>, vector<256x2048xf32>
      %reduce_max3A = vector.shape_cast %select_n3A_111 : vector<256x2048xf32> to vector<1x256x2048xf32>
      %reduce_max3A_112 = arith.constant dense<0xFF800000> : vector<1xf32>
      %reduce_max3A_113 = vector.multi_reduction <maximumf>, %reduce_max3A, %reduce_max3A_112 [1, 2] : vector<1x256x2048xf32> to vector<1xf32>
      %reduce_max3A_114 = vector.shape_cast %reduce_max3A_113 : vector<1xf32> to vector<1x1x1xf32>
      %reduce_max3A_115 = vector.extract %reduce_max3A_114[0, 0, 0] : f32 from vector<1x1x1xf32>
      %get3A_116 = arith.constant 0 : index
      %get3A_117 = arith.constant 0 : index
      %get3A_118 = vector.load %arg6[%get3A_116, %get3A_117] : memref<8x128xf32, #tpu.memory_space<vmem>>, vector<1x128xf32>
      %eq3A_119 = arith.constant 9 : i32
      %eq3A_120 = vector.broadcast %eq3A_119 : i32 to vector<1x128xi32>
      %eq3A_121 = arith.cmpi eq, %iota3A, %eq3A_120 : vector<1x128xi32>
      %min3A = vector.broadcast %reduce_min3A_108 : f32 to vector<1x128xf32>
      %min3A_122 = arith.minimumf %get3A_118, %min3A : vector<1x128xf32>
      %select_n3A_123 = arith.select %eq3A_121, %min3A_122, %get3A_118 : vector<1x128xi1>, vector<1x128xf32>
      %swap3A = arith.constant 0 : index
      %swap3A_124 = arith.constant 0 : index
      %swap3A_125 = vector.load %arg6[%swap3A, %swap3A_124] : memref<8x128xf32, #tpu.memory_space<vmem>>, vector<1x128xf32>
      tpu.vector_store %arg6[%swap3A, %swap3A_124], %select_n3A_123 {strides = array<i32>} : memref<8x128xf32, #tpu.memory_space<vmem>>, vector<1x128xf32>,
      %get3A_126 = arith.constant 1 : index
      %get3A_127 = arith.constant 0 : index
      %get3A_128 = vector.load %arg6[%get3A_126, %get3A_127] : memref<8x128xf32, #tpu.memory_space<vmem>>, vector<1x128xf32>
      %eq3A_129 = arith.constant 9 : i32
      %eq3A_130 = vector.broadcast %eq3A_129 : i32 to vector<1x128xi32>
      %eq3A_131 = arith.cmpi eq, %iota3A, %eq3A_130 : vector<1x128xi32>
      %max3A = vector.broadcast %reduce_max3A_115 : f32 to vector<1x128xf32>
      %max3A_132 = arith.maximumf %get3A_128, %max3A : vector<1x128xf32>
      %select_n3A_133 = arith.select %eq3A_131, %max3A_132, %get3A_128 : vector<1x128xi1>, vector<1x128xf32>
      %swap3A_134 = arith.constant 1 : index
      %swap3A_135 = arith.constant 0 : index
      %swap3A_136 = vector.load %arg6[%swap3A_134, %swap3A_135] : memref<8x128xf32, #tpu.memory_space<vmem>>, vector<1x128xf32>
      tpu.vector_store %arg6[%swap3A_134, %swap3A_135], %select_n3A_133 {strides = array<i32>} : memref<8x128xf32, #tpu.memory_space<vmem>>, vector<1x128xf32>,
    } else {
    }
    return
  }
  func.func @transform_0(%arg0: i32) -> (i32, i32) {
    %c0_i32 = arith.constant 0 : i32
    %c0_i32_0 = arith.constant 0 : i32
    %c0_i32_1 = arith.constant 0 : i32
    return %c0_i32, %c0_i32_0 : i32, i32
  }
  func.func @transform_1(%arg0: i32) -> (i32, i32) {
    %c0_i32 = arith.constant 0 : i32
    %c0_i32_0 = arith.constant 0 : i32
    %c0_i32_1 = arith.constant 0 : i32
    return %c0_i32, %c0_i32_0 : i32, i32
  }
  func.func @transform_2(%arg0: i32) -> (i32, i32) {
    %c0_i32 = arith.constant 0 : i32
    %c0_i32_0 = arith.constant 0 : i32
    return %arg0, %c0_i32 : i32, i32
  }
  func.func @transform_3(%arg0: i32) -> (i32, i32) {
    %c0_i32 = arith.constant 0 : i32
    %c0_i32_0 = arith.constant 0 : i32
    %c0_i32_1 = arith.constant 0 : i32
    return %c0_i32, %c0_i32_0 : i32, i32
  }
  func.func @transform_4(%arg0: i32) -> (i32, i32) {
    %c0_i32 = arith.constant 0 : i32
    %c0_i32_0 = arith.constant 0 : i32
    return %arg0, %c0_i32 : i32, i32
  }
  func.func @transform_5(%arg0: i32) -> (i32, i32) {
    %c0_i32 = arith.constant 0 : i32
    %c0_i32_0 = arith.constant 0 : i32
    %c0_i32_1 = arith.constant 0 : i32
    return %c0_i32, %c0_i32_0 : i32, i32
  }
}

module attributes {stable_mosaic.version = 14 : i64} {
  func.func @_stats_body(%arg0: i32, %arg1: memref<2x8xi32, #tpu.memory_space<smem>>, %arg2: memref<1x8xi32, #tpu.memory_space<smem>>, %arg3: memref<256x2048xf32, #tpu.memory_space<vmem>>, %arg4: memref<1x2048xi32, #tpu.memory_space<vmem>>, %arg5: memref<256x1xi32, #tpu.memory_space<vmem>>, %arg6: memref<8x128xf32, #tpu.memory_space<vmem>>) attributes {dimension_semantics = [#tpu.dimension_semantics<arbitrary>], iteration_bounds = array<i64: 8>, scalar_prefetch = 0 : i64, scratch_operands = 0 : i64, tpu.core_type = #tpu.core_type<tc>, window_params = [{transform_indices = @transform_0, window_bounds = array<i64: 2, 8>}, {transform_indices = @transform_1, window_bounds = array<i64: 1, 8>}, {transform_indices = @transform_2, window_bounds = array<i64: 256, 2048>}, {pipeline_mode = #tpu.pipeline_mode<synchronous>, transform_indices = @transform_3, window_bounds = array<i64: 1, 2048>}, {transform_indices = @transform_4, window_bounds = array<i64: 256, 1>}, {pipeline_mode = #tpu.pipeline_mode<synchronous>, transform_indices = @transform_5, window_bounds = array<i64: 8, 128>}]} {
    %get3A = arith.constant 0 : index
    %get3A_0 = arith.index_cast %arg0 : i32 to index
    %get3A_1 = memref.load %arg2[%get3A, %get3A_0] : memref<1x8xi32, #tpu.memory_space<smem>>
    %multiple_of3A = tpu.assume_multiple %get3A_1, 128 : i32
    %get3A_2 = arith.constant 0 : index
    %get3A_3 = arith.index_cast %multiple_of3A : i32 to index
    %get3A_4 = vector.load %arg3[%get3A_2, %get3A_3] : memref<256x2048xf32, #tpu.memory_space<vmem>>, vector<256x768xf32>
    %get3A_5 = arith.constant 0 : index
    %get3A_6 = arith.index_cast %multiple_of3A : i32 to index
    %get3A_7 = vector.load %arg4[%get3A_5, %get3A_6] : memref<1x2048xi32, #tpu.memory_space<vmem>>, vector<1x768xi32>
    %get3A_8 = arith.constant 0 : index
    %get3A_9 = arith.constant 0 : index
    %get3A_10 = vector.load %arg5[%get3A_8, %get3A_9] : memref<256x1xi32, #tpu.memory_space<vmem>>, vector<256x1xi32>
    %get3A_11 = arith.constant 0 : index
    %get3A_12 = arith.index_cast %arg0 : i32 to index
    %get3A_13 = memref.load %arg1[%get3A_11, %get3A_12] : memref<2x8xi32, #tpu.memory_space<smem>>
    %get3A_14 = arith.constant 1 : index
    %get3A_15 = arith.index_cast %arg0 : i32 to index
    %get3A_16 = memref.load %arg1[%get3A_14, %get3A_15] : memref<2x8xi32, #tpu.memory_space<smem>>
    %iota3A = tpu.iota {dimensions = array<i32: 1>} : vector<1x128xi32>
    %eq3A = arith.constant 0 : i32
    %eq3A_17 = arith.cmpi eq, %arg0, %eq3A : i32
    %convert_element_type3A = arith.extui %eq3A_17 : i1 to i32
    %cond3A = arith.constant 0 : i32
    %cond3A_18 = arith.cmpi ne, %convert_element_type3A, %cond3A : i32
    scf.if %cond3A_18 {
      %iota3A_96 = tpu.iota {dimensions = array<i32: 0>} : vector<8x128xi32>
      %eq3A_97 = arith.constant 0 : i32
      %eq3A_98 = vector.broadcast %eq3A_97 : i32 to vector<8x128xi32>
      %eq3A_99 = arith.cmpi eq, %iota3A_96, %eq3A_98 : vector<8x128xi32>
      %eq3A_100 = arith.constant 1 : i32
      %eq3A_101 = vector.broadcast %eq3A_100 : i32 to vector<8x128xi32>
      %eq3A_102 = arith.cmpi eq, %iota3A_96, %eq3A_101 : vector<8x128xi32>
      %jit3A = arith.constant 0xFF800000 : f32
      %jit3A_103 = arith.constant 0.000000e+00 : f32
      %broadcast_in_dim3A = vector.broadcast %jit3A : f32 to vector<8x128xf32>
      %broadcast_in_dim3A_104 = vector.broadcast %jit3A_103 : f32 to vector<8x128xf32>
      %select_n3A = arith.select %eq3A_102, %broadcast_in_dim3A, %broadcast_in_dim3A_104 : vector<8x128xi1>, vector<8x128xf32>
      %jit3A_105 = arith.constant 0x7F800000 : f32
      %broadcast_in_dim3A_106 = vector.broadcast %jit3A_105 : f32 to vector<8x128xf32>
      %select_n3A_107 = arith.select %eq3A_99, %broadcast_in_dim3A_106, %select_n3A : vector<8x128xi1>, vector<8x128xf32>
      %swap3A = arith.constant 0 : index
      %swap3A_108 = arith.constant 0 : index
      %swap3A_109 = vector.load %arg6[%swap3A, %swap3A_108] : memref<8x128xf32, #tpu.memory_space<vmem>>, vector<8x128xf32>
      tpu.vector_store %arg6[%swap3A, %swap3A_108], %select_n3A_107 {strides = array<i32>} : memref<8x128xf32, #tpu.memory_space<vmem>>, vector<8x128xf32>,
    } else {
    }
    %le3A = arith.constant 0 : i32
    %le3A_19 = arith.cmpi sle, %get3A_13, %le3A : i32
    %ge3A = arith.constant 0 : i32
    %ge3A_20 = arith.cmpi sge, %get3A_16, %ge3A : i32
    %and3A = arith.andi %le3A_19, %ge3A_20 : i1
    %convert_element_type3A_21 = arith.extui %and3A : i1 to i32
    %cond3A_22 = arith.constant 0 : i32
    %cond3A_23 = arith.cmpi ne, %convert_element_type3A_21, %cond3A_22 : i32
    scf.if %cond3A_23 {
      %eq3A_96 = arith.constant 0 : i32
      %eq3A_97 = vector.broadcast %eq3A_96 : i32 to vector<256x1xi32>
      %eq3A_98 = arith.cmpi eq, %get3A_10, %eq3A_97 : vector<256x1xi32>
      %eq3A_99 = arith.constant 0 : i32
      %eq3A_100 = vector.broadcast %eq3A_99 : i32 to vector<1x768xi32>
      %eq3A_101 = arith.cmpi eq, %get3A_7, %eq3A_100 : vector<1x768xi32>
      %and3A_102 = vector.broadcast %eq3A_98 : vector<256x1xi1> to vector<256x768xi1>
      %and3A_103 = vector.broadcast %eq3A_101 : vector<1x768xi1> to vector<256x768xi1>
      %and3A_104 = arith.andi %and3A_102, %and3A_103 : vector<256x768xi1>
      %jit3A = arith.constant 0x7F800000 : f32
      %broadcast_in_dim3A = vector.broadcast %jit3A : f32 to vector<256x768xf32>
      %select_n3A = arith.select %and3A_104, %get3A_4, %broadcast_in_dim3A : vector<256x768xi1>, vector<256x768xf32>
      %reduce_min3A = vector.shape_cast %select_n3A : vector<256x768xf32> to vector<1x256x768xf32>
      %reduce_min3A_105 = arith.constant dense<0x7F800000> : vector<1xf32>
      %reduce_min3A_106 = vector.multi_reduction <minimumf>, %reduce_min3A, %reduce_min3A_105 [1, 2] : vector<1x256x768xf32> to vector<1xf32>
      %reduce_min3A_107 = vector.shape_cast %reduce_min3A_106 : vector<1xf32> to vector<1x1x1xf32>
      %reduce_min3A_108 = vector.extract %reduce_min3A_107[0, 0, 0] : f32 from vector<1x1x1xf32>
      %jit3A_109 = arith.constant 0xFF800000 : f32
      %broadcast_in_dim3A_110 = vector.broadcast %jit3A_109 : f32 to vector<256x768xf32>
      %select_n3A_111 = arith.select %and3A_104, %get3A_4, %broadcast_in_dim3A_110 : vector<256x768xi1>, vector<256x768xf32>
      %reduce_max3A = vector.shape_cast %select_n3A_111 : vector<256x768xf32> to vector<1x256x768xf32>
      %reduce_max3A_112 = arith.constant dense<0xFF800000> : vector<1xf32>
      %reduce_max3A_113 = vector.multi_reduction <maximumf>, %reduce_max3A, %reduce_max3A_112 [1, 2] : vector<1x256x768xf32> to vector<1xf32>
      %reduce_max3A_114 = vector.shape_cast %reduce_max3A_113 : vector<1xf32> to vector<1x1x1xf32>
      %reduce_max3A_115 = vector.extract %reduce_max3A_114[0, 0, 0] : f32 from vector<1x1x1xf32>
      %get3A_116 = arith.constant 0 : index
      %get3A_117 = arith.constant 0 : index
      %get3A_118 = vector.load %arg6[%get3A_116, %get3A_117] : memref<8x128xf32, #tpu.memory_space<vmem>>, vector<1x128xf32>
      %eq3A_119 = arith.constant 0 : i32
      %eq3A_120 = vector.broadcast %eq3A_119 : i32 to vector<1x128xi32>
      %eq3A_121 = arith.cmpi eq, %iota3A, %eq3A_120 : vector<1x128xi32>
      %min3A = vector.broadcast %reduce_min3A_108 : f32 to vector<1x128xf32>
      %min3A_122 = arith.minimumf %get3A_118, %min3A : vector<1x128xf32>
      %select_n3A_123 = arith.select %eq3A_121, %min3A_122, %get3A_118 : vector<1x128xi1>, vector<1x128xf32>
      %swap3A = arith.constant 0 : index
      %swap3A_124 = arith.constant 0 : index
      %swap3A_125 = vector.load %arg6[%swap3A, %swap3A_124] : memref<8x128xf32, #tpu.memory_space<vmem>>, vector<1x128xf32>
      tpu.vector_store %arg6[%swap3A, %swap3A_124], %select_n3A_123 {strides = array<i32>} : memref<8x128xf32, #tpu.memory_space<vmem>>, vector<1x128xf32>,
      %get3A_126 = arith.constant 1 : index
      %get3A_127 = arith.constant 0 : index
      %get3A_128 = vector.load %arg6[%get3A_126, %get3A_127] : memref<8x128xf32, #tpu.memory_space<vmem>>, vector<1x128xf32>
      %eq3A_129 = arith.constant 0 : i32
      %eq3A_130 = vector.broadcast %eq3A_129 : i32 to vector<1x128xi32>
      %eq3A_131 = arith.cmpi eq, %iota3A, %eq3A_130 : vector<1x128xi32>
      %max3A = vector.broadcast %reduce_max3A_115 : f32 to vector<1x128xf32>
      %max3A_132 = arith.maximumf %get3A_128, %max3A : vector<1x128xf32>
      %select_n3A_133 = arith.select %eq3A_131, %max3A_132, %get3A_128 : vector<1x128xi1>, vector<1x128xf32>
      %swap3A_134 = arith.constant 1 : index
      %swap3A_135 = arith.constant 0 : index
      %swap3A_136 = vector.load %arg6[%swap3A_134, %swap3A_135] : memref<8x128xf32, #tpu.memory_space<vmem>>, vector<1x128xf32>
      tpu.vector_store %arg6[%swap3A_134, %swap3A_135], %select_n3A_133 {strides = array<i32>} : memref<8x128xf32, #tpu.memory_space<vmem>>, vector<1x128xf32>,
    } else {
    }
    %le3A_24 = arith.constant 1 : i32
    %le3A_25 = arith.cmpi sle, %get3A_13, %le3A_24 : i32
    %ge3A_26 = arith.constant 1 : i32
    %ge3A_27 = arith.cmpi sge, %get3A_16, %ge3A_26 : i32
    %and3A_28 = arith.andi %le3A_25, %ge3A_27 : i1
    %convert_element_type3A_29 = arith.extui %and3A_28 : i1 to i32
    %cond3A_30 = arith.constant 0 : i32
    %cond3A_31 = arith.cmpi ne, %convert_element_type3A_29, %cond3A_30 : i32
    scf.if %cond3A_31 {
      %eq3A_96 = arith.constant 1 : i32
      %eq3A_97 = vector.broadcast %eq3A_96 : i32 to vector<256x1xi32>
      %eq3A_98 = arith.cmpi eq, %get3A_10, %eq3A_97 : vector<256x1xi32>
      %eq3A_99 = arith.constant 1 : i32
      %eq3A_100 = vector.broadcast %eq3A_99 : i32 to vector<1x768xi32>
      %eq3A_101 = arith.cmpi eq, %get3A_7, %eq3A_100 : vector<1x768xi32>
      %and3A_102 = vector.broadcast %eq3A_98 : vector<256x1xi1> to vector<256x768xi1>
      %and3A_103 = vector.broadcast %eq3A_101 : vector<1x768xi1> to vector<256x768xi1>
      %and3A_104 = arith.andi %and3A_102, %and3A_103 : vector<256x768xi1>
      %jit3A = arith.constant 0x7F800000 : f32
      %broadcast_in_dim3A = vector.broadcast %jit3A : f32 to vector<256x768xf32>
      %select_n3A = arith.select %and3A_104, %get3A_4, %broadcast_in_dim3A : vector<256x768xi1>, vector<256x768xf32>
      %reduce_min3A = vector.shape_cast %select_n3A : vector<256x768xf32> to vector<1x256x768xf32>
      %reduce_min3A_105 = arith.constant dense<0x7F800000> : vector<1xf32>
      %reduce_min3A_106 = vector.multi_reduction <minimumf>, %reduce_min3A, %reduce_min3A_105 [1, 2] : vector<1x256x768xf32> to vector<1xf32>
      %reduce_min3A_107 = vector.shape_cast %reduce_min3A_106 : vector<1xf32> to vector<1x1x1xf32>
      %reduce_min3A_108 = vector.extract %reduce_min3A_107[0, 0, 0] : f32 from vector<1x1x1xf32>
      %jit3A_109 = arith.constant 0xFF800000 : f32
      %broadcast_in_dim3A_110 = vector.broadcast %jit3A_109 : f32 to vector<256x768xf32>
      %select_n3A_111 = arith.select %and3A_104, %get3A_4, %broadcast_in_dim3A_110 : vector<256x768xi1>, vector<256x768xf32>
      %reduce_max3A = vector.shape_cast %select_n3A_111 : vector<256x768xf32> to vector<1x256x768xf32>
      %reduce_max3A_112 = arith.constant dense<0xFF800000> : vector<1xf32>
      %reduce_max3A_113 = vector.multi_reduction <maximumf>, %reduce_max3A, %reduce_max3A_112 [1, 2] : vector<1x256x768xf32> to vector<1xf32>
      %reduce_max3A_114 = vector.shape_cast %reduce_max3A_113 : vector<1xf32> to vector<1x1x1xf32>
      %reduce_max3A_115 = vector.extract %reduce_max3A_114[0, 0, 0] : f32 from vector<1x1x1xf32>
      %get3A_116 = arith.constant 0 : index
      %get3A_117 = arith.constant 0 : index
      %get3A_118 = vector.load %arg6[%get3A_116, %get3A_117] : memref<8x128xf32, #tpu.memory_space<vmem>>, vector<1x128xf32>
      %eq3A_119 = arith.constant 1 : i32
      %eq3A_120 = vector.broadcast %eq3A_119 : i32 to vector<1x128xi32>
      %eq3A_121 = arith.cmpi eq, %iota3A, %eq3A_120 : vector<1x128xi32>
      %min3A = vector.broadcast %reduce_min3A_108 : f32 to vector<1x128xf32>
      %min3A_122 = arith.minimumf %get3A_118, %min3A : vector<1x128xf32>
      %select_n3A_123 = arith.select %eq3A_121, %min3A_122, %get3A_118 : vector<1x128xi1>, vector<1x128xf32>
      %swap3A = arith.constant 0 : index
      %swap3A_124 = arith.constant 0 : index
      %swap3A_125 = vector.load %arg6[%swap3A, %swap3A_124] : memref<8x128xf32, #tpu.memory_space<vmem>>, vector<1x128xf32>
      tpu.vector_store %arg6[%swap3A, %swap3A_124], %select_n3A_123 {strides = array<i32>} : memref<8x128xf32, #tpu.memory_space<vmem>>, vector<1x128xf32>,
      %get3A_126 = arith.constant 1 : index
      %get3A_127 = arith.constant 0 : index
      %get3A_128 = vector.load %arg6[%get3A_126, %get3A_127] : memref<8x128xf32, #tpu.memory_space<vmem>>, vector<1x128xf32>
      %eq3A_129 = arith.constant 1 : i32
      %eq3A_130 = vector.broadcast %eq3A_129 : i32 to vector<1x128xi32>
      %eq3A_131 = arith.cmpi eq, %iota3A, %eq3A_130 : vector<1x128xi32>
      %max3A = vector.broadcast %reduce_max3A_115 : f32 to vector<1x128xf32>
      %max3A_132 = arith.maximumf %get3A_128, %max3A : vector<1x128xf32>
      %select_n3A_133 = arith.select %eq3A_131, %max3A_132, %get3A_128 : vector<1x128xi1>, vector<1x128xf32>
      %swap3A_134 = arith.constant 1 : index
      %swap3A_135 = arith.constant 0 : index
      %swap3A_136 = vector.load %arg6[%swap3A_134, %swap3A_135] : memref<8x128xf32, #tpu.memory_space<vmem>>, vector<1x128xf32>
      tpu.vector_store %arg6[%swap3A_134, %swap3A_135], %select_n3A_133 {strides = array<i32>} : memref<8x128xf32, #tpu.memory_space<vmem>>, vector<1x128xf32>,
    } else {
    }
    %le3A_32 = arith.constant 2 : i32
    %le3A_33 = arith.cmpi sle, %get3A_13, %le3A_32 : i32
    %ge3A_34 = arith.constant 2 : i32
    %ge3A_35 = arith.cmpi sge, %get3A_16, %ge3A_34 : i32
    %and3A_36 = arith.andi %le3A_33, %ge3A_35 : i1
    %convert_element_type3A_37 = arith.extui %and3A_36 : i1 to i32
    %cond3A_38 = arith.constant 0 : i32
    %cond3A_39 = arith.cmpi ne, %convert_element_type3A_37, %cond3A_38 : i32
    scf.if %cond3A_39 {
      %eq3A_96 = arith.constant 2 : i32
      %eq3A_97 = vector.broadcast %eq3A_96 : i32 to vector<256x1xi32>
      %eq3A_98 = arith.cmpi eq, %get3A_10, %eq3A_97 : vector<256x1xi32>
      %eq3A_99 = arith.constant 2 : i32
      %eq3A_100 = vector.broadcast %eq3A_99 : i32 to vector<1x768xi32>
      %eq3A_101 = arith.cmpi eq, %get3A_7, %eq3A_100 : vector<1x768xi32>
      %and3A_102 = vector.broadcast %eq3A_98 : vector<256x1xi1> to vector<256x768xi1>
      %and3A_103 = vector.broadcast %eq3A_101 : vector<1x768xi1> to vector<256x768xi1>
      %and3A_104 = arith.andi %and3A_102, %and3A_103 : vector<256x768xi1>
      %jit3A = arith.constant 0x7F800000 : f32
      %broadcast_in_dim3A = vector.broadcast %jit3A : f32 to vector<256x768xf32>
      %select_n3A = arith.select %and3A_104, %get3A_4, %broadcast_in_dim3A : vector<256x768xi1>, vector<256x768xf32>
      %reduce_min3A = vector.shape_cast %select_n3A : vector<256x768xf32> to vector<1x256x768xf32>
      %reduce_min3A_105 = arith.constant dense<0x7F800000> : vector<1xf32>
      %reduce_min3A_106 = vector.multi_reduction <minimumf>, %reduce_min3A, %reduce_min3A_105 [1, 2] : vector<1x256x768xf32> to vector<1xf32>
      %reduce_min3A_107 = vector.shape_cast %reduce_min3A_106 : vector<1xf32> to vector<1x1x1xf32>
      %reduce_min3A_108 = vector.extract %reduce_min3A_107[0, 0, 0] : f32 from vector<1x1x1xf32>
      %jit3A_109 = arith.constant 0xFF800000 : f32
      %broadcast_in_dim3A_110 = vector.broadcast %jit3A_109 : f32 to vector<256x768xf32>
      %select_n3A_111 = arith.select %and3A_104, %get3A_4, %broadcast_in_dim3A_110 : vector<256x768xi1>, vector<256x768xf32>
      %reduce_max3A = vector.shape_cast %select_n3A_111 : vector<256x768xf32> to vector<1x256x768xf32>
      %reduce_max3A_112 = arith.constant dense<0xFF800000> : vector<1xf32>
      %reduce_max3A_113 = vector.multi_reduction <maximumf>, %reduce_max3A, %reduce_max3A_112 [1, 2] : vector<1x256x768xf32> to vector<1xf32>
      %reduce_max3A_114 = vector.shape_cast %reduce_max3A_113 : vector<1xf32> to vector<1x1x1xf32>
      %reduce_max3A_115 = vector.extract %reduce_max3A_114[0, 0, 0] : f32 from vector<1x1x1xf32>
      %get3A_116 = arith.constant 0 : index
      %get3A_117 = arith.constant 0 : index
      %get3A_118 = vector.load %arg6[%get3A_116, %get3A_117] : memref<8x128xf32, #tpu.memory_space<vmem>>, vector<1x128xf32>
      %eq3A_119 = arith.constant 2 : i32
      %eq3A_120 = vector.broadcast %eq3A_119 : i32 to vector<1x128xi32>
      %eq3A_121 = arith.cmpi eq, %iota3A, %eq3A_120 : vector<1x128xi32>
      %min3A = vector.broadcast %reduce_min3A_108 : f32 to vector<1x128xf32>
      %min3A_122 = arith.minimumf %get3A_118, %min3A : vector<1x128xf32>
      %select_n3A_123 = arith.select %eq3A_121, %min3A_122, %get3A_118 : vector<1x128xi1>, vector<1x128xf32>
      %swap3A = arith.constant 0 : index
      %swap3A_124 = arith.constant 0 : index
      %swap3A_125 = vector.load %arg6[%swap3A, %swap3A_124] : memref<8x128xf32, #tpu.memory_space<vmem>>, vector<1x128xf32>
      tpu.vector_store %arg6[%swap3A, %swap3A_124], %select_n3A_123 {strides = array<i32>} : memref<8x128xf32, #tpu.memory_space<vmem>>, vector<1x128xf32>,
      %get3A_126 = arith.constant 1 : index
      %get3A_127 = arith.constant 0 : index
      %get3A_128 = vector.load %arg6[%get3A_126, %get3A_127] : memref<8x128xf32, #tpu.memory_space<vmem>>, vector<1x128xf32>
      %eq3A_129 = arith.constant 2 : i32
      %eq3A_130 = vector.broadcast %eq3A_129 : i32 to vector<1x128xi32>
      %eq3A_131 = arith.cmpi eq, %iota3A, %eq3A_130 : vector<1x128xi32>
      %max3A = vector.broadcast %reduce_max3A_115 : f32 to vector<1x128xf32>
      %max3A_132 = arith.maximumf %get3A_128, %max3A : vector<1x128xf32>
      %select_n3A_133 = arith.select %eq3A_131, %max3A_132, %get3A_128 : vector<1x128xi1>, vector<1x128xf32>
      %swap3A_134 = arith.constant 1 : index
      %swap3A_135 = arith.constant 0 : index
      %swap3A_136 = vector.load %arg6[%swap3A_134, %swap3A_135] : memref<8x128xf32, #tpu.memory_space<vmem>>, vector<1x128xf32>
      tpu.vector_store %arg6[%swap3A_134, %swap3A_135], %select_n3A_133 {strides = array<i32>} : memref<8x128xf32, #tpu.memory_space<vmem>>, vector<1x128xf32>,
    } else {
    }
    %le3A_40 = arith.constant 3 : i32
    %le3A_41 = arith.cmpi sle, %get3A_13, %le3A_40 : i32
    %ge3A_42 = arith.constant 3 : i32
    %ge3A_43 = arith.cmpi sge, %get3A_16, %ge3A_42 : i32
    %and3A_44 = arith.andi %le3A_41, %ge3A_43 : i1
    %convert_element_type3A_45 = arith.extui %and3A_44 : i1 to i32
    %cond3A_46 = arith.constant 0 : i32
    %cond3A_47 = arith.cmpi ne, %convert_element_type3A_45, %cond3A_46 : i32
    scf.if %cond3A_47 {
      %eq3A_96 = arith.constant 3 : i32
      %eq3A_97 = vector.broadcast %eq3A_96 : i32 to vector<256x1xi32>
      %eq3A_98 = arith.cmpi eq, %get3A_10, %eq3A_97 : vector<256x1xi32>
      %eq3A_99 = arith.constant 3 : i32
      %eq3A_100 = vector.broadcast %eq3A_99 : i32 to vector<1x768xi32>
      %eq3A_101 = arith.cmpi eq, %get3A_7, %eq3A_100 : vector<1x768xi32>
      %and3A_102 = vector.broadcast %eq3A_98 : vector<256x1xi1> to vector<256x768xi1>
      %and3A_103 = vector.broadcast %eq3A_101 : vector<1x768xi1> to vector<256x768xi1>
      %and3A_104 = arith.andi %and3A_102, %and3A_103 : vector<256x768xi1>
      %jit3A = arith.constant 0x7F800000 : f32
      %broadcast_in_dim3A = vector.broadcast %jit3A : f32 to vector<256x768xf32>
      %select_n3A = arith.select %and3A_104, %get3A_4, %broadcast_in_dim3A : vector<256x768xi1>, vector<256x768xf32>
      %reduce_min3A = vector.shape_cast %select_n3A : vector<256x768xf32> to vector<1x256x768xf32>
      %reduce_min3A_105 = arith.constant dense<0x7F800000> : vector<1xf32>
      %reduce_min3A_106 = vector.multi_reduction <minimumf>, %reduce_min3A, %reduce_min3A_105 [1, 2] : vector<1x256x768xf32> to vector<1xf32>
      %reduce_min3A_107 = vector.shape_cast %reduce_min3A_106 : vector<1xf32> to vector<1x1x1xf32>
      %reduce_min3A_108 = vector.extract %reduce_min3A_107[0, 0, 0] : f32 from vector<1x1x1xf32>
      %jit3A_109 = arith.constant 0xFF800000 : f32
      %broadcast_in_dim3A_110 = vector.broadcast %jit3A_109 : f32 to vector<256x768xf32>
      %select_n3A_111 = arith.select %and3A_104, %get3A_4, %broadcast_in_dim3A_110 : vector<256x768xi1>, vector<256x768xf32>
      %reduce_max3A = vector.shape_cast %select_n3A_111 : vector<256x768xf32> to vector<1x256x768xf32>
      %reduce_max3A_112 = arith.constant dense<0xFF800000> : vector<1xf32>
      %reduce_max3A_113 = vector.multi_reduction <maximumf>, %reduce_max3A, %reduce_max3A_112 [1, 2] : vector<1x256x768xf32> to vector<1xf32>
      %reduce_max3A_114 = vector.shape_cast %reduce_max3A_113 : vector<1xf32> to vector<1x1x1xf32>
      %reduce_max3A_115 = vector.extract %reduce_max3A_114[0, 0, 0] : f32 from vector<1x1x1xf32>
      %get3A_116 = arith.constant 0 : index
      %get3A_117 = arith.constant 0 : index
      %get3A_118 = vector.load %arg6[%get3A_116, %get3A_117] : memref<8x128xf32, #tpu.memory_space<vmem>>, vector<1x128xf32>
      %eq3A_119 = arith.constant 3 : i32
      %eq3A_120 = vector.broadcast %eq3A_119 : i32 to vector<1x128xi32>
      %eq3A_121 = arith.cmpi eq, %iota3A, %eq3A_120 : vector<1x128xi32>
      %min3A = vector.broadcast %reduce_min3A_108 : f32 to vector<1x128xf32>
      %min3A_122 = arith.minimumf %get3A_118, %min3A : vector<1x128xf32>
      %select_n3A_123 = arith.select %eq3A_121, %min3A_122, %get3A_118 : vector<1x128xi1>, vector<1x128xf32>
      %swap3A = arith.constant 0 : index
      %swap3A_124 = arith.constant 0 : index
      %swap3A_125 = vector.load %arg6[%swap3A, %swap3A_124] : memref<8x128xf32, #tpu.memory_space<vmem>>, vector<1x128xf32>
      tpu.vector_store %arg6[%swap3A, %swap3A_124], %select_n3A_123 {strides = array<i32>} : memref<8x128xf32, #tpu.memory_space<vmem>>, vector<1x128xf32>,
      %get3A_126 = arith.constant 1 : index
      %get3A_127 = arith.constant 0 : index
      %get3A_128 = vector.load %arg6[%get3A_126, %get3A_127] : memref<8x128xf32, #tpu.memory_space<vmem>>, vector<1x128xf32>
      %eq3A_129 = arith.constant 3 : i32
      %eq3A_130 = vector.broadcast %eq3A_129 : i32 to vector<1x128xi32>
      %eq3A_131 = arith.cmpi eq, %iota3A, %eq3A_130 : vector<1x128xi32>
      %max3A = vector.broadcast %reduce_max3A_115 : f32 to vector<1x128xf32>
      %max3A_132 = arith.maximumf %get3A_128, %max3A : vector<1x128xf32>
      %select_n3A_133 = arith.select %eq3A_131, %max3A_132, %get3A_128 : vector<1x128xi1>, vector<1x128xf32>
      %swap3A_134 = arith.constant 1 : index
      %swap3A_135 = arith.constant 0 : index
      %swap3A_136 = vector.load %arg6[%swap3A_134, %swap3A_135] : memref<8x128xf32, #tpu.memory_space<vmem>>, vector<1x128xf32>
      tpu.vector_store %arg6[%swap3A_134, %swap3A_135], %select_n3A_133 {strides = array<i32>} : memref<8x128xf32, #tpu.memory_space<vmem>>, vector<1x128xf32>,
    } else {
    }
    %le3A_48 = arith.constant 4 : i32
    %le3A_49 = arith.cmpi sle, %get3A_13, %le3A_48 : i32
    %ge3A_50 = arith.constant 4 : i32
    %ge3A_51 = arith.cmpi sge, %get3A_16, %ge3A_50 : i32
    %and3A_52 = arith.andi %le3A_49, %ge3A_51 : i1
    %convert_element_type3A_53 = arith.extui %and3A_52 : i1 to i32
    %cond3A_54 = arith.constant 0 : i32
    %cond3A_55 = arith.cmpi ne, %convert_element_type3A_53, %cond3A_54 : i32
    scf.if %cond3A_55 {
      %eq3A_96 = arith.constant 4 : i32
      %eq3A_97 = vector.broadcast %eq3A_96 : i32 to vector<256x1xi32>
      %eq3A_98 = arith.cmpi eq, %get3A_10, %eq3A_97 : vector<256x1xi32>
      %eq3A_99 = arith.constant 4 : i32
      %eq3A_100 = vector.broadcast %eq3A_99 : i32 to vector<1x768xi32>
      %eq3A_101 = arith.cmpi eq, %get3A_7, %eq3A_100 : vector<1x768xi32>
      %and3A_102 = vector.broadcast %eq3A_98 : vector<256x1xi1> to vector<256x768xi1>
      %and3A_103 = vector.broadcast %eq3A_101 : vector<1x768xi1> to vector<256x768xi1>
      %and3A_104 = arith.andi %and3A_102, %and3A_103 : vector<256x768xi1>
      %jit3A = arith.constant 0x7F800000 : f32
      %broadcast_in_dim3A = vector.broadcast %jit3A : f32 to vector<256x768xf32>
      %select_n3A = arith.select %and3A_104, %get3A_4, %broadcast_in_dim3A : vector<256x768xi1>, vector<256x768xf32>
      %reduce_min3A = vector.shape_cast %select_n3A : vector<256x768xf32> to vector<1x256x768xf32>
      %reduce_min3A_105 = arith.constant dense<0x7F800000> : vector<1xf32>
      %reduce_min3A_106 = vector.multi_reduction <minimumf>, %reduce_min3A, %reduce_min3A_105 [1, 2] : vector<1x256x768xf32> to vector<1xf32>
      %reduce_min3A_107 = vector.shape_cast %reduce_min3A_106 : vector<1xf32> to vector<1x1x1xf32>
      %reduce_min3A_108 = vector.extract %reduce_min3A_107[0, 0, 0] : f32 from vector<1x1x1xf32>
      %jit3A_109 = arith.constant 0xFF800000 : f32
      %broadcast_in_dim3A_110 = vector.broadcast %jit3A_109 : f32 to vector<256x768xf32>
      %select_n3A_111 = arith.select %and3A_104, %get3A_4, %broadcast_in_dim3A_110 : vector<256x768xi1>, vector<256x768xf32>
      %reduce_max3A = vector.shape_cast %select_n3A_111 : vector<256x768xf32> to vector<1x256x768xf32>
      %reduce_max3A_112 = arith.constant dense<0xFF800000> : vector<1xf32>
      %reduce_max3A_113 = vector.multi_reduction <maximumf>, %reduce_max3A, %reduce_max3A_112 [1, 2] : vector<1x256x768xf32> to vector<1xf32>
      %reduce_max3A_114 = vector.shape_cast %reduce_max3A_113 : vector<1xf32> to vector<1x1x1xf32>
      %reduce_max3A_115 = vector.extract %reduce_max3A_114[0, 0, 0] : f32 from vector<1x1x1xf32>
      %get3A_116 = arith.constant 0 : index
      %get3A_117 = arith.constant 0 : index
      %get3A_118 = vector.load %arg6[%get3A_116, %get3A_117] : memref<8x128xf32, #tpu.memory_space<vmem>>, vector<1x128xf32>
      %eq3A_119 = arith.constant 4 : i32
      %eq3A_120 = vector.broadcast %eq3A_119 : i32 to vector<1x128xi32>
      %eq3A_121 = arith.cmpi eq, %iota3A, %eq3A_120 : vector<1x128xi32>
      %min3A = vector.broadcast %reduce_min3A_108 : f32 to vector<1x128xf32>
      %min3A_122 = arith.minimumf %get3A_118, %min3A : vector<1x128xf32>
      %select_n3A_123 = arith.select %eq3A_121, %min3A_122, %get3A_118 : vector<1x128xi1>, vector<1x128xf32>
      %swap3A = arith.constant 0 : index
      %swap3A_124 = arith.constant 0 : index
      %swap3A_125 = vector.load %arg6[%swap3A, %swap3A_124] : memref<8x128xf32, #tpu.memory_space<vmem>>, vector<1x128xf32>
      tpu.vector_store %arg6[%swap3A, %swap3A_124], %select_n3A_123 {strides = array<i32>} : memref<8x128xf32, #tpu.memory_space<vmem>>, vector<1x128xf32>,
      %get3A_126 = arith.constant 1 : index
      %get3A_127 = arith.constant 0 : index
      %get3A_128 = vector.load %arg6[%get3A_126, %get3A_127] : memref<8x128xf32, #tpu.memory_space<vmem>>, vector<1x128xf32>
      %eq3A_129 = arith.constant 4 : i32
      %eq3A_130 = vector.broadcast %eq3A_129 : i32 to vector<1x128xi32>
      %eq3A_131 = arith.cmpi eq, %iota3A, %eq3A_130 : vector<1x128xi32>
      %max3A = vector.broadcast %reduce_max3A_115 : f32 to vector<1x128xf32>
      %max3A_132 = arith.maximumf %get3A_128, %max3A : vector<1x128xf32>
      %select_n3A_133 = arith.select %eq3A_131, %max3A_132, %get3A_128 : vector<1x128xi1>, vector<1x128xf32>
      %swap3A_134 = arith.constant 1 : index
      %swap3A_135 = arith.constant 0 : index
      %swap3A_136 = vector.load %arg6[%swap3A_134, %swap3A_135] : memref<8x128xf32, #tpu.memory_space<vmem>>, vector<1x128xf32>
      tpu.vector_store %arg6[%swap3A_134, %swap3A_135], %select_n3A_133 {strides = array<i32>} : memref<8x128xf32, #tpu.memory_space<vmem>>, vector<1x128xf32>,
    } else {
    }
    %le3A_56 = arith.constant 5 : i32
    %le3A_57 = arith.cmpi sle, %get3A_13, %le3A_56 : i32
    %ge3A_58 = arith.constant 5 : i32
    %ge3A_59 = arith.cmpi sge, %get3A_16, %ge3A_58 : i32
    %and3A_60 = arith.andi %le3A_57, %ge3A_59 : i1
    %convert_element_type3A_61 = arith.extui %and3A_60 : i1 to i32
    %cond3A_62 = arith.constant 0 : i32
    %cond3A_63 = arith.cmpi ne, %convert_element_type3A_61, %cond3A_62 : i32
    scf.if %cond3A_63 {
      %eq3A_96 = arith.constant 5 : i32
      %eq3A_97 = vector.broadcast %eq3A_96 : i32 to vector<256x1xi32>
      %eq3A_98 = arith.cmpi eq, %get3A_10, %eq3A_97 : vector<256x1xi32>
      %eq3A_99 = arith.constant 5 : i32
      %eq3A_100 = vector.broadcast %eq3A_99 : i32 to vector<1x768xi32>
      %eq3A_101 = arith.cmpi eq, %get3A_7, %eq3A_100 : vector<1x768xi32>
      %and3A_102 = vector.broadcast %eq3A_98 : vector<256x1xi1> to vector<256x768xi1>
      %and3A_103 = vector.broadcast %eq3A_101 : vector<1x768xi1> to vector<256x768xi1>
      %and3A_104 = arith.andi %and3A_102, %and3A_103 : vector<256x768xi1>
      %jit3A = arith.constant 0x7F800000 : f32
      %broadcast_in_dim3A = vector.broadcast %jit3A : f32 to vector<256x768xf32>
      %select_n3A = arith.select %and3A_104, %get3A_4, %broadcast_in_dim3A : vector<256x768xi1>, vector<256x768xf32>
      %reduce_min3A = vector.shape_cast %select_n3A : vector<256x768xf32> to vector<1x256x768xf32>
      %reduce_min3A_105 = arith.constant dense<0x7F800000> : vector<1xf32>
      %reduce_min3A_106 = vector.multi_reduction <minimumf>, %reduce_min3A, %reduce_min3A_105 [1, 2] : vector<1x256x768xf32> to vector<1xf32>
      %reduce_min3A_107 = vector.shape_cast %reduce_min3A_106 : vector<1xf32> to vector<1x1x1xf32>
      %reduce_min3A_108 = vector.extract %reduce_min3A_107[0, 0, 0] : f32 from vector<1x1x1xf32>
      %jit3A_109 = arith.constant 0xFF800000 : f32
      %broadcast_in_dim3A_110 = vector.broadcast %jit3A_109 : f32 to vector<256x768xf32>
      %select_n3A_111 = arith.select %and3A_104, %get3A_4, %broadcast_in_dim3A_110 : vector<256x768xi1>, vector<256x768xf32>
      %reduce_max3A = vector.shape_cast %select_n3A_111 : vector<256x768xf32> to vector<1x256x768xf32>
      %reduce_max3A_112 = arith.constant dense<0xFF800000> : vector<1xf32>
      %reduce_max3A_113 = vector.multi_reduction <maximumf>, %reduce_max3A, %reduce_max3A_112 [1, 2] : vector<1x256x768xf32> to vector<1xf32>
      %reduce_max3A_114 = vector.shape_cast %reduce_max3A_113 : vector<1xf32> to vector<1x1x1xf32>
      %reduce_max3A_115 = vector.extract %reduce_max3A_114[0, 0, 0] : f32 from vector<1x1x1xf32>
      %get3A_116 = arith.constant 0 : index
      %get3A_117 = arith.constant 0 : index
      %get3A_118 = vector.load %arg6[%get3A_116, %get3A_117] : memref<8x128xf32, #tpu.memory_space<vmem>>, vector<1x128xf32>
      %eq3A_119 = arith.constant 5 : i32
      %eq3A_120 = vector.broadcast %eq3A_119 : i32 to vector<1x128xi32>
      %eq3A_121 = arith.cmpi eq, %iota3A, %eq3A_120 : vector<1x128xi32>
      %min3A = vector.broadcast %reduce_min3A_108 : f32 to vector<1x128xf32>
      %min3A_122 = arith.minimumf %get3A_118, %min3A : vector<1x128xf32>
      %select_n3A_123 = arith.select %eq3A_121, %min3A_122, %get3A_118 : vector<1x128xi1>, vector<1x128xf32>
      %swap3A = arith.constant 0 : index
      %swap3A_124 = arith.constant 0 : index
      %swap3A_125 = vector.load %arg6[%swap3A, %swap3A_124] : memref<8x128xf32, #tpu.memory_space<vmem>>, vector<1x128xf32>
      tpu.vector_store %arg6[%swap3A, %swap3A_124], %select_n3A_123 {strides = array<i32>} : memref<8x128xf32, #tpu.memory_space<vmem>>, vector<1x128xf32>,
      %get3A_126 = arith.constant 1 : index
      %get3A_127 = arith.constant 0 : index
      %get3A_128 = vector.load %arg6[%get3A_126, %get3A_127] : memref<8x128xf32, #tpu.memory_space<vmem>>, vector<1x128xf32>
      %eq3A_129 = arith.constant 5 : i32
      %eq3A_130 = vector.broadcast %eq3A_129 : i32 to vector<1x128xi32>
      %eq3A_131 = arith.cmpi eq, %iota3A, %eq3A_130 : vector<1x128xi32>
      %max3A = vector.broadcast %reduce_max3A_115 : f32 to vector<1x128xf32>
      %max3A_132 = arith.maximumf %get3A_128, %max3A : vector<1x128xf32>
      %select_n3A_133 = arith.select %eq3A_131, %max3A_132, %get3A_128 : vector<1x128xi1>, vector<1x128xf32>
      %swap3A_134 = arith.constant 1 : index
      %swap3A_135 = arith.constant 0 : index
      %swap3A_136 = vector.load %arg6[%swap3A_134, %swap3A_135] : memref<8x128xf32, #tpu.memory_space<vmem>>, vector<1x128xf32>
      tpu.vector_store %arg6[%swap3A_134, %swap3A_135], %select_n3A_133 {strides = array<i32>} : memref<8x128xf32, #tpu.memory_space<vmem>>, vector<1x128xf32>,
    } else {
    }
    %le3A_64 = arith.constant 6 : i32
    %le3A_65 = arith.cmpi sle, %get3A_13, %le3A_64 : i32
    %ge3A_66 = arith.constant 6 : i32
    %ge3A_67 = arith.cmpi sge, %get3A_16, %ge3A_66 : i32
    %and3A_68 = arith.andi %le3A_65, %ge3A_67 : i1
    %convert_element_type3A_69 = arith.extui %and3A_68 : i1 to i32
    %cond3A_70 = arith.constant 0 : i32
    %cond3A_71 = arith.cmpi ne, %convert_element_type3A_69, %cond3A_70 : i32
    scf.if %cond3A_71 {
      %eq3A_96 = arith.constant 6 : i32
      %eq3A_97 = vector.broadcast %eq3A_96 : i32 to vector<256x1xi32>
      %eq3A_98 = arith.cmpi eq, %get3A_10, %eq3A_97 : vector<256x1xi32>
      %eq3A_99 = arith.constant 6 : i32
      %eq3A_100 = vector.broadcast %eq3A_99 : i32 to vector<1x768xi32>
      %eq3A_101 = arith.cmpi eq, %get3A_7, %eq3A_100 : vector<1x768xi32>
      %and3A_102 = vector.broadcast %eq3A_98 : vector<256x1xi1> to vector<256x768xi1>
      %and3A_103 = vector.broadcast %eq3A_101 : vector<1x768xi1> to vector<256x768xi1>
      %and3A_104 = arith.andi %and3A_102, %and3A_103 : vector<256x768xi1>
      %jit3A = arith.constant 0x7F800000 : f32
      %broadcast_in_dim3A = vector.broadcast %jit3A : f32 to vector<256x768xf32>
      %select_n3A = arith.select %and3A_104, %get3A_4, %broadcast_in_dim3A : vector<256x768xi1>, vector<256x768xf32>
      %reduce_min3A = vector.shape_cast %select_n3A : vector<256x768xf32> to vector<1x256x768xf32>
      %reduce_min3A_105 = arith.constant dense<0x7F800000> : vector<1xf32>
      %reduce_min3A_106 = vector.multi_reduction <minimumf>, %reduce_min3A, %reduce_min3A_105 [1, 2] : vector<1x256x768xf32> to vector<1xf32>
      %reduce_min3A_107 = vector.shape_cast %reduce_min3A_106 : vector<1xf32> to vector<1x1x1xf32>
      %reduce_min3A_108 = vector.extract %reduce_min3A_107[0, 0, 0] : f32 from vector<1x1x1xf32>
      %jit3A_109 = arith.constant 0xFF800000 : f32
      %broadcast_in_dim3A_110 = vector.broadcast %jit3A_109 : f32 to vector<256x768xf32>
      %select_n3A_111 = arith.select %and3A_104, %get3A_4, %broadcast_in_dim3A_110 : vector<256x768xi1>, vector<256x768xf32>
      %reduce_max3A = vector.shape_cast %select_n3A_111 : vector<256x768xf32> to vector<1x256x768xf32>
      %reduce_max3A_112 = arith.constant dense<0xFF800000> : vector<1xf32>
      %reduce_max3A_113 = vector.multi_reduction <maximumf>, %reduce_max3A, %reduce_max3A_112 [1, 2] : vector<1x256x768xf32> to vector<1xf32>
      %reduce_max3A_114 = vector.shape_cast %reduce_max3A_113 : vector<1xf32> to vector<1x1x1xf32>
      %reduce_max3A_115 = vector.extract %reduce_max3A_114[0, 0, 0] : f32 from vector<1x1x1xf32>
      %get3A_116 = arith.constant 0 : index
      %get3A_117 = arith.constant 0 : index
      %get3A_118 = vector.load %arg6[%get3A_116, %get3A_117] : memref<8x128xf32, #tpu.memory_space<vmem>>, vector<1x128xf32>
      %eq3A_119 = arith.constant 6 : i32
      %eq3A_120 = vector.broadcast %eq3A_119 : i32 to vector<1x128xi32>
      %eq3A_121 = arith.cmpi eq, %iota3A, %eq3A_120 : vector<1x128xi32>
      %min3A = vector.broadcast %reduce_min3A_108 : f32 to vector<1x128xf32>
      %min3A_122 = arith.minimumf %get3A_118, %min3A : vector<1x128xf32>
      %select_n3A_123 = arith.select %eq3A_121, %min3A_122, %get3A_118 : vector<1x128xi1>, vector<1x128xf32>
      %swap3A = arith.constant 0 : index
      %swap3A_124 = arith.constant 0 : index
      %swap3A_125 = vector.load %arg6[%swap3A, %swap3A_124] : memref<8x128xf32, #tpu.memory_space<vmem>>, vector<1x128xf32>
      tpu.vector_store %arg6[%swap3A, %swap3A_124], %select_n3A_123 {strides = array<i32>} : memref<8x128xf32, #tpu.memory_space<vmem>>, vector<1x128xf32>,
      %get3A_126 = arith.constant 1 : index
      %get3A_127 = arith.constant 0 : index
      %get3A_128 = vector.load %arg6[%get3A_126, %get3A_127] : memref<8x128xf32, #tpu.memory_space<vmem>>, vector<1x128xf32>
      %eq3A_129 = arith.constant 6 : i32
      %eq3A_130 = vector.broadcast %eq3A_129 : i32 to vector<1x128xi32>
      %eq3A_131 = arith.cmpi eq, %iota3A, %eq3A_130 : vector<1x128xi32>
      %max3A = vector.broadcast %reduce_max3A_115 : f32 to vector<1x128xf32>
      %max3A_132 = arith.maximumf %get3A_128, %max3A : vector<1x128xf32>
      %select_n3A_133 = arith.select %eq3A_131, %max3A_132, %get3A_128 : vector<1x128xi1>, vector<1x128xf32>
      %swap3A_134 = arith.constant 1 : index
      %swap3A_135 = arith.constant 0 : index
      %swap3A_136 = vector.load %arg6[%swap3A_134, %swap3A_135] : memref<8x128xf32, #tpu.memory_space<vmem>>, vector<1x128xf32>
      tpu.vector_store %arg6[%swap3A_134, %swap3A_135], %select_n3A_133 {strides = array<i32>} : memref<8x128xf32, #tpu.memory_space<vmem>>, vector<1x128xf32>,
    } else {
    }
    %le3A_72 = arith.constant 7 : i32
    %le3A_73 = arith.cmpi sle, %get3A_13, %le3A_72 : i32
    %ge3A_74 = arith.constant 7 : i32
    %ge3A_75 = arith.cmpi sge, %get3A_16, %ge3A_74 : i32
    %and3A_76 = arith.andi %le3A_73, %ge3A_75 : i1
    %convert_element_type3A_77 = arith.extui %and3A_76 : i1 to i32
    %cond3A_78 = arith.constant 0 : i32
    %cond3A_79 = arith.cmpi ne, %convert_element_type3A_77, %cond3A_78 : i32
    scf.if %cond3A_79 {
      %eq3A_96 = arith.constant 7 : i32
      %eq3A_97 = vector.broadcast %eq3A_96 : i32 to vector<256x1xi32>
      %eq3A_98 = arith.cmpi eq, %get3A_10, %eq3A_97 : vector<256x1xi32>
      %eq3A_99 = arith.constant 7 : i32
      %eq3A_100 = vector.broadcast %eq3A_99 : i32 to vector<1x768xi32>
      %eq3A_101 = arith.cmpi eq, %get3A_7, %eq3A_100 : vector<1x768xi32>
      %and3A_102 = vector.broadcast %eq3A_98 : vector<256x1xi1> to vector<256x768xi1>
      %and3A_103 = vector.broadcast %eq3A_101 : vector<1x768xi1> to vector<256x768xi1>
      %and3A_104 = arith.andi %and3A_102, %and3A_103 : vector<256x768xi1>
      %jit3A = arith.constant 0x7F800000 : f32
      %broadcast_in_dim3A = vector.broadcast %jit3A : f32 to vector<256x768xf32>
      %select_n3A = arith.select %and3A_104, %get3A_4, %broadcast_in_dim3A : vector<256x768xi1>, vector<256x768xf32>
      %reduce_min3A = vector.shape_cast %select_n3A : vector<256x768xf32> to vector<1x256x768xf32>
      %reduce_min3A_105 = arith.constant dense<0x7F800000> : vector<1xf32>
      %reduce_min3A_106 = vector.multi_reduction <minimumf>, %reduce_min3A, %reduce_min3A_105 [1, 2] : vector<1x256x768xf32> to vector<1xf32>
      %reduce_min3A_107 = vector.shape_cast %reduce_min3A_106 : vector<1xf32> to vector<1x1x1xf32>
      %reduce_min3A_108 = vector.extract %reduce_min3A_107[0, 0, 0] : f32 from vector<1x1x1xf32>
      %jit3A_109 = arith.constant 0xFF800000 : f32
      %broadcast_in_dim3A_110 = vector.broadcast %jit3A_109 : f32 to vector<256x768xf32>
      %select_n3A_111 = arith.select %and3A_104, %get3A_4, %broadcast_in_dim3A_110 : vector<256x768xi1>, vector<256x768xf32>
      %reduce_max3A = vector.shape_cast %select_n3A_111 : vector<256x768xf32> to vector<1x256x768xf32>
      %reduce_max3A_112 = arith.constant dense<0xFF800000> : vector<1xf32>
      %reduce_max3A_113 = vector.multi_reduction <maximumf>, %reduce_max3A, %reduce_max3A_112 [1, 2] : vector<1x256x768xf32> to vector<1xf32>
      %reduce_max3A_114 = vector.shape_cast %reduce_max3A_113 : vector<1xf32> to vector<1x1x1xf32>
      %reduce_max3A_115 = vector.extract %reduce_max3A_114[0, 0, 0] : f32 from vector<1x1x1xf32>
      %get3A_116 = arith.constant 0 : index
      %get3A_117 = arith.constant 0 : index
      %get3A_118 = vector.load %arg6[%get3A_116, %get3A_117] : memref<8x128xf32, #tpu.memory_space<vmem>>, vector<1x128xf32>
      %eq3A_119 = arith.constant 7 : i32
      %eq3A_120 = vector.broadcast %eq3A_119 : i32 to vector<1x128xi32>
      %eq3A_121 = arith.cmpi eq, %iota3A, %eq3A_120 : vector<1x128xi32>
      %min3A = vector.broadcast %reduce_min3A_108 : f32 to vector<1x128xf32>
      %min3A_122 = arith.minimumf %get3A_118, %min3A : vector<1x128xf32>
      %select_n3A_123 = arith.select %eq3A_121, %min3A_122, %get3A_118 : vector<1x128xi1>, vector<1x128xf32>
      %swap3A = arith.constant 0 : index
      %swap3A_124 = arith.constant 0 : index
      %swap3A_125 = vector.load %arg6[%swap3A, %swap3A_124] : memref<8x128xf32, #tpu.memory_space<vmem>>, vector<1x128xf32>
      tpu.vector_store %arg6[%swap3A, %swap3A_124], %select_n3A_123 {strides = array<i32>} : memref<8x128xf32, #tpu.memory_space<vmem>>, vector<1x128xf32>,
      %get3A_126 = arith.constant 1 : index
      %get3A_127 = arith.constant 0 : index
      %get3A_128 = vector.load %arg6[%get3A_126, %get3A_127] : memref<8x128xf32, #tpu.memory_space<vmem>>, vector<1x128xf32>
      %eq3A_129 = arith.constant 7 : i32
      %eq3A_130 = vector.broadcast %eq3A_129 : i32 to vector<1x128xi32>
      %eq3A_131 = arith.cmpi eq, %iota3A, %eq3A_130 : vector<1x128xi32>
      %max3A = vector.broadcast %reduce_max3A_115 : f32 to vector<1x128xf32>
      %max3A_132 = arith.maximumf %get3A_128, %max3A : vector<1x128xf32>
      %select_n3A_133 = arith.select %eq3A_131, %max3A_132, %get3A_128 : vector<1x128xi1>, vector<1x128xf32>
      %swap3A_134 = arith.constant 1 : index
      %swap3A_135 = arith.constant 0 : index
      %swap3A_136 = vector.load %arg6[%swap3A_134, %swap3A_135] : memref<8x128xf32, #tpu.memory_space<vmem>>, vector<1x128xf32>
      tpu.vector_store %arg6[%swap3A_134, %swap3A_135], %select_n3A_133 {strides = array<i32>} : memref<8x128xf32, #tpu.memory_space<vmem>>, vector<1x128xf32>,
    } else {
    }
    %le3A_80 = arith.constant 8 : i32
    %le3A_81 = arith.cmpi sle, %get3A_13, %le3A_80 : i32
    %ge3A_82 = arith.constant 8 : i32
    %ge3A_83 = arith.cmpi sge, %get3A_16, %ge3A_82 : i32
    %and3A_84 = arith.andi %le3A_81, %ge3A_83 : i1
    %convert_element_type3A_85 = arith.extui %and3A_84 : i1 to i32
    %cond3A_86 = arith.constant 0 : i32
    %cond3A_87 = arith.cmpi ne, %convert_element_type3A_85, %cond3A_86 : i32
    scf.if %cond3A_87 {
      %eq3A_96 = arith.constant 8 : i32
      %eq3A_97 = vector.broadcast %eq3A_96 : i32 to vector<256x1xi32>
      %eq3A_98 = arith.cmpi eq, %get3A_10, %eq3A_97 : vector<256x1xi32>
      %eq3A_99 = arith.constant 8 : i32
      %eq3A_100 = vector.broadcast %eq3A_99 : i32 to vector<1x768xi32>
      %eq3A_101 = arith.cmpi eq, %get3A_7, %eq3A_100 : vector<1x768xi32>
      %and3A_102 = vector.broadcast %eq3A_98 : vector<256x1xi1> to vector<256x768xi1>
      %and3A_103 = vector.broadcast %eq3A_101 : vector<1x768xi1> to vector<256x768xi1>
      %and3A_104 = arith.andi %and3A_102, %and3A_103 : vector<256x768xi1>
      %jit3A = arith.constant 0x7F800000 : f32
      %broadcast_in_dim3A = vector.broadcast %jit3A : f32 to vector<256x768xf32>
      %select_n3A = arith.select %and3A_104, %get3A_4, %broadcast_in_dim3A : vector<256x768xi1>, vector<256x768xf32>
      %reduce_min3A = vector.shape_cast %select_n3A : vector<256x768xf32> to vector<1x256x768xf32>
      %reduce_min3A_105 = arith.constant dense<0x7F800000> : vector<1xf32>
      %reduce_min3A_106 = vector.multi_reduction <minimumf>, %reduce_min3A, %reduce_min3A_105 [1, 2] : vector<1x256x768xf32> to vector<1xf32>
      %reduce_min3A_107 = vector.shape_cast %reduce_min3A_106 : vector<1xf32> to vector<1x1x1xf32>
      %reduce_min3A_108 = vector.extract %reduce_min3A_107[0, 0, 0] : f32 from vector<1x1x1xf32>
      %jit3A_109 = arith.constant 0xFF800000 : f32
      %broadcast_in_dim3A_110 = vector.broadcast %jit3A_109 : f32 to vector<256x768xf32>
      %select_n3A_111 = arith.select %and3A_104, %get3A_4, %broadcast_in_dim3A_110 : vector<256x768xi1>, vector<256x768xf32>
      %reduce_max3A = vector.shape_cast %select_n3A_111 : vector<256x768xf32> to vector<1x256x768xf32>
      %reduce_max3A_112 = arith.constant dense<0xFF800000> : vector<1xf32>
      %reduce_max3A_113 = vector.multi_reduction <maximumf>, %reduce_max3A, %reduce_max3A_112 [1, 2] : vector<1x256x768xf32> to vector<1xf32>
      %reduce_max3A_114 = vector.shape_cast %reduce_max3A_113 : vector<1xf32> to vector<1x1x1xf32>
      %reduce_max3A_115 = vector.extract %reduce_max3A_114[0, 0, 0] : f32 from vector<1x1x1xf32>
      %get3A_116 = arith.constant 0 : index
      %get3A_117 = arith.constant 0 : index
      %get3A_118 = vector.load %arg6[%get3A_116, %get3A_117] : memref<8x128xf32, #tpu.memory_space<vmem>>, vector<1x128xf32>
      %eq3A_119 = arith.constant 8 : i32
      %eq3A_120 = vector.broadcast %eq3A_119 : i32 to vector<1x128xi32>
      %eq3A_121 = arith.cmpi eq, %iota3A, %eq3A_120 : vector<1x128xi32>
      %min3A = vector.broadcast %reduce_min3A_108 : f32 to vector<1x128xf32>
      %min3A_122 = arith.minimumf %get3A_118, %min3A : vector<1x128xf32>
      %select_n3A_123 = arith.select %eq3A_121, %min3A_122, %get3A_118 : vector<1x128xi1>, vector<1x128xf32>
      %swap3A = arith.constant 0 : index
      %swap3A_124 = arith.constant 0 : index
      %swap3A_125 = vector.load %arg6[%swap3A, %swap3A_124] : memref<8x128xf32, #tpu.memory_space<vmem>>, vector<1x128xf32>
      tpu.vector_store %arg6[%swap3A, %swap3A_124], %select_n3A_123 {strides = array<i32>} : memref<8x128xf32, #tpu.memory_space<vmem>>, vector<1x128xf32>,
      %get3A_126 = arith.constant 1 : index
      %get3A_127 = arith.constant 0 : index
      %get3A_128 = vector.load %arg6[%get3A_126, %get3A_127] : memref<8x128xf32, #tpu.memory_space<vmem>>, vector<1x128xf32>
      %eq3A_129 = arith.constant 8 : i32
      %eq3A_130 = vector.broadcast %eq3A_129 : i32 to vector<1x128xi32>
      %eq3A_131 = arith.cmpi eq, %iota3A, %eq3A_130 : vector<1x128xi32>
      %max3A = vector.broadcast %reduce_max3A_115 : f32 to vector<1x128xf32>
      %max3A_132 = arith.maximumf %get3A_128, %max3A : vector<1x128xf32>
      %select_n3A_133 = arith.select %eq3A_131, %max3A_132, %get3A_128 : vector<1x128xi1>, vector<1x128xf32>
      %swap3A_134 = arith.constant 1 : index
      %swap3A_135 = arith.constant 0 : index
      %swap3A_136 = vector.load %arg6[%swap3A_134, %swap3A_135] : memref<8x128xf32, #tpu.memory_space<vmem>>, vector<1x128xf32>
      tpu.vector_store %arg6[%swap3A_134, %swap3A_135], %select_n3A_133 {strides = array<i32>} : memref<8x128xf32, #tpu.memory_space<vmem>>, vector<1x128xf32>,
    } else {
    }
    %le3A_88 = arith.constant 9 : i32
    %le3A_89 = arith.cmpi sle, %get3A_13, %le3A_88 : i32
    %ge3A_90 = arith.constant 9 : i32
    %ge3A_91 = arith.cmpi sge, %get3A_16, %ge3A_90 : i32
    %and3A_92 = arith.andi %le3A_89, %ge3A_91 : i1
    %convert_element_type3A_93 = arith.extui %and3A_92 : i1 to i32
    %cond3A_94 = arith.constant 0 : i32
    %cond3A_95 = arith.cmpi ne, %convert_element_type3A_93, %cond3A_94 : i32
    scf.if %cond3A_95 {
      %eq3A_96 = arith.constant 9 : i32
      %eq3A_97 = vector.broadcast %eq3A_96 : i32 to vector<256x1xi32>
      %eq3A_98 = arith.cmpi eq, %get3A_10, %eq3A_97 : vector<256x1xi32>
      %eq3A_99 = arith.constant 9 : i32
      %eq3A_100 = vector.broadcast %eq3A_99 : i32 to vector<1x768xi32>
      %eq3A_101 = arith.cmpi eq, %get3A_7, %eq3A_100 : vector<1x768xi32>
      %and3A_102 = vector.broadcast %eq3A_98 : vector<256x1xi1> to vector<256x768xi1>
      %and3A_103 = vector.broadcast %eq3A_101 : vector<1x768xi1> to vector<256x768xi1>
      %and3A_104 = arith.andi %and3A_102, %and3A_103 : vector<256x768xi1>
      %jit3A = arith.constant 0x7F800000 : f32
      %broadcast_in_dim3A = vector.broadcast %jit3A : f32 to vector<256x768xf32>
      %select_n3A = arith.select %and3A_104, %get3A_4, %broadcast_in_dim3A : vector<256x768xi1>, vector<256x768xf32>
      %reduce_min3A = vector.shape_cast %select_n3A : vector<256x768xf32> to vector<1x256x768xf32>
      %reduce_min3A_105 = arith.constant dense<0x7F800000> : vector<1xf32>
      %reduce_min3A_106 = vector.multi_reduction <minimumf>, %reduce_min3A, %reduce_min3A_105 [1, 2] : vector<1x256x768xf32> to vector<1xf32>
      %reduce_min3A_107 = vector.shape_cast %reduce_min3A_106 : vector<1xf32> to vector<1x1x1xf32>
      %reduce_min3A_108 = vector.extract %reduce_min3A_107[0, 0, 0] : f32 from vector<1x1x1xf32>
      %jit3A_109 = arith.constant 0xFF800000 : f32
      %broadcast_in_dim3A_110 = vector.broadcast %jit3A_109 : f32 to vector<256x768xf32>
      %select_n3A_111 = arith.select %and3A_104, %get3A_4, %broadcast_in_dim3A_110 : vector<256x768xi1>, vector<256x768xf32>
      %reduce_max3A = vector.shape_cast %select_n3A_111 : vector<256x768xf32> to vector<1x256x768xf32>
      %reduce_max3A_112 = arith.constant dense<0xFF800000> : vector<1xf32>
      %reduce_max3A_113 = vector.multi_reduction <maximumf>, %reduce_max3A, %reduce_max3A_112 [1, 2] : vector<1x256x768xf32> to vector<1xf32>
      %reduce_max3A_114 = vector.shape_cast %reduce_max3A_113 : vector<1xf32> to vector<1x1x1xf32>
      %reduce_max3A_115 = vector.extract %reduce_max3A_114[0, 0, 0] : f32 from vector<1x1x1xf32>
      %get3A_116 = arith.constant 0 : index
      %get3A_117 = arith.constant 0 : index
      %get3A_118 = vector.load %arg6[%get3A_116, %get3A_117] : memref<8x128xf32, #tpu.memory_space<vmem>>, vector<1x128xf32>
      %eq3A_119 = arith.constant 9 : i32
      %eq3A_120 = vector.broadcast %eq3A_119 : i32 to vector<1x128xi32>
      %eq3A_121 = arith.cmpi eq, %iota3A, %eq3A_120 : vector<1x128xi32>
      %min3A = vector.broadcast %reduce_min3A_108 : f32 to vector<1x128xf32>
      %min3A_122 = arith.minimumf %get3A_118, %min3A : vector<1x128xf32>
      %select_n3A_123 = arith.select %eq3A_121, %min3A_122, %get3A_118 : vector<1x128xi1>, vector<1x128xf32>
      %swap3A = arith.constant 0 : index
      %swap3A_124 = arith.constant 0 : index
      %swap3A_125 = vector.load %arg6[%swap3A, %swap3A_124] : memref<8x128xf32, #tpu.memory_space<vmem>>, vector<1x128xf32>
      tpu.vector_store %arg6[%swap3A, %swap3A_124], %select_n3A_123 {strides = array<i32>} : memref<8x128xf32, #tpu.memory_space<vmem>>, vector<1x128xf32>,
      %get3A_126 = arith.constant 1 : index
      %get3A_127 = arith.constant 0 : index
      %get3A_128 = vector.load %arg6[%get3A_126, %get3A_127] : memref<8x128xf32, #tpu.memory_space<vmem>>, vector<1x128xf32>
      %eq3A_129 = arith.constant 9 : i32
      %eq3A_130 = vector.broadcast %eq3A_129 : i32 to vector<1x128xi32>
      %eq3A_131 = arith.cmpi eq, %iota3A, %eq3A_130 : vector<1x128xi32>
      %max3A = vector.broadcast %reduce_max3A_115 : f32 to vector<1x128xf32>
      %max3A_132 = arith.maximumf %get3A_128, %max3A : vector<1x128xf32>
      %select_n3A_133 = arith.select %eq3A_131, %max3A_132, %get3A_128 : vector<1x128xi1>, vector<1x128xf32>
      %swap3A_134 = arith.constant 1 : index
      %swap3A_135 = arith.constant 0 : index
      %swap3A_136 = vector.load %arg6[%swap3A_134, %swap3A_135] : memref<8x128xf32, #tpu.memory_space<vmem>>, vector<1x128xf32>
      tpu.vector_store %arg6[%swap3A_134, %swap3A_135], %select_n3A_133 {strides = array<i32>} : memref<8x128xf32, #tpu.memory_space<vmem>>, vector<1x128xf32>,
    } else {
    }
    return
  }
  func.func @transform_0(%arg0: i32) -> (i32, i32) {
    %c0_i32 = arith.constant 0 : i32
    %c0_i32_0 = arith.constant 0 : i32
    %c0_i32_1 = arith.constant 0 : i32
    return %c0_i32, %c0_i32_0 : i32, i32
  }
  func.func @transform_1(%arg0: i32) -> (i32, i32) {
    %c0_i32 = arith.constant 0 : i32
    %c0_i32_0 = arith.constant 0 : i32
    %c0_i32_1 = arith.constant 0 : i32
    return %c0_i32, %c0_i32_0 : i32, i32
  }
  func.func @transform_2(%arg0: i32) -> (i32, i32) {
    %c0_i32 = arith.constant 0 : i32
    %c0_i32_0 = arith.constant 0 : i32
    return %arg0, %c0_i32 : i32, i32
  }
  func.func @transform_3(%arg0: i32) -> (i32, i32) {
    %c0_i32 = arith.constant 0 : i32
    %c0_i32_0 = arith.constant 0 : i32
    %c0_i32_1 = arith.constant 0 : i32
    return %c0_i32, %c0_i32_0 : i32, i32
  }
  func.func @transform_4(%arg0: i32) -> (i32, i32) {
    %c0_i32 = arith.constant 0 : i32
    %c0_i32_0 = arith.constant 0 : i32
    return %arg0, %c0_i32 : i32, i32
  }
  func.func @transform_5(%arg0: i32) -> (i32, i32) {
    %c0_i32 = arith.constant 0 : i32
    %c0_i32_0 = arith.constant 0 : i32
    %c0_i32_1 = arith.constant 0 : i32
    return %c0_i32, %c0_i32_0 : i32, i32
  }
}

module attributes {stable_mosaic.version = 14 : i64} {
  func.func @_sinkhorn_body(%arg0: i32, %arg1: memref<8x16xf32, #tpu.memory_space<smem>>, %arg2: memref<1x8xi32, #tpu.memory_space<smem>>, %arg3: memref<256x2048xf32, #tpu.memory_space<vmem>>, %arg4: memref<1x2048xi32, #tpu.memory_space<vmem>>, %arg5: memref<256x1xi32, #tpu.memory_space<vmem>>, %arg6: memref<256x1xf32, #tpu.memory_space<vmem>>) attributes {dimension_semantics = [#tpu.dimension_semantics<arbitrary>], iteration_bounds = array<i64: 8>, scalar_prefetch = 0 : i64, scratch_operands = 0 : i64, tpu.core_type = #tpu.core_type<tc>, window_params = [{transform_indices = @transform_0, window_bounds = array<i64: 8, 16>}, {transform_indices = @transform_1, window_bounds = array<i64: 1, 8>}, {transform_indices = @transform_2, window_bounds = array<i64: 256, 2048>}, {pipeline_mode = #tpu.pipeline_mode<synchronous>, transform_indices = @transform_3, window_bounds = array<i64: 1, 2048>}, {transform_indices = @transform_4, window_bounds = array<i64: 256, 1>}, {transform_indices = @transform_5, window_bounds = array<i64: 256, 1>}]} {
    %get3A = arith.constant 0 : index
    %get3A_0 = arith.index_cast %arg0 : i32 to index
    %get3A_1 = memref.load %arg2[%get3A, %get3A_0] : memref<1x8xi32, #tpu.memory_space<smem>>
    %multiple_of3A = tpu.assume_multiple %get3A_1, 128 : i32
    %get3A_2 = arith.constant 0 : index
    %get3A_3 = arith.index_cast %multiple_of3A : i32 to index
    %get3A_4 = vector.load %arg3[%get3A_2, %get3A_3] : memref<256x2048xf32, #tpu.memory_space<vmem>>, vector<256x2048xf32>
    %get3A_5 = arith.constant 0 : index
    %get3A_6 = arith.index_cast %multiple_of3A : i32 to index
    %get3A_7 = vector.load %arg4[%get3A_5, %get3A_6] : memref<1x2048xi32, #tpu.memory_space<vmem>>, vector<1x2048xi32>
    %get3A_8 = arith.constant 0 : index
    %get3A_9 = arith.constant 0 : index
    %get3A_10 = vector.load %arg5[%get3A_8, %get3A_9] : memref<256x1xi32, #tpu.memory_space<vmem>>, vector<256x1xi32>
    %eq3A = vector.broadcast %get3A_7 : vector<1x2048xi32> to vector<256x2048xi32>
    %eq3A_11 = vector.broadcast %get3A_10 : vector<256x1xi32> to vector<256x2048xi32>
    %eq3A_12 = arith.cmpi eq, %eq3A, %eq3A_11 : vector<256x2048xi32>
    %broadcast_in_dim3A = arith.constant 0.000000e+00 : f32
    %broadcast_in_dim3A_13 = vector.broadcast %broadcast_in_dim3A : f32 to vector<256x1xf32>
    %eq3A_14 = arith.constant 0 : i32
    %eq3A_15 = vector.broadcast %eq3A_14 : i32 to vector<256x1xi32>
    %eq3A_16 = arith.cmpi eq, %get3A_10, %eq3A_15 : vector<256x1xi32>
    %get3A_17 = arith.constant 0 : index
    %get3A_18 = arith.constant 0 : index
    %get3A_19 = memref.load %arg1[%get3A_17, %get3A_18] : memref<8x16xf32, #tpu.memory_space<smem>>
    %broadcast_in_dim3A_20 = vector.broadcast %get3A_19 : f32 to vector<256x1xf32>
    %select_n3A = arith.select %eq3A_16, %broadcast_in_dim3A_20, %broadcast_in_dim3A_13 : vector<256x1xi1>, vector<256x1xf32>
    %eq3A_21 = arith.constant 1 : i32
    %eq3A_22 = vector.broadcast %eq3A_21 : i32 to vector<256x1xi32>
    %eq3A_23 = arith.cmpi eq, %get3A_10, %eq3A_22 : vector<256x1xi32>
    %get3A_24 = arith.constant 0 : index
    %get3A_25 = arith.constant 1 : index
    %get3A_26 = memref.load %arg1[%get3A_24, %get3A_25] : memref<8x16xf32, #tpu.memory_space<smem>>
    %broadcast_in_dim3A_27 = vector.broadcast %get3A_26 : f32 to vector<256x1xf32>
    %select_n3A_28 = arith.select %eq3A_23, %broadcast_in_dim3A_27, %select_n3A : vector<256x1xi1>, vector<256x1xf32>
    %eq3A_29 = arith.constant 2 : i32
    %eq3A_30 = vector.broadcast %eq3A_29 : i32 to vector<256x1xi32>
    %eq3A_31 = arith.cmpi eq, %get3A_10, %eq3A_30 : vector<256x1xi32>
    %get3A_32 = arith.constant 0 : index
    %get3A_33 = arith.constant 2 : index
    %get3A_34 = memref.load %arg1[%get3A_32, %get3A_33] : memref<8x16xf32, #tpu.memory_space<smem>>
    %broadcast_in_dim3A_35 = vector.broadcast %get3A_34 : f32 to vector<256x1xf32>
    %select_n3A_36 = arith.select %eq3A_31, %broadcast_in_dim3A_35, %select_n3A_28 : vector<256x1xi1>, vector<256x1xf32>
    %eq3A_37 = arith.constant 3 : i32
    %eq3A_38 = vector.broadcast %eq3A_37 : i32 to vector<256x1xi32>
    %eq3A_39 = arith.cmpi eq, %get3A_10, %eq3A_38 : vector<256x1xi32>
    %get3A_40 = arith.constant 0 : index
    %get3A_41 = arith.constant 3 : index
    %get3A_42 = memref.load %arg1[%get3A_40, %get3A_41] : memref<8x16xf32, #tpu.memory_space<smem>>
    %broadcast_in_dim3A_43 = vector.broadcast %get3A_42 : f32 to vector<256x1xf32>
    %select_n3A_44 = arith.select %eq3A_39, %broadcast_in_dim3A_43, %select_n3A_36 : vector<256x1xi1>, vector<256x1xf32>
    %eq3A_45 = arith.constant 4 : i32
    %eq3A_46 = vector.broadcast %eq3A_45 : i32 to vector<256x1xi32>
    %eq3A_47 = arith.cmpi eq, %get3A_10, %eq3A_46 : vector<256x1xi32>
    %get3A_48 = arith.constant 0 : index
    %get3A_49 = arith.constant 4 : index
    %get3A_50 = memref.load %arg1[%get3A_48, %get3A_49] : memref<8x16xf32, #tpu.memory_space<smem>>
    %broadcast_in_dim3A_51 = vector.broadcast %get3A_50 : f32 to vector<256x1xf32>
    %select_n3A_52 = arith.select %eq3A_47, %broadcast_in_dim3A_51, %select_n3A_44 : vector<256x1xi1>, vector<256x1xf32>
    %eq3A_53 = arith.constant 5 : i32
    %eq3A_54 = vector.broadcast %eq3A_53 : i32 to vector<256x1xi32>
    %eq3A_55 = arith.cmpi eq, %get3A_10, %eq3A_54 : vector<256x1xi32>
    %get3A_56 = arith.constant 0 : index
    %get3A_57 = arith.constant 5 : index
    %get3A_58 = memref.load %arg1[%get3A_56, %get3A_57] : memref<8x16xf32, #tpu.memory_space<smem>>
    %broadcast_in_dim3A_59 = vector.broadcast %get3A_58 : f32 to vector<256x1xf32>
    %select_n3A_60 = arith.select %eq3A_55, %broadcast_in_dim3A_59, %select_n3A_52 : vector<256x1xi1>, vector<256x1xf32>
    %eq3A_61 = arith.constant 6 : i32
    %eq3A_62 = vector.broadcast %eq3A_61 : i32 to vector<256x1xi32>
    %eq3A_63 = arith.cmpi eq, %get3A_10, %eq3A_62 : vector<256x1xi32>
    %get3A_64 = arith.constant 0 : index
    %get3A_65 = arith.constant 6 : index
    %get3A_66 = memref.load %arg1[%get3A_64, %get3A_65] : memref<8x16xf32, #tpu.memory_space<smem>>
    %broadcast_in_dim3A_67 = vector.broadcast %get3A_66 : f32 to vector<256x1xf32>
    %select_n3A_68 = arith.select %eq3A_63, %broadcast_in_dim3A_67, %select_n3A_60 : vector<256x1xi1>, vector<256x1xf32>
    %eq3A_69 = arith.constant 7 : i32
    %eq3A_70 = vector.broadcast %eq3A_69 : i32 to vector<256x1xi32>
    %eq3A_71 = arith.cmpi eq, %get3A_10, %eq3A_70 : vector<256x1xi32>
    %get3A_72 = arith.constant 0 : index
    %get3A_73 = arith.constant 7 : index
    %get3A_74 = memref.load %arg1[%get3A_72, %get3A_73] : memref<8x16xf32, #tpu.memory_space<smem>>
    %broadcast_in_dim3A_75 = vector.broadcast %get3A_74 : f32 to vector<256x1xf32>
    %select_n3A_76 = arith.select %eq3A_71, %broadcast_in_dim3A_75, %select_n3A_68 : vector<256x1xi1>, vector<256x1xf32>
    %eq3A_77 = arith.constant 8 : i32
    %eq3A_78 = vector.broadcast %eq3A_77 : i32 to vector<256x1xi32>
    %eq3A_79 = arith.cmpi eq, %get3A_10, %eq3A_78 : vector<256x1xi32>
    %get3A_80 = arith.constant 0 : index
    %get3A_81 = arith.constant 8 : index
    %get3A_82 = memref.load %arg1[%get3A_80, %get3A_81] : memref<8x16xf32, #tpu.memory_space<smem>>
    %broadcast_in_dim3A_83 = vector.broadcast %get3A_82 : f32 to vector<256x1xf32>
    %select_n3A_84 = arith.select %eq3A_79, %broadcast_in_dim3A_83, %select_n3A_76 : vector<256x1xi1>, vector<256x1xf32>
    %eq3A_85 = arith.constant 9 : i32
    %eq3A_86 = vector.broadcast %eq3A_85 : i32 to vector<256x1xi32>
    %eq3A_87 = arith.cmpi eq, %get3A_10, %eq3A_86 : vector<256x1xi32>
    %get3A_88 = arith.constant 0 : index
    %get3A_89 = arith.constant 9 : index
    %get3A_90 = memref.load %arg1[%get3A_88, %get3A_89] : memref<8x16xf32, #tpu.memory_space<smem>>
    %broadcast_in_dim3A_91 = vector.broadcast %get3A_90 : f32 to vector<256x1xf32>
    %select_n3A_92 = arith.select %eq3A_87, %broadcast_in_dim3A_91, %select_n3A_84 : vector<256x1xi1>, vector<256x1xf32>
    %broadcast_in_dim3A_93 = arith.constant 0.000000e+00 : f32
    %broadcast_in_dim3A_94 = vector.broadcast %broadcast_in_dim3A_93 : f32 to vector<256x1xf32>
    %eq3A_95 = arith.constant 0 : i32
    %eq3A_96 = vector.broadcast %eq3A_95 : i32 to vector<256x1xi32>
    %eq3A_97 = arith.cmpi eq, %get3A_10, %eq3A_96 : vector<256x1xi32>
    %get3A_98 = arith.constant 1 : index
    %get3A_99 = arith.constant 0 : index
    %get3A_100 = memref.load %arg1[%get3A_98, %get3A_99] : memref<8x16xf32, #tpu.memory_space<smem>>
    %broadcast_in_dim3A_101 = vector.broadcast %get3A_100 : f32 to vector<256x1xf32>
    %select_n3A_102 = arith.select %eq3A_97, %broadcast_in_dim3A_101, %broadcast_in_dim3A_94 : vector<256x1xi1>, vector<256x1xf32>
    %eq3A_103 = arith.constant 1 : i32
    %eq3A_104 = vector.broadcast %eq3A_103 : i32 to vector<256x1xi32>
    %eq3A_105 = arith.cmpi eq, %get3A_10, %eq3A_104 : vector<256x1xi32>
    %get3A_106 = arith.constant 1 : index
    %get3A_107 = arith.constant 1 : index
    %get3A_108 = memref.load %arg1[%get3A_106, %get3A_107] : memref<8x16xf32, #tpu.memory_space<smem>>
    %broadcast_in_dim3A_109 = vector.broadcast %get3A_108 : f32 to vector<256x1xf32>
    %select_n3A_110 = arith.select %eq3A_105, %broadcast_in_dim3A_109, %select_n3A_102 : vector<256x1xi1>, vector<256x1xf32>
    %eq3A_111 = arith.constant 2 : i32
    %eq3A_112 = vector.broadcast %eq3A_111 : i32 to vector<256x1xi32>
    %eq3A_113 = arith.cmpi eq, %get3A_10, %eq3A_112 : vector<256x1xi32>
    %get3A_114 = arith.constant 1 : index
    %get3A_115 = arith.constant 2 : index
    %get3A_116 = memref.load %arg1[%get3A_114, %get3A_115] : memref<8x16xf32, #tpu.memory_space<smem>>
    %broadcast_in_dim3A_117 = vector.broadcast %get3A_116 : f32 to vector<256x1xf32>
    %select_n3A_118 = arith.select %eq3A_113, %broadcast_in_dim3A_117, %select_n3A_110 : vector<256x1xi1>, vector<256x1xf32>
    %eq3A_119 = arith.constant 3 : i32
    %eq3A_120 = vector.broadcast %eq3A_119 : i32 to vector<256x1xi32>
    %eq3A_121 = arith.cmpi eq, %get3A_10, %eq3A_120 : vector<256x1xi32>
    %get3A_122 = arith.constant 1 : index
    %get3A_123 = arith.constant 3 : index
    %get3A_124 = memref.load %arg1[%get3A_122, %get3A_123] : memref<8x16xf32, #tpu.memory_space<smem>>
    %broadcast_in_dim3A_125 = vector.broadcast %get3A_124 : f32 to vector<256x1xf32>
    %select_n3A_126 = arith.select %eq3A_121, %broadcast_in_dim3A_125, %select_n3A_118 : vector<256x1xi1>, vector<256x1xf32>
    %eq3A_127 = arith.constant 4 : i32
    %eq3A_128 = vector.broadcast %eq3A_127 : i32 to vector<256x1xi32>
    %eq3A_129 = arith.cmpi eq, %get3A_10, %eq3A_128 : vector<256x1xi32>
    %get3A_130 = arith.constant 1 : index
    %get3A_131 = arith.constant 4 : index
    %get3A_132 = memref.load %arg1[%get3A_130, %get3A_131] : memref<8x16xf32, #tpu.memory_space<smem>>
    %broadcast_in_dim3A_133 = vector.broadcast %get3A_132 : f32 to vector<256x1xf32>
    %select_n3A_134 = arith.select %eq3A_129, %broadcast_in_dim3A_133, %select_n3A_126 : vector<256x1xi1>, vector<256x1xf32>
    %eq3A_135 = arith.constant 5 : i32
    %eq3A_136 = vector.broadcast %eq3A_135 : i32 to vector<256x1xi32>
    %eq3A_137 = arith.cmpi eq, %get3A_10, %eq3A_136 : vector<256x1xi32>
    %get3A_138 = arith.constant 1 : index
    %get3A_139 = arith.constant 5 : index
    %get3A_140 = memref.load %arg1[%get3A_138, %get3A_139] : memref<8x16xf32, #tpu.memory_space<smem>>
    %broadcast_in_dim3A_141 = vector.broadcast %get3A_140 : f32 to vector<256x1xf32>
    %select_n3A_142 = arith.select %eq3A_137, %broadcast_in_dim3A_141, %select_n3A_134 : vector<256x1xi1>, vector<256x1xf32>
    %eq3A_143 = arith.constant 6 : i32
    %eq3A_144 = vector.broadcast %eq3A_143 : i32 to vector<256x1xi32>
    %eq3A_145 = arith.cmpi eq, %get3A_10, %eq3A_144 : vector<256x1xi32>
    %get3A_146 = arith.constant 1 : index
    %get3A_147 = arith.constant 6 : index
    %get3A_148 = memref.load %arg1[%get3A_146, %get3A_147] : memref<8x16xf32, #tpu.memory_space<smem>>
    %broadcast_in_dim3A_149 = vector.broadcast %get3A_148 : f32 to vector<256x1xf32>
    %select_n3A_150 = arith.select %eq3A_145, %broadcast_in_dim3A_149, %select_n3A_142 : vector<256x1xi1>, vector<256x1xf32>
    %eq3A_151 = arith.constant 7 : i32
    %eq3A_152 = vector.broadcast %eq3A_151 : i32 to vector<256x1xi32>
    %eq3A_153 = arith.cmpi eq, %get3A_10, %eq3A_152 : vector<256x1xi32>
    %get3A_154 = arith.constant 1 : index
    %get3A_155 = arith.constant 7 : index
    %get3A_156 = memref.load %arg1[%get3A_154, %get3A_155] : memref<8x16xf32, #tpu.memory_space<smem>>
    %broadcast_in_dim3A_157 = vector.broadcast %get3A_156 : f32 to vector<256x1xf32>
    %select_n3A_158 = arith.select %eq3A_153, %broadcast_in_dim3A_157, %select_n3A_150 : vector<256x1xi1>, vector<256x1xf32>
    %eq3A_159 = arith.constant 8 : i32
    %eq3A_160 = vector.broadcast %eq3A_159 : i32 to vector<256x1xi32>
    %eq3A_161 = arith.cmpi eq, %get3A_10, %eq3A_160 : vector<256x1xi32>
    %get3A_162 = arith.constant 1 : index
    %get3A_163 = arith.constant 8 : index
    %get3A_164 = memref.load %arg1[%get3A_162, %get3A_163] : memref<8x16xf32, #tpu.memory_space<smem>>
    %broadcast_in_dim3A_165 = vector.broadcast %get3A_164 : f32 to vector<256x1xf32>
    %select_n3A_166 = arith.select %eq3A_161, %broadcast_in_dim3A_165, %select_n3A_158 : vector<256x1xi1>, vector<256x1xf32>
    %eq3A_167 = arith.constant 9 : i32
    %eq3A_168 = vector.broadcast %eq3A_167 : i32 to vector<256x1xi32>
    %eq3A_169 = arith.cmpi eq, %get3A_10, %eq3A_168 : vector<256x1xi32>
    %get3A_170 = arith.constant 1 : index
    %get3A_171 = arith.constant 9 : index
    %get3A_172 = memref.load %arg1[%get3A_170, %get3A_171] : memref<8x16xf32, #tpu.memory_space<smem>>
    %broadcast_in_dim3A_173 = vector.broadcast %get3A_172 : f32 to vector<256x1xf32>
    %select_n3A_174 = arith.select %eq3A_169, %broadcast_in_dim3A_173, %select_n3A_166 : vector<256x1xi1>, vector<256x1xf32>
    %broadcast_in_dim3A_175 = arith.constant 0.000000e+00 : f32
    %broadcast_in_dim3A_176 = vector.broadcast %broadcast_in_dim3A_175 : f32 to vector<256x1xf32>
    %eq3A_177 = arith.constant 0 : i32
    %eq3A_178 = vector.broadcast %eq3A_177 : i32 to vector<256x1xi32>
    %eq3A_179 = arith.cmpi eq, %get3A_10, %eq3A_178 : vector<256x1xi32>
    %get3A_180 = arith.constant 2 : index
    %get3A_181 = arith.constant 0 : index
    %get3A_182 = memref.load %arg1[%get3A_180, %get3A_181] : memref<8x16xf32, #tpu.memory_space<smem>>
    %broadcast_in_dim3A_183 = vector.broadcast %get3A_182 : f32 to vector<256x1xf32>
    %select_n3A_184 = arith.select %eq3A_179, %broadcast_in_dim3A_183, %broadcast_in_dim3A_176 : vector<256x1xi1>, vector<256x1xf32>
    %eq3A_185 = arith.constant 1 : i32
    %eq3A_186 = vector.broadcast %eq3A_185 : i32 to vector<256x1xi32>
    %eq3A_187 = arith.cmpi eq, %get3A_10, %eq3A_186 : vector<256x1xi32>
    %get3A_188 = arith.constant 2 : index
    %get3A_189 = arith.constant 1 : index
    %get3A_190 = memref.load %arg1[%get3A_188, %get3A_189] : memref<8x16xf32, #tpu.memory_space<smem>>
    %broadcast_in_dim3A_191 = vector.broadcast %get3A_190 : f32 to vector<256x1xf32>
    %select_n3A_192 = arith.select %eq3A_187, %broadcast_in_dim3A_191, %select_n3A_184 : vector<256x1xi1>, vector<256x1xf32>
    %eq3A_193 = arith.constant 2 : i32
    %eq3A_194 = vector.broadcast %eq3A_193 : i32 to vector<256x1xi32>
    %eq3A_195 = arith.cmpi eq, %get3A_10, %eq3A_194 : vector<256x1xi32>
    %get3A_196 = arith.constant 2 : index
    %get3A_197 = arith.constant 2 : index
    %get3A_198 = memref.load %arg1[%get3A_196, %get3A_197] : memref<8x16xf32, #tpu.memory_space<smem>>
    %broadcast_in_dim3A_199 = vector.broadcast %get3A_198 : f32 to vector<256x1xf32>
    %select_n3A_200 = arith.select %eq3A_195, %broadcast_in_dim3A_199, %select_n3A_192 : vector<256x1xi1>, vector<256x1xf32>
    %eq3A_201 = arith.constant 3 : i32
    %eq3A_202 = vector.broadcast %eq3A_201 : i32 to vector<256x1xi32>
    %eq3A_203 = arith.cmpi eq, %get3A_10, %eq3A_202 : vector<256x1xi32>
    %get3A_204 = arith.constant 2 : index
    %get3A_205 = arith.constant 3 : index
    %get3A_206 = memref.load %arg1[%get3A_204, %get3A_205] : memref<8x16xf32, #tpu.memory_space<smem>>
    %broadcast_in_dim3A_207 = vector.broadcast %get3A_206 : f32 to vector<256x1xf32>
    %select_n3A_208 = arith.select %eq3A_203, %broadcast_in_dim3A_207, %select_n3A_200 : vector<256x1xi1>, vector<256x1xf32>
    %eq3A_209 = arith.constant 4 : i32
    %eq3A_210 = vector.broadcast %eq3A_209 : i32 to vector<256x1xi32>
    %eq3A_211 = arith.cmpi eq, %get3A_10, %eq3A_210 : vector<256x1xi32>
    %get3A_212 = arith.constant 2 : index
    %get3A_213 = arith.constant 4 : index
    %get3A_214 = memref.load %arg1[%get3A_212, %get3A_213] : memref<8x16xf32, #tpu.memory_space<smem>>
    %broadcast_in_dim3A_215 = vector.broadcast %get3A_214 : f32 to vector<256x1xf32>
    %select_n3A_216 = arith.select %eq3A_211, %broadcast_in_dim3A_215, %select_n3A_208 : vector<256x1xi1>, vector<256x1xf32>
    %eq3A_217 = arith.constant 5 : i32
    %eq3A_218 = vector.broadcast %eq3A_217 : i32 to vector<256x1xi32>
    %eq3A_219 = arith.cmpi eq, %get3A_10, %eq3A_218 : vector<256x1xi32>
    %get3A_220 = arith.constant 2 : index
    %get3A_221 = arith.constant 5 : index
    %get3A_222 = memref.load %arg1[%get3A_220, %get3A_221] : memref<8x16xf32, #tpu.memory_space<smem>>
    %broadcast_in_dim3A_223 = vector.broadcast %get3A_222 : f32 to vector<256x1xf32>
    %select_n3A_224 = arith.select %eq3A_219, %broadcast_in_dim3A_223, %select_n3A_216 : vector<256x1xi1>, vector<256x1xf32>
    %eq3A_225 = arith.constant 6 : i32
    %eq3A_226 = vector.broadcast %eq3A_225 : i32 to vector<256x1xi32>
    %eq3A_227 = arith.cmpi eq, %get3A_10, %eq3A_226 : vector<256x1xi32>
    %get3A_228 = arith.constant 2 : index
    %get3A_229 = arith.constant 6 : index
    %get3A_230 = memref.load %arg1[%get3A_228, %get3A_229] : memref<8x16xf32, #tpu.memory_space<smem>>
    %broadcast_in_dim3A_231 = vector.broadcast %get3A_230 : f32 to vector<256x1xf32>
    %select_n3A_232 = arith.select %eq3A_227, %broadcast_in_dim3A_231, %select_n3A_224 : vector<256x1xi1>, vector<256x1xf32>
    %eq3A_233 = arith.constant 7 : i32
    %eq3A_234 = vector.broadcast %eq3A_233 : i32 to vector<256x1xi32>
    %eq3A_235 = arith.cmpi eq, %get3A_10, %eq3A_234 : vector<256x1xi32>
    %get3A_236 = arith.constant 2 : index
    %get3A_237 = arith.constant 7 : index
    %get3A_238 = memref.load %arg1[%get3A_236, %get3A_237] : memref<8x16xf32, #tpu.memory_space<smem>>
    %broadcast_in_dim3A_239 = vector.broadcast %get3A_238 : f32 to vector<256x1xf32>
    %select_n3A_240 = arith.select %eq3A_235, %broadcast_in_dim3A_239, %select_n3A_232 : vector<256x1xi1>, vector<256x1xf32>
    %eq3A_241 = arith.constant 8 : i32
    %eq3A_242 = vector.broadcast %eq3A_241 : i32 to vector<256x1xi32>
    %eq3A_243 = arith.cmpi eq, %get3A_10, %eq3A_242 : vector<256x1xi32>
    %get3A_244 = arith.constant 2 : index
    %get3A_245 = arith.constant 8 : index
    %get3A_246 = memref.load %arg1[%get3A_244, %get3A_245] : memref<8x16xf32, #tpu.memory_space<smem>>
    %broadcast_in_dim3A_247 = vector.broadcast %get3A_246 : f32 to vector<256x1xf32>
    %select_n3A_248 = arith.select %eq3A_243, %broadcast_in_dim3A_247, %select_n3A_240 : vector<256x1xi1>, vector<256x1xf32>
    %eq3A_249 = arith.constant 9 : i32
    %eq3A_250 = vector.broadcast %eq3A_249 : i32 to vector<256x1xi32>
    %eq3A_251 = arith.cmpi eq, %get3A_10, %eq3A_250 : vector<256x1xi32>
    %get3A_252 = arith.constant 2 : index
    %get3A_253 = arith.constant 9 : index
    %get3A_254 = memref.load %arg1[%get3A_252, %get3A_253] : memref<8x16xf32, #tpu.memory_space<smem>>
    %broadcast_in_dim3A_255 = vector.broadcast %get3A_254 : f32 to vector<256x1xf32>
    %select_n3A_256 = arith.select %eq3A_251, %broadcast_in_dim3A_255, %select_n3A_248 : vector<256x1xi1>, vector<256x1xf32>
    %broadcast_in_dim3A_257 = arith.constant 0.000000e+00 : f32
    %broadcast_in_dim3A_258 = vector.broadcast %broadcast_in_dim3A_257 : f32 to vector<256x1xf32>
    %eq3A_259 = arith.constant 0 : i32
    %eq3A_260 = vector.broadcast %eq3A_259 : i32 to vector<256x1xi32>
    %eq3A_261 = arith.cmpi eq, %get3A_10, %eq3A_260 : vector<256x1xi32>
    %get3A_262 = arith.constant 3 : index
    %get3A_263 = arith.constant 0 : index
    %get3A_264 = memref.load %arg1[%get3A_262, %get3A_263] : memref<8x16xf32, #tpu.memory_space<smem>>
    %broadcast_in_dim3A_265 = vector.broadcast %get3A_264 : f32 to vector<256x1xf32>
    %select_n3A_266 = arith.select %eq3A_261, %broadcast_in_dim3A_265, %broadcast_in_dim3A_258 : vector<256x1xi1>, vector<256x1xf32>
    %eq3A_267 = arith.constant 1 : i32
    %eq3A_268 = vector.broadcast %eq3A_267 : i32 to vector<256x1xi32>
    %eq3A_269 = arith.cmpi eq, %get3A_10, %eq3A_268 : vector<256x1xi32>
    %get3A_270 = arith.constant 3 : index
    %get3A_271 = arith.constant 1 : index
    %get3A_272 = memref.load %arg1[%get3A_270, %get3A_271] : memref<8x16xf32, #tpu.memory_space<smem>>
    %broadcast_in_dim3A_273 = vector.broadcast %get3A_272 : f32 to vector<256x1xf32>
    %select_n3A_274 = arith.select %eq3A_269, %broadcast_in_dim3A_273, %select_n3A_266 : vector<256x1xi1>, vector<256x1xf32>
    %eq3A_275 = arith.constant 2 : i32
    %eq3A_276 = vector.broadcast %eq3A_275 : i32 to vector<256x1xi32>
    %eq3A_277 = arith.cmpi eq, %get3A_10, %eq3A_276 : vector<256x1xi32>
    %get3A_278 = arith.constant 3 : index
    %get3A_279 = arith.constant 2 : index
    %get3A_280 = memref.load %arg1[%get3A_278, %get3A_279] : memref<8x16xf32, #tpu.memory_space<smem>>
    %broadcast_in_dim3A_281 = vector.broadcast %get3A_280 : f32 to vector<256x1xf32>
    %select_n3A_282 = arith.select %eq3A_277, %broadcast_in_dim3A_281, %select_n3A_274 : vector<256x1xi1>, vector<256x1xf32>
    %eq3A_283 = arith.constant 3 : i32
    %eq3A_284 = vector.broadcast %eq3A_283 : i32 to vector<256x1xi32>
    %eq3A_285 = arith.cmpi eq, %get3A_10, %eq3A_284 : vector<256x1xi32>
    %get3A_286 = arith.constant 3 : index
    %get3A_287 = arith.constant 3 : index
    %get3A_288 = memref.load %arg1[%get3A_286, %get3A_287] : memref<8x16xf32, #tpu.memory_space<smem>>
    %broadcast_in_dim3A_289 = vector.broadcast %get3A_288 : f32 to vector<256x1xf32>
    %select_n3A_290 = arith.select %eq3A_285, %broadcast_in_dim3A_289, %select_n3A_282 : vector<256x1xi1>, vector<256x1xf32>
    %eq3A_291 = arith.constant 4 : i32
    %eq3A_292 = vector.broadcast %eq3A_291 : i32 to vector<256x1xi32>
    %eq3A_293 = arith.cmpi eq, %get3A_10, %eq3A_292 : vector<256x1xi32>
    %get3A_294 = arith.constant 3 : index
    %get3A_295 = arith.constant 4 : index
    %get3A_296 = memref.load %arg1[%get3A_294, %get3A_295] : memref<8x16xf32, #tpu.memory_space<smem>>
    %broadcast_in_dim3A_297 = vector.broadcast %get3A_296 : f32 to vector<256x1xf32>
    %select_n3A_298 = arith.select %eq3A_293, %broadcast_in_dim3A_297, %select_n3A_290 : vector<256x1xi1>, vector<256x1xf32>
    %eq3A_299 = arith.constant 5 : i32
    %eq3A_300 = vector.broadcast %eq3A_299 : i32 to vector<256x1xi32>
    %eq3A_301 = arith.cmpi eq, %get3A_10, %eq3A_300 : vector<256x1xi32>
    %get3A_302 = arith.constant 3 : index
    %get3A_303 = arith.constant 5 : index
    %get3A_304 = memref.load %arg1[%get3A_302, %get3A_303] : memref<8x16xf32, #tpu.memory_space<smem>>
    %broadcast_in_dim3A_305 = vector.broadcast %get3A_304 : f32 to vector<256x1xf32>
    %select_n3A_306 = arith.select %eq3A_301, %broadcast_in_dim3A_305, %select_n3A_298 : vector<256x1xi1>, vector<256x1xf32>
    %eq3A_307 = arith.constant 6 : i32
    %eq3A_308 = vector.broadcast %eq3A_307 : i32 to vector<256x1xi32>
    %eq3A_309 = arith.cmpi eq, %get3A_10, %eq3A_308 : vector<256x1xi32>
    %get3A_310 = arith.constant 3 : index
    %get3A_311 = arith.constant 6 : index
    %get3A_312 = memref.load %arg1[%get3A_310, %get3A_311] : memref<8x16xf32, #tpu.memory_space<smem>>
    %broadcast_in_dim3A_313 = vector.broadcast %get3A_312 : f32 to vector<256x1xf32>
    %select_n3A_314 = arith.select %eq3A_309, %broadcast_in_dim3A_313, %select_n3A_306 : vector<256x1xi1>, vector<256x1xf32>
    %eq3A_315 = arith.constant 7 : i32
    %eq3A_316 = vector.broadcast %eq3A_315 : i32 to vector<256x1xi32>
    %eq3A_317 = arith.cmpi eq, %get3A_10, %eq3A_316 : vector<256x1xi32>
    %get3A_318 = arith.constant 3 : index
    %get3A_319 = arith.constant 7 : index
    %get3A_320 = memref.load %arg1[%get3A_318, %get3A_319] : memref<8x16xf32, #tpu.memory_space<smem>>
    %broadcast_in_dim3A_321 = vector.broadcast %get3A_320 : f32 to vector<256x1xf32>
    %select_n3A_322 = arith.select %eq3A_317, %broadcast_in_dim3A_321, %select_n3A_314 : vector<256x1xi1>, vector<256x1xf32>
    %eq3A_323 = arith.constant 8 : i32
    %eq3A_324 = vector.broadcast %eq3A_323 : i32 to vector<256x1xi32>
    %eq3A_325 = arith.cmpi eq, %get3A_10, %eq3A_324 : vector<256x1xi32>
    %get3A_326 = arith.constant 3 : index
    %get3A_327 = arith.constant 8 : index
    %get3A_328 = memref.load %arg1[%get3A_326, %get3A_327] : memref<8x16xf32, #tpu.memory_space<smem>>
    %broadcast_in_dim3A_329 = vector.broadcast %get3A_328 : f32 to vector<256x1xf32>
    %select_n3A_330 = arith.select %eq3A_325, %broadcast_in_dim3A_329, %select_n3A_322 : vector<256x1xi1>, vector<256x1xf32>
    %eq3A_331 = arith.constant 9 : i32
    %eq3A_332 = vector.broadcast %eq3A_331 : i32 to vector<256x1xi32>
    %eq3A_333 = arith.cmpi eq, %get3A_10, %eq3A_332 : vector<256x1xi32>
    %get3A_334 = arith.constant 3 : index
    %get3A_335 = arith.constant 9 : index
    %get3A_336 = memref.load %arg1[%get3A_334, %get3A_335] : memref<8x16xf32, #tpu.memory_space<smem>>
    %broadcast_in_dim3A_337 = vector.broadcast %get3A_336 : f32 to vector<256x1xf32>
    %select_n3A_338 = arith.select %eq3A_333, %broadcast_in_dim3A_337, %select_n3A_330 : vector<256x1xi1>, vector<256x1xf32>
    %broadcast_in_dim3A_339 = arith.constant 0.000000e+00 : f32
    %broadcast_in_dim3A_340 = vector.broadcast %broadcast_in_dim3A_339 : f32 to vector<256x1xf32>
    %eq3A_341 = arith.constant 0 : i32
    %eq3A_342 = vector.broadcast %eq3A_341 : i32 to vector<256x1xi32>
    %eq3A_343 = arith.cmpi eq, %get3A_10, %eq3A_342 : vector<256x1xi32>
    %get3A_344 = arith.constant 4 : index
    %get3A_345 = arith.constant 0 : index
    %get3A_346 = memref.load %arg1[%get3A_344, %get3A_345] : memref<8x16xf32, #tpu.memory_space<smem>>
    %broadcast_in_dim3A_347 = vector.broadcast %get3A_346 : f32 to vector<256x1xf32>
    %select_n3A_348 = arith.select %eq3A_343, %broadcast_in_dim3A_347, %broadcast_in_dim3A_340 : vector<256x1xi1>, vector<256x1xf32>
    %eq3A_349 = arith.constant 1 : i32
    %eq3A_350 = vector.broadcast %eq3A_349 : i32 to vector<256x1xi32>
    %eq3A_351 = arith.cmpi eq, %get3A_10, %eq3A_350 : vector<256x1xi32>
    %get3A_352 = arith.constant 4 : index
    %get3A_353 = arith.constant 1 : index
    %get3A_354 = memref.load %arg1[%get3A_352, %get3A_353] : memref<8x16xf32, #tpu.memory_space<smem>>
    %broadcast_in_dim3A_355 = vector.broadcast %get3A_354 : f32 to vector<256x1xf32>
    %select_n3A_356 = arith.select %eq3A_351, %broadcast_in_dim3A_355, %select_n3A_348 : vector<256x1xi1>, vector<256x1xf32>
    %eq3A_357 = arith.constant 2 : i32
    %eq3A_358 = vector.broadcast %eq3A_357 : i32 to vector<256x1xi32>
    %eq3A_359 = arith.cmpi eq, %get3A_10, %eq3A_358 : vector<256x1xi32>
    %get3A_360 = arith.constant 4 : index
    %get3A_361 = arith.constant 2 : index
    %get3A_362 = memref.load %arg1[%get3A_360, %get3A_361] : memref<8x16xf32, #tpu.memory_space<smem>>
    %broadcast_in_dim3A_363 = vector.broadcast %get3A_362 : f32 to vector<256x1xf32>
    %select_n3A_364 = arith.select %eq3A_359, %broadcast_in_dim3A_363, %select_n3A_356 : vector<256x1xi1>, vector<256x1xf32>
    %eq3A_365 = arith.constant 3 : i32
    %eq3A_366 = vector.broadcast %eq3A_365 : i32 to vector<256x1xi32>
    %eq3A_367 = arith.cmpi eq, %get3A_10, %eq3A_366 : vector<256x1xi32>
    %get3A_368 = arith.constant 4 : index
    %get3A_369 = arith.constant 3 : index
    %get3A_370 = memref.load %arg1[%get3A_368, %get3A_369] : memref<8x16xf32, #tpu.memory_space<smem>>
    %broadcast_in_dim3A_371 = vector.broadcast %get3A_370 : f32 to vector<256x1xf32>
    %select_n3A_372 = arith.select %eq3A_367, %broadcast_in_dim3A_371, %select_n3A_364 : vector<256x1xi1>, vector<256x1xf32>
    %eq3A_373 = arith.constant 4 : i32
    %eq3A_374 = vector.broadcast %eq3A_373 : i32 to vector<256x1xi32>
    %eq3A_375 = arith.cmpi eq, %get3A_10, %eq3A_374 : vector<256x1xi32>
    %get3A_376 = arith.constant 4 : index
    %get3A_377 = arith.constant 4 : index
    %get3A_378 = memref.load %arg1[%get3A_376, %get3A_377] : memref<8x16xf32, #tpu.memory_space<smem>>
    %broadcast_in_dim3A_379 = vector.broadcast %get3A_378 : f32 to vector<256x1xf32>
    %select_n3A_380 = arith.select %eq3A_375, %broadcast_in_dim3A_379, %select_n3A_372 : vector<256x1xi1>, vector<256x1xf32>
    %eq3A_381 = arith.constant 5 : i32
    %eq3A_382 = vector.broadcast %eq3A_381 : i32 to vector<256x1xi32>
    %eq3A_383 = arith.cmpi eq, %get3A_10, %eq3A_382 : vector<256x1xi32>
    %get3A_384 = arith.constant 4 : index
    %get3A_385 = arith.constant 5 : index
    %get3A_386 = memref.load %arg1[%get3A_384, %get3A_385] : memref<8x16xf32, #tpu.memory_space<smem>>
    %broadcast_in_dim3A_387 = vector.broadcast %get3A_386 : f32 to vector<256x1xf32>
    %select_n3A_388 = arith.select %eq3A_383, %broadcast_in_dim3A_387, %select_n3A_380 : vector<256x1xi1>, vector<256x1xf32>
    %eq3A_389 = arith.constant 6 : i32
    %eq3A_390 = vector.broadcast %eq3A_389 : i32 to vector<256x1xi32>
    %eq3A_391 = arith.cmpi eq, %get3A_10, %eq3A_390 : vector<256x1xi32>
    %get3A_392 = arith.constant 4 : index
    %get3A_393 = arith.constant 6 : index
    %get3A_394 = memref.load %arg1[%get3A_392, %get3A_393] : memref<8x16xf32, #tpu.memory_space<smem>>
    %broadcast_in_dim3A_395 = vector.broadcast %get3A_394 : f32 to vector<256x1xf32>
    %select_n3A_396 = arith.select %eq3A_391, %broadcast_in_dim3A_395, %select_n3A_388 : vector<256x1xi1>, vector<256x1xf32>
    %eq3A_397 = arith.constant 7 : i32
    %eq3A_398 = vector.broadcast %eq3A_397 : i32 to vector<256x1xi32>
    %eq3A_399 = arith.cmpi eq, %get3A_10, %eq3A_398 : vector<256x1xi32>
    %get3A_400 = arith.constant 4 : index
    %get3A_401 = arith.constant 7 : index
    %get3A_402 = memref.load %arg1[%get3A_400, %get3A_401] : memref<8x16xf32, #tpu.memory_space<smem>>
    %broadcast_in_dim3A_403 = vector.broadcast %get3A_402 : f32 to vector<256x1xf32>
    %select_n3A_404 = arith.select %eq3A_399, %broadcast_in_dim3A_403, %select_n3A_396 : vector<256x1xi1>, vector<256x1xf32>
    %eq3A_405 = arith.constant 8 : i32
    %eq3A_406 = vector.broadcast %eq3A_405 : i32 to vector<256x1xi32>
    %eq3A_407 = arith.cmpi eq, %get3A_10, %eq3A_406 : vector<256x1xi32>
    %get3A_408 = arith.constant 4 : index
    %get3A_409 = arith.constant 8 : index
    %get3A_410 = memref.load %arg1[%get3A_408, %get3A_409] : memref<8x16xf32, #tpu.memory_space<smem>>
    %broadcast_in_dim3A_411 = vector.broadcast %get3A_410 : f32 to vector<256x1xf32>
    %select_n3A_412 = arith.select %eq3A_407, %broadcast_in_dim3A_411, %select_n3A_404 : vector<256x1xi1>, vector<256x1xf32>
    %eq3A_413 = arith.constant 9 : i32
    %eq3A_414 = vector.broadcast %eq3A_413 : i32 to vector<256x1xi32>
    %eq3A_415 = arith.cmpi eq, %get3A_10, %eq3A_414 : vector<256x1xi32>
    %get3A_416 = arith.constant 4 : index
    %get3A_417 = arith.constant 9 : index
    %get3A_418 = memref.load %arg1[%get3A_416, %get3A_417] : memref<8x16xf32, #tpu.memory_space<smem>>
    %broadcast_in_dim3A_419 = vector.broadcast %get3A_418 : f32 to vector<256x1xf32>
    %select_n3A_420 = arith.select %eq3A_415, %broadcast_in_dim3A_419, %select_n3A_412 : vector<256x1xi1>, vector<256x1xf32>
    %add3A = arith.constant 9.99999997E-7 : f32
    %add3A_421 = vector.broadcast %add3A : f32 to vector<256x2048xf32>
    %add3A_422 = arith.addf %get3A_4, %add3A_421 : vector<256x2048xf32>
    %div3A = arith.constant 1.000000e+00 : f32
    %div3A_423 = vector.broadcast %div3A : f32 to vector<256x2048xf32>
    %div3A_424 = arith.divf %div3A_423, %add3A_422 : vector<256x2048xf32>
    %log3A = math.log %div3A_424 : vector<256x2048xf32>
    %sub3A = vector.broadcast %select_n3A_92 : vector<256x1xf32> to vector<256x2048xf32>
    %sub3A_425 = arith.subf %log3A, %sub3A : vector<256x2048xf32>
    %mul3A = vector.broadcast %select_n3A_174 : vector<256x1xf32> to vector<256x2048xf32>
    %mul3A_426 = arith.mulf %sub3A_425, %mul3A : vector<256x2048xf32>
    %mul3A_427 = arith.mulf %mul3A_426, %mul3A_426 : vector<256x2048xf32>
    %mul3A_428 = arith.constant 1.000000e+02 : f32
    %mul3A_429 = vector.broadcast %mul3A_428 : f32 to vector<256x2048xf32>
    %mul3A_430 = arith.mulf %mul3A_427, %mul3A_429 : vector<256x2048xf32>
    %sub3A_431 = arith.constant 1.000000e+00 : f32
    %sub3A_432 = vector.broadcast %sub3A_431 : f32 to vector<256x2048xf32>
    %sub3A_433 = arith.subf %mul3A_426, %sub3A_432 : vector<256x2048xf32>
    %sub3A_434 = arith.constant 1.000000e+00 : f32
    %sub3A_435 = vector.broadcast %sub3A_434 : f32 to vector<256x2048xf32>
    %sub3A_436 = arith.subf %mul3A_426, %sub3A_435 : vector<256x2048xf32>
    %mul3A_437 = arith.mulf %sub3A_433, %sub3A_436 : vector<256x2048xf32>
    %mul3A_438 = arith.constant 1.000000e+02 : f32
    %mul3A_439 = vector.broadcast %mul3A_438 : f32 to vector<256x2048xf32>
    %mul3A_440 = arith.mulf %mul3A_437, %mul3A_439 : vector<256x2048xf32>
    %jit3A = arith.constant 0.000000e+00 : f32
    %jit3A_441 = arith.constant 0xFF800000 : f32
    %broadcast_in_dim3A_442 = vector.broadcast %jit3A : f32 to vector<256x2048xf32>
    %broadcast_in_dim3A_443 = vector.broadcast %jit3A_441 : f32 to vector<256x2048xf32>
    %select_n3A_444 = arith.select %eq3A_12, %broadcast_in_dim3A_442, %broadcast_in_dim3A_443 : vector<256x2048xi1>, vector<256x2048xf32>
    %broadcast_in_dim3A_445 = arith.constant 0.000000e+00 : f32
    %broadcast_in_dim3A_446 = vector.broadcast %broadcast_in_dim3A_445 : f32 to vector<256x1xf32>
    %scan3A = arith.constant 0 : i32
    %scan3A_447 = arith.constant 50 : i32
    %scan3A_448 = arith.addi %scan3A, %scan3A_447 : i32
    %scan3A_449 = arith.constant 1 : i32
    %scan3A_450:2 = scf.for %scan3A_477 = %scan3A to %scan3A_448 step %scan3A_449 iter_args(%scan3A_478 = %select_n3A_444, %scan3A_479 = %broadcast_in_dim3A_446) -> (vector<256x2048xf32>, vector<256x1xf32>)  : i32 {
      %sub3A_480 = arith.subf %scan3A_478, %mul3A_430 : vector<256x2048xf32>
      %sub3A_481 = arith.subf %scan3A_478, %mul3A_440 : vector<256x2048xf32>
      %reduce_max3A = arith.constant dense<0xFF800000> : vector<256xf32>
      %reduce_max3A_482 = vector.multi_reduction <maximumf>, %sub3A_480, %reduce_max3A [1] : vector<256x2048xf32> to vector<256xf32>
      %broadcast_in_dim3A_483 = vector.shape_cast %reduce_max3A_482 : vector<256xf32> to vector<256x1xf32>
      %reduce_max3A_484 = arith.constant dense<0xFF800000> : vector<256xf32>
      %reduce_max3A_485 = vector.multi_reduction <maximumf>, %sub3A_481, %reduce_max3A_484 [1] : vector<256x2048xf32> to vector<256xf32>
      %broadcast_in_dim3A_486 = vector.shape_cast %reduce_max3A_485 : vector<256xf32> to vector<256x1xf32>
      %sub3A_487 = vector.broadcast %broadcast_in_dim3A_483 : vector<256x1xf32> to vector<256x2048xf32>
      %sub3A_488 = arith.subf %sub3A_480, %sub3A_487 : vector<256x2048xf32>
      %exp3A_489 = math.exp %sub3A_488 : vector<256x2048xf32>
      %reduce_sum3A_490 = arith.constant dense<0.000000e+00> : vector<256xf32>
      %reduce_sum3A_491 = vector.multi_reduction <add>, %exp3A_489, %reduce_sum3A_490 [1] : vector<256x2048xf32> to vector<256xf32>
      %broadcast_in_dim3A_492 = vector.shape_cast %reduce_sum3A_491 : vector<256xf32> to vector<256x1xf32>
      %log3A_493 = math.log %broadcast_in_dim3A_492 : vector<256x1xf32>
      %add3A_494 = arith.addf %broadcast_in_dim3A_483, %log3A_493 : vector<256x1xf32>
      %sub3A_495 = arith.subf %select_n3A_256, %add3A_494 : vector<256x1xf32>
      %sub3A_496 = vector.broadcast %broadcast_in_dim3A_486 : vector<256x1xf32> to vector<256x2048xf32>
      %sub3A_497 = arith.subf %sub3A_481, %sub3A_496 : vector<256x2048xf32>
      %exp3A_498 = math.exp %sub3A_497 : vector<256x2048xf32>
      %reduce_sum3A_499 = arith.constant dense<0.000000e+00> : vector<256xf32>
      %reduce_sum3A_500 = vector.multi_reduction <add>, %exp3A_498, %reduce_sum3A_499 [1] : vector<256x2048xf32> to vector<256xf32>
      %broadcast_in_dim3A_501 = vector.shape_cast %reduce_sum3A_500 : vector<256xf32> to vector<256x1xf32>
      %log3A_502 = math.log %broadcast_in_dim3A_501 : vector<256x1xf32>
      %add3A_503 = arith.addf %broadcast_in_dim3A_486, %log3A_502 : vector<256x1xf32>
      %sub3A_504 = arith.subf %select_n3A_338, %add3A_503 : vector<256x1xf32>
      %sub3A_505 = vector.broadcast %sub3A_495 : vector<256x1xf32> to vector<256x2048xf32>
      %sub3A_506 = arith.subf %sub3A_505, %mul3A_430 : vector<256x2048xf32>
      %sub3A_507 = vector.broadcast %sub3A_504 : vector<256x1xf32> to vector<256x2048xf32>
      %sub3A_508 = arith.subf %sub3A_507, %mul3A_440 : vector<256x2048xf32>
      %max3A = arith.maximumf %sub3A_506, %sub3A_508 : vector<256x2048xf32>
      %sub3A_509 = arith.subf %sub3A_508, %sub3A_506 : vector<256x2048xf32>
      %abs3A = math.absf %sub3A_509 : vector<256x2048xf32>
      %neg3A = arith.constant 0.000000e+00 : f32
      %neg3A_510 = vector.broadcast %neg3A : f32 to vector<256x2048xf32>
      %neg3A_511 = arith.subf %neg3A_510, %abs3A : vector<256x2048xf32>
      %exp3A_512 = math.exp %neg3A_511 : vector<256x2048xf32>
      %log1p3A = math.log1p %exp3A_512 : vector<256x2048xf32>
      %add3A_513 = arith.addf %max3A, %log1p3A : vector<256x2048xf32>
      %sub3A_514 = vector.broadcast %select_n3A_420 : vector<256x1xf32> to vector<256x2048xf32>
      %sub3A_515 = arith.subf %sub3A_514, %add3A_513 : vector<256x2048xf32>
      %jit3A_516 = arith.constant 0xFF800000 : f32
      %broadcast_in_dim3A_517 = vector.broadcast %jit3A_516 : f32 to vector<256x2048xf32>
      %select_n3A_518 = arith.select %eq3A_12, %sub3A_515, %broadcast_in_dim3A_517 : vector<256x2048xi1>, vector<256x2048xf32>
      scf.yield %select_n3A_518, %sub3A_504 : vector<256x2048xf32>, vector<256x1xf32>
    }
    %add3A_451 = vector.broadcast %scan3A_450#1 : vector<256x1xf32> to vector<256x2048xf32>
    %add3A_452 = arith.addf %scan3A_450#0, %add3A_451 : vector<256x2048xf32>
    %sub3A_453 = arith.subf %add3A_452, %mul3A_440 : vector<256x2048xf32>
    %exp3A = math.exp %sub3A_453 : vector<256x2048xf32>
    %mul3A_454 = arith.mulf %get3A_4, %exp3A : vector<256x2048xf32>
    %jit3A_455 = arith.constant 0.000000e+00 : f32
    %broadcast_in_dim3A_456 = vector.broadcast %jit3A_455 : f32 to vector<256x2048xf32>
    %select_n3A_457 = arith.select %eq3A_12, %mul3A_454, %broadcast_in_dim3A_456 : vector<256x2048xi1>, vector<256x2048xf32>
    %reduce_sum3A = arith.constant dense<0.000000e+00> : vector<256xf32>
    %reduce_sum3A_458 = vector.multi_reduction <add>, %select_n3A_457, %reduce_sum3A [1] : vector<256x2048xf32> to vector<256xf32>
    %broadcast_in_dim3A_459 = vector.shape_cast %reduce_sum3A_458 : vector<256xf32> to vector<256x1xf32>
    %get3A_460 = arith.constant 0 : index
    %get3A_461 = arith.constant 0 : index
    %get3A_462 = vector.load %arg3[%get3A_460, %get3A_461] : memref<256x2048xf32, #tpu.memory_space<vmem>>, vector<256x2048xf32>
    %sub3A_463 = vector.broadcast %broadcast_in_dim3A_459 : vector<256x1xf32> to vector<256x2048xf32>
    %sub3A_464 = arith.subf %sub3A_463, %get3A_462 : vector<256x2048xf32>
    %ge3A = arith.constant 0.000000e+00 : f32
    %ge3A_465 = vector.broadcast %ge3A : f32 to vector<256x2048xf32>
    %ge3A_466 = arith.cmpf oge, %sub3A_464, %ge3A_465 : vector<256x2048xf32>
    %jit3A_467 = arith.constant 1.000000e+00 : f32
    %jit3A_468 = arith.constant 0.000000e+00 : f32
    %broadcast_in_dim3A_469 = vector.broadcast %jit3A_467 : f32 to vector<256x2048xf32>
    %broadcast_in_dim3A_470 = vector.broadcast %jit3A_468 : f32 to vector<256x2048xf32>
    %select_n3A_471 = arith.select %ge3A_466, %broadcast_in_dim3A_469, %broadcast_in_dim3A_470 : vector<256x2048xi1>, vector<256x2048xf32>
    %reduce_sum3A_472 = arith.constant dense<0.000000e+00> : vector<256xf32>
    %reduce_sum3A_473 = vector.multi_reduction <add>, %select_n3A_471, %reduce_sum3A_472 [1] : vector<256x2048xf32> to vector<256xf32>
    %broadcast_in_dim3A_474 = vector.shape_cast %reduce_sum3A_473 : vector<256xf32> to vector<256x1xf32>
    %swap3A = arith.constant 0 : index
    %swap3A_475 = arith.constant 0 : index
    %swap3A_476 = vector.load %arg6[%swap3A, %swap3A_475] : memref<256x1xf32, #tpu.memory_space<vmem>>, vector<256x1xf32>
    tpu.vector_store %arg6[%swap3A, %swap3A_475], %broadcast_in_dim3A_474 {strides = array<i32>} : memref<256x1xf32, #tpu.memory_space<vmem>>, vector<256x1xf32>,
    return
  }
  func.func @transform_0(%arg0: i32) -> (i32, i32) {
    %c0_i32 = arith.constant 0 : i32
    %c0_i32_0 = arith.constant 0 : i32
    %c0_i32_1 = arith.constant 0 : i32
    return %c0_i32, %c0_i32_0 : i32, i32
  }
  func.func @transform_1(%arg0: i32) -> (i32, i32) {
    %c0_i32 = arith.constant 0 : i32
    %c0_i32_0 = arith.constant 0 : i32
    %c0_i32_1 = arith.constant 0 : i32
    return %c0_i32, %c0_i32_0 : i32, i32
  }
  func.func @transform_2(%arg0: i32) -> (i32, i32) {
    %c0_i32 = arith.constant 0 : i32
    %c0_i32_0 = arith.constant 0 : i32
    return %arg0, %c0_i32 : i32, i32
  }
  func.func @transform_3(%arg0: i32) -> (i32, i32) {
    %c0_i32 = arith.constant 0 : i32
    %c0_i32_0 = arith.constant 0 : i32
    %c0_i32_1 = arith.constant 0 : i32
    return %c0_i32, %c0_i32_0 : i32, i32
  }
  func.func @transform_4(%arg0: i32) -> (i32, i32) {
    %c0_i32 = arith.constant 0 : i32
    %c0_i32_0 = arith.constant 0 : i32
    return %arg0, %c0_i32 : i32, i32
  }
  func.func @transform_5(%arg0: i32) -> (i32, i32) {
    %c0_i32 = arith.constant 0 : i32
    %c0_i32_0 = arith.constant 0 : i32
    return %arg0, %c0_i32 : i32, i32
  }
}

module attributes {stable_mosaic.version = 14 : i64} {
  func.func @_sinkhorn_body(%arg0: i32, %arg1: memref<8x16xf32, #tpu.memory_space<smem>>, %arg2: memref<1x8xi32, #tpu.memory_space<smem>>, %arg3: memref<256x2048xf32, #tpu.memory_space<vmem>>, %arg4: memref<1x2048xi32, #tpu.memory_space<vmem>>, %arg5: memref<256x1xi32, #tpu.memory_space<vmem>>, %arg6: memref<256x1xf32, #tpu.memory_space<vmem>>) attributes {dimension_semantics = [#tpu.dimension_semantics<arbitrary>], iteration_bounds = array<i64: 8>, scalar_prefetch = 0 : i64, scratch_operands = 0 : i64, tpu.core_type = #tpu.core_type<tc>, window_params = [{transform_indices = @transform_0, window_bounds = array<i64: 8, 16>}, {transform_indices = @transform_1, window_bounds = array<i64: 1, 8>}, {transform_indices = @transform_2, window_bounds = array<i64: 256, 2048>}, {pipeline_mode = #tpu.pipeline_mode<synchronous>, transform_indices = @transform_3, window_bounds = array<i64: 1, 2048>}, {transform_indices = @transform_4, window_bounds = array<i64: 256, 1>}, {transform_indices = @transform_5, window_bounds = array<i64: 256, 1>}]} {
    %get3A = arith.constant 0 : index
    %get3A_0 = arith.index_cast %arg0 : i32 to index
    %get3A_1 = memref.load %arg2[%get3A, %get3A_0] : memref<1x8xi32, #tpu.memory_space<smem>>
    %multiple_of3A = tpu.assume_multiple %get3A_1, 128 : i32
    %get3A_2 = arith.constant 0 : index
    %get3A_3 = arith.index_cast %multiple_of3A : i32 to index
    %get3A_4 = vector.load %arg3[%get3A_2, %get3A_3] : memref<256x2048xf32, #tpu.memory_space<vmem>>, vector<256x768xf32>
    %get3A_5 = arith.constant 0 : index
    %get3A_6 = arith.index_cast %multiple_of3A : i32 to index
    %get3A_7 = vector.load %arg4[%get3A_5, %get3A_6] : memref<1x2048xi32, #tpu.memory_space<vmem>>, vector<1x768xi32>
    %get3A_8 = arith.constant 0 : index
    %get3A_9 = arith.constant 0 : index
    %get3A_10 = vector.load %arg5[%get3A_8, %get3A_9] : memref<256x1xi32, #tpu.memory_space<vmem>>, vector<256x1xi32>
    %eq3A = vector.broadcast %get3A_7 : vector<1x768xi32> to vector<256x768xi32>
    %eq3A_11 = vector.broadcast %get3A_10 : vector<256x1xi32> to vector<256x768xi32>
    %eq3A_12 = arith.cmpi eq, %eq3A, %eq3A_11 : vector<256x768xi32>
    %broadcast_in_dim3A = arith.constant 0.000000e+00 : f32
    %broadcast_in_dim3A_13 = vector.broadcast %broadcast_in_dim3A : f32 to vector<256x1xf32>
    %eq3A_14 = arith.constant 0 : i32
    %eq3A_15 = vector.broadcast %eq3A_14 : i32 to vector<256x1xi32>
    %eq3A_16 = arith.cmpi eq, %get3A_10, %eq3A_15 : vector<256x1xi32>
    %get3A_17 = arith.constant 0 : index
    %get3A_18 = arith.constant 0 : index
    %get3A_19 = memref.load %arg1[%get3A_17, %get3A_18] : memref<8x16xf32, #tpu.memory_space<smem>>
    %broadcast_in_dim3A_20 = vector.broadcast %get3A_19 : f32 to vector<256x1xf32>
    %select_n3A = arith.select %eq3A_16, %broadcast_in_dim3A_20, %broadcast_in_dim3A_13 : vector<256x1xi1>, vector<256x1xf32>
    %eq3A_21 = arith.constant 1 : i32
    %eq3A_22 = vector.broadcast %eq3A_21 : i32 to vector<256x1xi32>
    %eq3A_23 = arith.cmpi eq, %get3A_10, %eq3A_22 : vector<256x1xi32>
    %get3A_24 = arith.constant 0 : index
    %get3A_25 = arith.constant 1 : index
    %get3A_26 = memref.load %arg1[%get3A_24, %get3A_25] : memref<8x16xf32, #tpu.memory_space<smem>>
    %broadcast_in_dim3A_27 = vector.broadcast %get3A_26 : f32 to vector<256x1xf32>
    %select_n3A_28 = arith.select %eq3A_23, %broadcast_in_dim3A_27, %select_n3A : vector<256x1xi1>, vector<256x1xf32>
    %eq3A_29 = arith.constant 2 : i32
    %eq3A_30 = vector.broadcast %eq3A_29 : i32 to vector<256x1xi32>
    %eq3A_31 = arith.cmpi eq, %get3A_10, %eq3A_30 : vector<256x1xi32>
    %get3A_32 = arith.constant 0 : index
    %get3A_33 = arith.constant 2 : index
    %get3A_34 = memref.load %arg1[%get3A_32, %get3A_33] : memref<8x16xf32, #tpu.memory_space<smem>>
    %broadcast_in_dim3A_35 = vector.broadcast %get3A_34 : f32 to vector<256x1xf32>
    %select_n3A_36 = arith.select %eq3A_31, %broadcast_in_dim3A_35, %select_n3A_28 : vector<256x1xi1>, vector<256x1xf32>
    %eq3A_37 = arith.constant 3 : i32
    %eq3A_38 = vector.broadcast %eq3A_37 : i32 to vector<256x1xi32>
    %eq3A_39 = arith.cmpi eq, %get3A_10, %eq3A_38 : vector<256x1xi32>
    %get3A_40 = arith.constant 0 : index
    %get3A_41 = arith.constant 3 : index
    %get3A_42 = memref.load %arg1[%get3A_40, %get3A_41] : memref<8x16xf32, #tpu.memory_space<smem>>
    %broadcast_in_dim3A_43 = vector.broadcast %get3A_42 : f32 to vector<256x1xf32>
    %select_n3A_44 = arith.select %eq3A_39, %broadcast_in_dim3A_43, %select_n3A_36 : vector<256x1xi1>, vector<256x1xf32>
    %eq3A_45 = arith.constant 4 : i32
    %eq3A_46 = vector.broadcast %eq3A_45 : i32 to vector<256x1xi32>
    %eq3A_47 = arith.cmpi eq, %get3A_10, %eq3A_46 : vector<256x1xi32>
    %get3A_48 = arith.constant 0 : index
    %get3A_49 = arith.constant 4 : index
    %get3A_50 = memref.load %arg1[%get3A_48, %get3A_49] : memref<8x16xf32, #tpu.memory_space<smem>>
    %broadcast_in_dim3A_51 = vector.broadcast %get3A_50 : f32 to vector<256x1xf32>
    %select_n3A_52 = arith.select %eq3A_47, %broadcast_in_dim3A_51, %select_n3A_44 : vector<256x1xi1>, vector<256x1xf32>
    %eq3A_53 = arith.constant 5 : i32
    %eq3A_54 = vector.broadcast %eq3A_53 : i32 to vector<256x1xi32>
    %eq3A_55 = arith.cmpi eq, %get3A_10, %eq3A_54 : vector<256x1xi32>
    %get3A_56 = arith.constant 0 : index
    %get3A_57 = arith.constant 5 : index
    %get3A_58 = memref.load %arg1[%get3A_56, %get3A_57] : memref<8x16xf32, #tpu.memory_space<smem>>
    %broadcast_in_dim3A_59 = vector.broadcast %get3A_58 : f32 to vector<256x1xf32>
    %select_n3A_60 = arith.select %eq3A_55, %broadcast_in_dim3A_59, %select_n3A_52 : vector<256x1xi1>, vector<256x1xf32>
    %eq3A_61 = arith.constant 6 : i32
    %eq3A_62 = vector.broadcast %eq3A_61 : i32 to vector<256x1xi32>
    %eq3A_63 = arith.cmpi eq, %get3A_10, %eq3A_62 : vector<256x1xi32>
    %get3A_64 = arith.constant 0 : index
    %get3A_65 = arith.constant 6 : index
    %get3A_66 = memref.load %arg1[%get3A_64, %get3A_65] : memref<8x16xf32, #tpu.memory_space<smem>>
    %broadcast_in_dim3A_67 = vector.broadcast %get3A_66 : f32 to vector<256x1xf32>
    %select_n3A_68 = arith.select %eq3A_63, %broadcast_in_dim3A_67, %select_n3A_60 : vector<256x1xi1>, vector<256x1xf32>
    %eq3A_69 = arith.constant 7 : i32
    %eq3A_70 = vector.broadcast %eq3A_69 : i32 to vector<256x1xi32>
    %eq3A_71 = arith.cmpi eq, %get3A_10, %eq3A_70 : vector<256x1xi32>
    %get3A_72 = arith.constant 0 : index
    %get3A_73 = arith.constant 7 : index
    %get3A_74 = memref.load %arg1[%get3A_72, %get3A_73] : memref<8x16xf32, #tpu.memory_space<smem>>
    %broadcast_in_dim3A_75 = vector.broadcast %get3A_74 : f32 to vector<256x1xf32>
    %select_n3A_76 = arith.select %eq3A_71, %broadcast_in_dim3A_75, %select_n3A_68 : vector<256x1xi1>, vector<256x1xf32>
    %eq3A_77 = arith.constant 8 : i32
    %eq3A_78 = vector.broadcast %eq3A_77 : i32 to vector<256x1xi32>
    %eq3A_79 = arith.cmpi eq, %get3A_10, %eq3A_78 : vector<256x1xi32>
    %get3A_80 = arith.constant 0 : index
    %get3A_81 = arith.constant 8 : index
    %get3A_82 = memref.load %arg1[%get3A_80, %get3A_81] : memref<8x16xf32, #tpu.memory_space<smem>>
    %broadcast_in_dim3A_83 = vector.broadcast %get3A_82 : f32 to vector<256x1xf32>
    %select_n3A_84 = arith.select %eq3A_79, %broadcast_in_dim3A_83, %select_n3A_76 : vector<256x1xi1>, vector<256x1xf32>
    %eq3A_85 = arith.constant 9 : i32
    %eq3A_86 = vector.broadcast %eq3A_85 : i32 to vector<256x1xi32>
    %eq3A_87 = arith.cmpi eq, %get3A_10, %eq3A_86 : vector<256x1xi32>
    %get3A_88 = arith.constant 0 : index
    %get3A_89 = arith.constant 9 : index
    %get3A_90 = memref.load %arg1[%get3A_88, %get3A_89] : memref<8x16xf32, #tpu.memory_space<smem>>
    %broadcast_in_dim3A_91 = vector.broadcast %get3A_90 : f32 to vector<256x1xf32>
    %select_n3A_92 = arith.select %eq3A_87, %broadcast_in_dim3A_91, %select_n3A_84 : vector<256x1xi1>, vector<256x1xf32>
    %broadcast_in_dim3A_93 = arith.constant 0.000000e+00 : f32
    %broadcast_in_dim3A_94 = vector.broadcast %broadcast_in_dim3A_93 : f32 to vector<256x1xf32>
    %eq3A_95 = arith.constant 0 : i32
    %eq3A_96 = vector.broadcast %eq3A_95 : i32 to vector<256x1xi32>
    %eq3A_97 = arith.cmpi eq, %get3A_10, %eq3A_96 : vector<256x1xi32>
    %get3A_98 = arith.constant 1 : index
    %get3A_99 = arith.constant 0 : index
    %get3A_100 = memref.load %arg1[%get3A_98, %get3A_99] : memref<8x16xf32, #tpu.memory_space<smem>>
    %broadcast_in_dim3A_101 = vector.broadcast %get3A_100 : f32 to vector<256x1xf32>
    %select_n3A_102 = arith.select %eq3A_97, %broadcast_in_dim3A_101, %broadcast_in_dim3A_94 : vector<256x1xi1>, vector<256x1xf32>
    %eq3A_103 = arith.constant 1 : i32
    %eq3A_104 = vector.broadcast %eq3A_103 : i32 to vector<256x1xi32>
    %eq3A_105 = arith.cmpi eq, %get3A_10, %eq3A_104 : vector<256x1xi32>
    %get3A_106 = arith.constant 1 : index
    %get3A_107 = arith.constant 1 : index
    %get3A_108 = memref.load %arg1[%get3A_106, %get3A_107] : memref<8x16xf32, #tpu.memory_space<smem>>
    %broadcast_in_dim3A_109 = vector.broadcast %get3A_108 : f32 to vector<256x1xf32>
    %select_n3A_110 = arith.select %eq3A_105, %broadcast_in_dim3A_109, %select_n3A_102 : vector<256x1xi1>, vector<256x1xf32>
    %eq3A_111 = arith.constant 2 : i32
    %eq3A_112 = vector.broadcast %eq3A_111 : i32 to vector<256x1xi32>
    %eq3A_113 = arith.cmpi eq, %get3A_10, %eq3A_112 : vector<256x1xi32>
    %get3A_114 = arith.constant 1 : index
    %get3A_115 = arith.constant 2 : index
    %get3A_116 = memref.load %arg1[%get3A_114, %get3A_115] : memref<8x16xf32, #tpu.memory_space<smem>>
    %broadcast_in_dim3A_117 = vector.broadcast %get3A_116 : f32 to vector<256x1xf32>
    %select_n3A_118 = arith.select %eq3A_113, %broadcast_in_dim3A_117, %select_n3A_110 : vector<256x1xi1>, vector<256x1xf32>
    %eq3A_119 = arith.constant 3 : i32
    %eq3A_120 = vector.broadcast %eq3A_119 : i32 to vector<256x1xi32>
    %eq3A_121 = arith.cmpi eq, %get3A_10, %eq3A_120 : vector<256x1xi32>
    %get3A_122 = arith.constant 1 : index
    %get3A_123 = arith.constant 3 : index
    %get3A_124 = memref.load %arg1[%get3A_122, %get3A_123] : memref<8x16xf32, #tpu.memory_space<smem>>
    %broadcast_in_dim3A_125 = vector.broadcast %get3A_124 : f32 to vector<256x1xf32>
    %select_n3A_126 = arith.select %eq3A_121, %broadcast_in_dim3A_125, %select_n3A_118 : vector<256x1xi1>, vector<256x1xf32>
    %eq3A_127 = arith.constant 4 : i32
    %eq3A_128 = vector.broadcast %eq3A_127 : i32 to vector<256x1xi32>
    %eq3A_129 = arith.cmpi eq, %get3A_10, %eq3A_128 : vector<256x1xi32>
    %get3A_130 = arith.constant 1 : index
    %get3A_131 = arith.constant 4 : index
    %get3A_132 = memref.load %arg1[%get3A_130, %get3A_131] : memref<8x16xf32, #tpu.memory_space<smem>>
    %broadcast_in_dim3A_133 = vector.broadcast %get3A_132 : f32 to vector<256x1xf32>
    %select_n3A_134 = arith.select %eq3A_129, %broadcast_in_dim3A_133, %select_n3A_126 : vector<256x1xi1>, vector<256x1xf32>
    %eq3A_135 = arith.constant 5 : i32
    %eq3A_136 = vector.broadcast %eq3A_135 : i32 to vector<256x1xi32>
    %eq3A_137 = arith.cmpi eq, %get3A_10, %eq3A_136 : vector<256x1xi32>
    %get3A_138 = arith.constant 1 : index
    %get3A_139 = arith.constant 5 : index
    %get3A_140 = memref.load %arg1[%get3A_138, %get3A_139] : memref<8x16xf32, #tpu.memory_space<smem>>
    %broadcast_in_dim3A_141 = vector.broadcast %get3A_140 : f32 to vector<256x1xf32>
    %select_n3A_142 = arith.select %eq3A_137, %broadcast_in_dim3A_141, %select_n3A_134 : vector<256x1xi1>, vector<256x1xf32>
    %eq3A_143 = arith.constant 6 : i32
    %eq3A_144 = vector.broadcast %eq3A_143 : i32 to vector<256x1xi32>
    %eq3A_145 = arith.cmpi eq, %get3A_10, %eq3A_144 : vector<256x1xi32>
    %get3A_146 = arith.constant 1 : index
    %get3A_147 = arith.constant 6 : index
    %get3A_148 = memref.load %arg1[%get3A_146, %get3A_147] : memref<8x16xf32, #tpu.memory_space<smem>>
    %broadcast_in_dim3A_149 = vector.broadcast %get3A_148 : f32 to vector<256x1xf32>
    %select_n3A_150 = arith.select %eq3A_145, %broadcast_in_dim3A_149, %select_n3A_142 : vector<256x1xi1>, vector<256x1xf32>
    %eq3A_151 = arith.constant 7 : i32
    %eq3A_152 = vector.broadcast %eq3A_151 : i32 to vector<256x1xi32>
    %eq3A_153 = arith.cmpi eq, %get3A_10, %eq3A_152 : vector<256x1xi32>
    %get3A_154 = arith.constant 1 : index
    %get3A_155 = arith.constant 7 : index
    %get3A_156 = memref.load %arg1[%get3A_154, %get3A_155] : memref<8x16xf32, #tpu.memory_space<smem>>
    %broadcast_in_dim3A_157 = vector.broadcast %get3A_156 : f32 to vector<256x1xf32>
    %select_n3A_158 = arith.select %eq3A_153, %broadcast_in_dim3A_157, %select_n3A_150 : vector<256x1xi1>, vector<256x1xf32>
    %eq3A_159 = arith.constant 8 : i32
    %eq3A_160 = vector.broadcast %eq3A_159 : i32 to vector<256x1xi32>
    %eq3A_161 = arith.cmpi eq, %get3A_10, %eq3A_160 : vector<256x1xi32>
    %get3A_162 = arith.constant 1 : index
    %get3A_163 = arith.constant 8 : index
    %get3A_164 = memref.load %arg1[%get3A_162, %get3A_163] : memref<8x16xf32, #tpu.memory_space<smem>>
    %broadcast_in_dim3A_165 = vector.broadcast %get3A_164 : f32 to vector<256x1xf32>
    %select_n3A_166 = arith.select %eq3A_161, %broadcast_in_dim3A_165, %select_n3A_158 : vector<256x1xi1>, vector<256x1xf32>
    %eq3A_167 = arith.constant 9 : i32
    %eq3A_168 = vector.broadcast %eq3A_167 : i32 to vector<256x1xi32>
    %eq3A_169 = arith.cmpi eq, %get3A_10, %eq3A_168 : vector<256x1xi32>
    %get3A_170 = arith.constant 1 : index
    %get3A_171 = arith.constant 9 : index
    %get3A_172 = memref.load %arg1[%get3A_170, %get3A_171] : memref<8x16xf32, #tpu.memory_space<smem>>
    %broadcast_in_dim3A_173 = vector.broadcast %get3A_172 : f32 to vector<256x1xf32>
    %select_n3A_174 = arith.select %eq3A_169, %broadcast_in_dim3A_173, %select_n3A_166 : vector<256x1xi1>, vector<256x1xf32>
    %broadcast_in_dim3A_175 = arith.constant 0.000000e+00 : f32
    %broadcast_in_dim3A_176 = vector.broadcast %broadcast_in_dim3A_175 : f32 to vector<256x1xf32>
    %eq3A_177 = arith.constant 0 : i32
    %eq3A_178 = vector.broadcast %eq3A_177 : i32 to vector<256x1xi32>
    %eq3A_179 = arith.cmpi eq, %get3A_10, %eq3A_178 : vector<256x1xi32>
    %get3A_180 = arith.constant 2 : index
    %get3A_181 = arith.constant 0 : index
    %get3A_182 = memref.load %arg1[%get3A_180, %get3A_181] : memref<8x16xf32, #tpu.memory_space<smem>>
    %broadcast_in_dim3A_183 = vector.broadcast %get3A_182 : f32 to vector<256x1xf32>
    %select_n3A_184 = arith.select %eq3A_179, %broadcast_in_dim3A_183, %broadcast_in_dim3A_176 : vector<256x1xi1>, vector<256x1xf32>
    %eq3A_185 = arith.constant 1 : i32
    %eq3A_186 = vector.broadcast %eq3A_185 : i32 to vector<256x1xi32>
    %eq3A_187 = arith.cmpi eq, %get3A_10, %eq3A_186 : vector<256x1xi32>
    %get3A_188 = arith.constant 2 : index
    %get3A_189 = arith.constant 1 : index
    %get3A_190 = memref.load %arg1[%get3A_188, %get3A_189] : memref<8x16xf32, #tpu.memory_space<smem>>
    %broadcast_in_dim3A_191 = vector.broadcast %get3A_190 : f32 to vector<256x1xf32>
    %select_n3A_192 = arith.select %eq3A_187, %broadcast_in_dim3A_191, %select_n3A_184 : vector<256x1xi1>, vector<256x1xf32>
    %eq3A_193 = arith.constant 2 : i32
    %eq3A_194 = vector.broadcast %eq3A_193 : i32 to vector<256x1xi32>
    %eq3A_195 = arith.cmpi eq, %get3A_10, %eq3A_194 : vector<256x1xi32>
    %get3A_196 = arith.constant 2 : index
    %get3A_197 = arith.constant 2 : index
    %get3A_198 = memref.load %arg1[%get3A_196, %get3A_197] : memref<8x16xf32, #tpu.memory_space<smem>>
    %broadcast_in_dim3A_199 = vector.broadcast %get3A_198 : f32 to vector<256x1xf32>
    %select_n3A_200 = arith.select %eq3A_195, %broadcast_in_dim3A_199, %select_n3A_192 : vector<256x1xi1>, vector<256x1xf32>
    %eq3A_201 = arith.constant 3 : i32
    %eq3A_202 = vector.broadcast %eq3A_201 : i32 to vector<256x1xi32>
    %eq3A_203 = arith.cmpi eq, %get3A_10, %eq3A_202 : vector<256x1xi32>
    %get3A_204 = arith.constant 2 : index
    %get3A_205 = arith.constant 3 : index
    %get3A_206 = memref.load %arg1[%get3A_204, %get3A_205] : memref<8x16xf32, #tpu.memory_space<smem>>
    %broadcast_in_dim3A_207 = vector.broadcast %get3A_206 : f32 to vector<256x1xf32>
    %select_n3A_208 = arith.select %eq3A_203, %broadcast_in_dim3A_207, %select_n3A_200 : vector<256x1xi1>, vector<256x1xf32>
    %eq3A_209 = arith.constant 4 : i32
    %eq3A_210 = vector.broadcast %eq3A_209 : i32 to vector<256x1xi32>
    %eq3A_211 = arith.cmpi eq, %get3A_10, %eq3A_210 : vector<256x1xi32>
    %get3A_212 = arith.constant 2 : index
    %get3A_213 = arith.constant 4 : index
    %get3A_214 = memref.load %arg1[%get3A_212, %get3A_213] : memref<8x16xf32, #tpu.memory_space<smem>>
    %broadcast_in_dim3A_215 = vector.broadcast %get3A_214 : f32 to vector<256x1xf32>
    %select_n3A_216 = arith.select %eq3A_211, %broadcast_in_dim3A_215, %select_n3A_208 : vector<256x1xi1>, vector<256x1xf32>
    %eq3A_217 = arith.constant 5 : i32
    %eq3A_218 = vector.broadcast %eq3A_217 : i32 to vector<256x1xi32>
    %eq3A_219 = arith.cmpi eq, %get3A_10, %eq3A_218 : vector<256x1xi32>
    %get3A_220 = arith.constant 2 : index
    %get3A_221 = arith.constant 5 : index
    %get3A_222 = memref.load %arg1[%get3A_220, %get3A_221] : memref<8x16xf32, #tpu.memory_space<smem>>
    %broadcast_in_dim3A_223 = vector.broadcast %get3A_222 : f32 to vector<256x1xf32>
    %select_n3A_224 = arith.select %eq3A_219, %broadcast_in_dim3A_223, %select_n3A_216 : vector<256x1xi1>, vector<256x1xf32>
    %eq3A_225 = arith.constant 6 : i32
    %eq3A_226 = vector.broadcast %eq3A_225 : i32 to vector<256x1xi32>
    %eq3A_227 = arith.cmpi eq, %get3A_10, %eq3A_226 : vector<256x1xi32>
    %get3A_228 = arith.constant 2 : index
    %get3A_229 = arith.constant 6 : index
    %get3A_230 = memref.load %arg1[%get3A_228, %get3A_229] : memref<8x16xf32, #tpu.memory_space<smem>>
    %broadcast_in_dim3A_231 = vector.broadcast %get3A_230 : f32 to vector<256x1xf32>
    %select_n3A_232 = arith.select %eq3A_227, %broadcast_in_dim3A_231, %select_n3A_224 : vector<256x1xi1>, vector<256x1xf32>
    %eq3A_233 = arith.constant 7 : i32
    %eq3A_234 = vector.broadcast %eq3A_233 : i32 to vector<256x1xi32>
    %eq3A_235 = arith.cmpi eq, %get3A_10, %eq3A_234 : vector<256x1xi32>
    %get3A_236 = arith.constant 2 : index
    %get3A_237 = arith.constant 7 : index
    %get3A_238 = memref.load %arg1[%get3A_236, %get3A_237] : memref<8x16xf32, #tpu.memory_space<smem>>
    %broadcast_in_dim3A_239 = vector.broadcast %get3A_238 : f32 to vector<256x1xf32>
    %select_n3A_240 = arith.select %eq3A_235, %broadcast_in_dim3A_239, %select_n3A_232 : vector<256x1xi1>, vector<256x1xf32>
    %eq3A_241 = arith.constant 8 : i32
    %eq3A_242 = vector.broadcast %eq3A_241 : i32 to vector<256x1xi32>
    %eq3A_243 = arith.cmpi eq, %get3A_10, %eq3A_242 : vector<256x1xi32>
    %get3A_244 = arith.constant 2 : index
    %get3A_245 = arith.constant 8 : index
    %get3A_246 = memref.load %arg1[%get3A_244, %get3A_245] : memref<8x16xf32, #tpu.memory_space<smem>>
    %broadcast_in_dim3A_247 = vector.broadcast %get3A_246 : f32 to vector<256x1xf32>
    %select_n3A_248 = arith.select %eq3A_243, %broadcast_in_dim3A_247, %select_n3A_240 : vector<256x1xi1>, vector<256x1xf32>
    %eq3A_249 = arith.constant 9 : i32
    %eq3A_250 = vector.broadcast %eq3A_249 : i32 to vector<256x1xi32>
    %eq3A_251 = arith.cmpi eq, %get3A_10, %eq3A_250 : vector<256x1xi32>
    %get3A_252 = arith.constant 2 : index
    %get3A_253 = arith.constant 9 : index
    %get3A_254 = memref.load %arg1[%get3A_252, %get3A_253] : memref<8x16xf32, #tpu.memory_space<smem>>
    %broadcast_in_dim3A_255 = vector.broadcast %get3A_254 : f32 to vector<256x1xf32>
    %select_n3A_256 = arith.select %eq3A_251, %broadcast_in_dim3A_255, %select_n3A_248 : vector<256x1xi1>, vector<256x1xf32>
    %broadcast_in_dim3A_257 = arith.constant 0.000000e+00 : f32
    %broadcast_in_dim3A_258 = vector.broadcast %broadcast_in_dim3A_257 : f32 to vector<256x1xf32>
    %eq3A_259 = arith.constant 0 : i32
    %eq3A_260 = vector.broadcast %eq3A_259 : i32 to vector<256x1xi32>
    %eq3A_261 = arith.cmpi eq, %get3A_10, %eq3A_260 : vector<256x1xi32>
    %get3A_262 = arith.constant 3 : index
    %get3A_263 = arith.constant 0 : index
    %get3A_264 = memref.load %arg1[%get3A_262, %get3A_263] : memref<8x16xf32, #tpu.memory_space<smem>>
    %broadcast_in_dim3A_265 = vector.broadcast %get3A_264 : f32 to vector<256x1xf32>
    %select_n3A_266 = arith.select %eq3A_261, %broadcast_in_dim3A_265, %broadcast_in_dim3A_258 : vector<256x1xi1>, vector<256x1xf32>
    %eq3A_267 = arith.constant 1 : i32
    %eq3A_268 = vector.broadcast %eq3A_267 : i32 to vector<256x1xi32>
    %eq3A_269 = arith.cmpi eq, %get3A_10, %eq3A_268 : vector<256x1xi32>
    %get3A_270 = arith.constant 3 : index
    %get3A_271 = arith.constant 1 : index
    %get3A_272 = memref.load %arg1[%get3A_270, %get3A_271] : memref<8x16xf32, #tpu.memory_space<smem>>
    %broadcast_in_dim3A_273 = vector.broadcast %get3A_272 : f32 to vector<256x1xf32>
    %select_n3A_274 = arith.select %eq3A_269, %broadcast_in_dim3A_273, %select_n3A_266 : vector<256x1xi1>, vector<256x1xf32>
    %eq3A_275 = arith.constant 2 : i32
    %eq3A_276 = vector.broadcast %eq3A_275 : i32 to vector<256x1xi32>
    %eq3A_277 = arith.cmpi eq, %get3A_10, %eq3A_276 : vector<256x1xi32>
    %get3A_278 = arith.constant 3 : index
    %get3A_279 = arith.constant 2 : index
    %get3A_280 = memref.load %arg1[%get3A_278, %get3A_279] : memref<8x16xf32, #tpu.memory_space<smem>>
    %broadcast_in_dim3A_281 = vector.broadcast %get3A_280 : f32 to vector<256x1xf32>
    %select_n3A_282 = arith.select %eq3A_277, %broadcast_in_dim3A_281, %select_n3A_274 : vector<256x1xi1>, vector<256x1xf32>
    %eq3A_283 = arith.constant 3 : i32
    %eq3A_284 = vector.broadcast %eq3A_283 : i32 to vector<256x1xi32>
    %eq3A_285 = arith.cmpi eq, %get3A_10, %eq3A_284 : vector<256x1xi32>
    %get3A_286 = arith.constant 3 : index
    %get3A_287 = arith.constant 3 : index
    %get3A_288 = memref.load %arg1[%get3A_286, %get3A_287] : memref<8x16xf32, #tpu.memory_space<smem>>
    %broadcast_in_dim3A_289 = vector.broadcast %get3A_288 : f32 to vector<256x1xf32>
    %select_n3A_290 = arith.select %eq3A_285, %broadcast_in_dim3A_289, %select_n3A_282 : vector<256x1xi1>, vector<256x1xf32>
    %eq3A_291 = arith.constant 4 : i32
    %eq3A_292 = vector.broadcast %eq3A_291 : i32 to vector<256x1xi32>
    %eq3A_293 = arith.cmpi eq, %get3A_10, %eq3A_292 : vector<256x1xi32>
    %get3A_294 = arith.constant 3 : index
    %get3A_295 = arith.constant 4 : index
    %get3A_296 = memref.load %arg1[%get3A_294, %get3A_295] : memref<8x16xf32, #tpu.memory_space<smem>>
    %broadcast_in_dim3A_297 = vector.broadcast %get3A_296 : f32 to vector<256x1xf32>
    %select_n3A_298 = arith.select %eq3A_293, %broadcast_in_dim3A_297, %select_n3A_290 : vector<256x1xi1>, vector<256x1xf32>
    %eq3A_299 = arith.constant 5 : i32
    %eq3A_300 = vector.broadcast %eq3A_299 : i32 to vector<256x1xi32>
    %eq3A_301 = arith.cmpi eq, %get3A_10, %eq3A_300 : vector<256x1xi32>
    %get3A_302 = arith.constant 3 : index
    %get3A_303 = arith.constant 5 : index
    %get3A_304 = memref.load %arg1[%get3A_302, %get3A_303] : memref<8x16xf32, #tpu.memory_space<smem>>
    %broadcast_in_dim3A_305 = vector.broadcast %get3A_304 : f32 to vector<256x1xf32>
    %select_n3A_306 = arith.select %eq3A_301, %broadcast_in_dim3A_305, %select_n3A_298 : vector<256x1xi1>, vector<256x1xf32>
    %eq3A_307 = arith.constant 6 : i32
    %eq3A_308 = vector.broadcast %eq3A_307 : i32 to vector<256x1xi32>
    %eq3A_309 = arith.cmpi eq, %get3A_10, %eq3A_308 : vector<256x1xi32>
    %get3A_310 = arith.constant 3 : index
    %get3A_311 = arith.constant 6 : index
    %get3A_312 = memref.load %arg1[%get3A_310, %get3A_311] : memref<8x16xf32, #tpu.memory_space<smem>>
    %broadcast_in_dim3A_313 = vector.broadcast %get3A_312 : f32 to vector<256x1xf32>
    %select_n3A_314 = arith.select %eq3A_309, %broadcast_in_dim3A_313, %select_n3A_306 : vector<256x1xi1>, vector<256x1xf32>
    %eq3A_315 = arith.constant 7 : i32
    %eq3A_316 = vector.broadcast %eq3A_315 : i32 to vector<256x1xi32>
    %eq3A_317 = arith.cmpi eq, %get3A_10, %eq3A_316 : vector<256x1xi32>
    %get3A_318 = arith.constant 3 : index
    %get3A_319 = arith.constant 7 : index
    %get3A_320 = memref.load %arg1[%get3A_318, %get3A_319] : memref<8x16xf32, #tpu.memory_space<smem>>
    %broadcast_in_dim3A_321 = vector.broadcast %get3A_320 : f32 to vector<256x1xf32>
    %select_n3A_322 = arith.select %eq3A_317, %broadcast_in_dim3A_321, %select_n3A_314 : vector<256x1xi1>, vector<256x1xf32>
    %eq3A_323 = arith.constant 8 : i32
    %eq3A_324 = vector.broadcast %eq3A_323 : i32 to vector<256x1xi32>
    %eq3A_325 = arith.cmpi eq, %get3A_10, %eq3A_324 : vector<256x1xi32>
    %get3A_326 = arith.constant 3 : index
    %get3A_327 = arith.constant 8 : index
    %get3A_328 = memref.load %arg1[%get3A_326, %get3A_327] : memref<8x16xf32, #tpu.memory_space<smem>>
    %broadcast_in_dim3A_329 = vector.broadcast %get3A_328 : f32 to vector<256x1xf32>
    %select_n3A_330 = arith.select %eq3A_325, %broadcast_in_dim3A_329, %select_n3A_322 : vector<256x1xi1>, vector<256x1xf32>
    %eq3A_331 = arith.constant 9 : i32
    %eq3A_332 = vector.broadcast %eq3A_331 : i32 to vector<256x1xi32>
    %eq3A_333 = arith.cmpi eq, %get3A_10, %eq3A_332 : vector<256x1xi32>
    %get3A_334 = arith.constant 3 : index
    %get3A_335 = arith.constant 9 : index
    %get3A_336 = memref.load %arg1[%get3A_334, %get3A_335] : memref<8x16xf32, #tpu.memory_space<smem>>
    %broadcast_in_dim3A_337 = vector.broadcast %get3A_336 : f32 to vector<256x1xf32>
    %select_n3A_338 = arith.select %eq3A_333, %broadcast_in_dim3A_337, %select_n3A_330 : vector<256x1xi1>, vector<256x1xf32>
    %broadcast_in_dim3A_339 = arith.constant 0.000000e+00 : f32
    %broadcast_in_dim3A_340 = vector.broadcast %broadcast_in_dim3A_339 : f32 to vector<256x1xf32>
    %eq3A_341 = arith.constant 0 : i32
    %eq3A_342 = vector.broadcast %eq3A_341 : i32 to vector<256x1xi32>
    %eq3A_343 = arith.cmpi eq, %get3A_10, %eq3A_342 : vector<256x1xi32>
    %get3A_344 = arith.constant 4 : index
    %get3A_345 = arith.constant 0 : index
    %get3A_346 = memref.load %arg1[%get3A_344, %get3A_345] : memref<8x16xf32, #tpu.memory_space<smem>>
    %broadcast_in_dim3A_347 = vector.broadcast %get3A_346 : f32 to vector<256x1xf32>
    %select_n3A_348 = arith.select %eq3A_343, %broadcast_in_dim3A_347, %broadcast_in_dim3A_340 : vector<256x1xi1>, vector<256x1xf32>
    %eq3A_349 = arith.constant 1 : i32
    %eq3A_350 = vector.broadcast %eq3A_349 : i32 to vector<256x1xi32>
    %eq3A_351 = arith.cmpi eq, %get3A_10, %eq3A_350 : vector<256x1xi32>
    %get3A_352 = arith.constant 4 : index
    %get3A_353 = arith.constant 1 : index
    %get3A_354 = memref.load %arg1[%get3A_352, %get3A_353] : memref<8x16xf32, #tpu.memory_space<smem>>
    %broadcast_in_dim3A_355 = vector.broadcast %get3A_354 : f32 to vector<256x1xf32>
    %select_n3A_356 = arith.select %eq3A_351, %broadcast_in_dim3A_355, %select_n3A_348 : vector<256x1xi1>, vector<256x1xf32>
    %eq3A_357 = arith.constant 2 : i32
    %eq3A_358 = vector.broadcast %eq3A_357 : i32 to vector<256x1xi32>
    %eq3A_359 = arith.cmpi eq, %get3A_10, %eq3A_358 : vector<256x1xi32>
    %get3A_360 = arith.constant 4 : index
    %get3A_361 = arith.constant 2 : index
    %get3A_362 = memref.load %arg1[%get3A_360, %get3A_361] : memref<8x16xf32, #tpu.memory_space<smem>>
    %broadcast_in_dim3A_363 = vector.broadcast %get3A_362 : f32 to vector<256x1xf32>
    %select_n3A_364 = arith.select %eq3A_359, %broadcast_in_dim3A_363, %select_n3A_356 : vector<256x1xi1>, vector<256x1xf32>
    %eq3A_365 = arith.constant 3 : i32
    %eq3A_366 = vector.broadcast %eq3A_365 : i32 to vector<256x1xi32>
    %eq3A_367 = arith.cmpi eq, %get3A_10, %eq3A_366 : vector<256x1xi32>
    %get3A_368 = arith.constant 4 : index
    %get3A_369 = arith.constant 3 : index
    %get3A_370 = memref.load %arg1[%get3A_368, %get3A_369] : memref<8x16xf32, #tpu.memory_space<smem>>
    %broadcast_in_dim3A_371 = vector.broadcast %get3A_370 : f32 to vector<256x1xf32>
    %select_n3A_372 = arith.select %eq3A_367, %broadcast_in_dim3A_371, %select_n3A_364 : vector<256x1xi1>, vector<256x1xf32>
    %eq3A_373 = arith.constant 4 : i32
    %eq3A_374 = vector.broadcast %eq3A_373 : i32 to vector<256x1xi32>
    %eq3A_375 = arith.cmpi eq, %get3A_10, %eq3A_374 : vector<256x1xi32>
    %get3A_376 = arith.constant 4 : index
    %get3A_377 = arith.constant 4 : index
    %get3A_378 = memref.load %arg1[%get3A_376, %get3A_377] : memref<8x16xf32, #tpu.memory_space<smem>>
    %broadcast_in_dim3A_379 = vector.broadcast %get3A_378 : f32 to vector<256x1xf32>
    %select_n3A_380 = arith.select %eq3A_375, %broadcast_in_dim3A_379, %select_n3A_372 : vector<256x1xi1>, vector<256x1xf32>
    %eq3A_381 = arith.constant 5 : i32
    %eq3A_382 = vector.broadcast %eq3A_381 : i32 to vector<256x1xi32>
    %eq3A_383 = arith.cmpi eq, %get3A_10, %eq3A_382 : vector<256x1xi32>
    %get3A_384 = arith.constant 4 : index
    %get3A_385 = arith.constant 5 : index
    %get3A_386 = memref.load %arg1[%get3A_384, %get3A_385] : memref<8x16xf32, #tpu.memory_space<smem>>
    %broadcast_in_dim3A_387 = vector.broadcast %get3A_386 : f32 to vector<256x1xf32>
    %select_n3A_388 = arith.select %eq3A_383, %broadcast_in_dim3A_387, %select_n3A_380 : vector<256x1xi1>, vector<256x1xf32>
    %eq3A_389 = arith.constant 6 : i32
    %eq3A_390 = vector.broadcast %eq3A_389 : i32 to vector<256x1xi32>
    %eq3A_391 = arith.cmpi eq, %get3A_10, %eq3A_390 : vector<256x1xi32>
    %get3A_392 = arith.constant 4 : index
    %get3A_393 = arith.constant 6 : index
    %get3A_394 = memref.load %arg1[%get3A_392, %get3A_393] : memref<8x16xf32, #tpu.memory_space<smem>>
    %broadcast_in_dim3A_395 = vector.broadcast %get3A_394 : f32 to vector<256x1xf32>
    %select_n3A_396 = arith.select %eq3A_391, %broadcast_in_dim3A_395, %select_n3A_388 : vector<256x1xi1>, vector<256x1xf32>
    %eq3A_397 = arith.constant 7 : i32
    %eq3A_398 = vector.broadcast %eq3A_397 : i32 to vector<256x1xi32>
    %eq3A_399 = arith.cmpi eq, %get3A_10, %eq3A_398 : vector<256x1xi32>
    %get3A_400 = arith.constant 4 : index
    %get3A_401 = arith.constant 7 : index
    %get3A_402 = memref.load %arg1[%get3A_400, %get3A_401] : memref<8x16xf32, #tpu.memory_space<smem>>
    %broadcast_in_dim3A_403 = vector.broadcast %get3A_402 : f32 to vector<256x1xf32>
    %select_n3A_404 = arith.select %eq3A_399, %broadcast_in_dim3A_403, %select_n3A_396 : vector<256x1xi1>, vector<256x1xf32>
    %eq3A_405 = arith.constant 8 : i32
    %eq3A_406 = vector.broadcast %eq3A_405 : i32 to vector<256x1xi32>
    %eq3A_407 = arith.cmpi eq, %get3A_10, %eq3A_406 : vector<256x1xi32>
    %get3A_408 = arith.constant 4 : index
    %get3A_409 = arith.constant 8 : index
    %get3A_410 = memref.load %arg1[%get3A_408, %get3A_409] : memref<8x16xf32, #tpu.memory_space<smem>>
    %broadcast_in_dim3A_411 = vector.broadcast %get3A_410 : f32 to vector<256x1xf32>
    %select_n3A_412 = arith.select %eq3A_407, %broadcast_in_dim3A_411, %select_n3A_404 : vector<256x1xi1>, vector<256x1xf32>
    %eq3A_413 = arith.constant 9 : i32
    %eq3A_414 = vector.broadcast %eq3A_413 : i32 to vector<256x1xi32>
    %eq3A_415 = arith.cmpi eq, %get3A_10, %eq3A_414 : vector<256x1xi32>
    %get3A_416 = arith.constant 4 : index
    %get3A_417 = arith.constant 9 : index
    %get3A_418 = memref.load %arg1[%get3A_416, %get3A_417] : memref<8x16xf32, #tpu.memory_space<smem>>
    %broadcast_in_dim3A_419 = vector.broadcast %get3A_418 : f32 to vector<256x1xf32>
    %select_n3A_420 = arith.select %eq3A_415, %broadcast_in_dim3A_419, %select_n3A_412 : vector<256x1xi1>, vector<256x1xf32>
    %add3A = arith.constant 9.99999997E-7 : f32
    %add3A_421 = vector.broadcast %add3A : f32 to vector<256x768xf32>
    %add3A_422 = arith.addf %get3A_4, %add3A_421 : vector<256x768xf32>
    %div3A = arith.constant 1.000000e+00 : f32
    %div3A_423 = vector.broadcast %div3A : f32 to vector<256x768xf32>
    %div3A_424 = arith.divf %div3A_423, %add3A_422 : vector<256x768xf32>
    %log3A = math.log %div3A_424 : vector<256x768xf32>
    %sub3A = vector.broadcast %select_n3A_92 : vector<256x1xf32> to vector<256x768xf32>
    %sub3A_425 = arith.subf %log3A, %sub3A : vector<256x768xf32>
    %mul3A = vector.broadcast %select_n3A_174 : vector<256x1xf32> to vector<256x768xf32>
    %mul3A_426 = arith.mulf %sub3A_425, %mul3A : vector<256x768xf32>
    %mul3A_427 = arith.mulf %mul3A_426, %mul3A_426 : vector<256x768xf32>
    %mul3A_428 = arith.constant 1.000000e+02 : f32
    %mul3A_429 = vector.broadcast %mul3A_428 : f32 to vector<256x768xf32>
    %mul3A_430 = arith.mulf %mul3A_427, %mul3A_429 : vector<256x768xf32>
    %sub3A_431 = arith.constant 1.000000e+00 : f32
    %sub3A_432 = vector.broadcast %sub3A_431 : f32 to vector<256x768xf32>
    %sub3A_433 = arith.subf %mul3A_426, %sub3A_432 : vector<256x768xf32>
    %sub3A_434 = arith.constant 1.000000e+00 : f32
    %sub3A_435 = vector.broadcast %sub3A_434 : f32 to vector<256x768xf32>
    %sub3A_436 = arith.subf %mul3A_426, %sub3A_435 : vector<256x768xf32>
    %mul3A_437 = arith.mulf %sub3A_433, %sub3A_436 : vector<256x768xf32>
    %mul3A_438 = arith.constant 1.000000e+02 : f32
    %mul3A_439 = vector.broadcast %mul3A_438 : f32 to vector<256x768xf32>
    %mul3A_440 = arith.mulf %mul3A_437, %mul3A_439 : vector<256x768xf32>
    %jit3A = arith.constant 0.000000e+00 : f32
    %jit3A_441 = arith.constant 0xFF800000 : f32
    %broadcast_in_dim3A_442 = vector.broadcast %jit3A : f32 to vector<256x768xf32>
    %broadcast_in_dim3A_443 = vector.broadcast %jit3A_441 : f32 to vector<256x768xf32>
    %select_n3A_444 = arith.select %eq3A_12, %broadcast_in_dim3A_442, %broadcast_in_dim3A_443 : vector<256x768xi1>, vector<256x768xf32>
    %broadcast_in_dim3A_445 = arith.constant 0.000000e+00 : f32
    %broadcast_in_dim3A_446 = vector.broadcast %broadcast_in_dim3A_445 : f32 to vector<256x1xf32>
    %scan3A = arith.constant 0 : i32
    %scan3A_447 = arith.constant 50 : i32
    %scan3A_448 = arith.addi %scan3A, %scan3A_447 : i32
    %scan3A_449 = arith.constant 1 : i32
    %scan3A_450:2 = scf.for %scan3A_477 = %scan3A to %scan3A_448 step %scan3A_449 iter_args(%scan3A_478 = %select_n3A_444, %scan3A_479 = %broadcast_in_dim3A_446) -> (vector<256x768xf32>, vector<256x1xf32>)  : i32 {
      %sub3A_480 = arith.subf %scan3A_478, %mul3A_430 : vector<256x768xf32>
      %sub3A_481 = arith.subf %scan3A_478, %mul3A_440 : vector<256x768xf32>
      %reduce_max3A = arith.constant dense<0xFF800000> : vector<256xf32>
      %reduce_max3A_482 = vector.multi_reduction <maximumf>, %sub3A_480, %reduce_max3A [1] : vector<256x768xf32> to vector<256xf32>
      %broadcast_in_dim3A_483 = vector.shape_cast %reduce_max3A_482 : vector<256xf32> to vector<256x1xf32>
      %reduce_max3A_484 = arith.constant dense<0xFF800000> : vector<256xf32>
      %reduce_max3A_485 = vector.multi_reduction <maximumf>, %sub3A_481, %reduce_max3A_484 [1] : vector<256x768xf32> to vector<256xf32>
      %broadcast_in_dim3A_486 = vector.shape_cast %reduce_max3A_485 : vector<256xf32> to vector<256x1xf32>
      %sub3A_487 = vector.broadcast %broadcast_in_dim3A_483 : vector<256x1xf32> to vector<256x768xf32>
      %sub3A_488 = arith.subf %sub3A_480, %sub3A_487 : vector<256x768xf32>
      %exp3A_489 = math.exp %sub3A_488 : vector<256x768xf32>
      %reduce_sum3A_490 = arith.constant dense<0.000000e+00> : vector<256xf32>
      %reduce_sum3A_491 = vector.multi_reduction <add>, %exp3A_489, %reduce_sum3A_490 [1] : vector<256x768xf32> to vector<256xf32>
      %broadcast_in_dim3A_492 = vector.shape_cast %reduce_sum3A_491 : vector<256xf32> to vector<256x1xf32>
      %log3A_493 = math.log %broadcast_in_dim3A_492 : vector<256x1xf32>
      %add3A_494 = arith.addf %broadcast_in_dim3A_483, %log3A_493 : vector<256x1xf32>
      %sub3A_495 = arith.subf %select_n3A_256, %add3A_494 : vector<256x1xf32>
      %sub3A_496 = vector.broadcast %broadcast_in_dim3A_486 : vector<256x1xf32> to vector<256x768xf32>
      %sub3A_497 = arith.subf %sub3A_481, %sub3A_496 : vector<256x768xf32>
      %exp3A_498 = math.exp %sub3A_497 : vector<256x768xf32>
      %reduce_sum3A_499 = arith.constant dense<0.000000e+00> : vector<256xf32>
      %reduce_sum3A_500 = vector.multi_reduction <add>, %exp3A_498, %reduce_sum3A_499 [1] : vector<256x768xf32> to vector<256xf32>
      %broadcast_in_dim3A_501 = vector.shape_cast %reduce_sum3A_500 : vector<256xf32> to vector<256x1xf32>
      %log3A_502 = math.log %broadcast_in_dim3A_501 : vector<256x1xf32>
      %add3A_503 = arith.addf %broadcast_in_dim3A_486, %log3A_502 : vector<256x1xf32>
      %sub3A_504 = arith.subf %select_n3A_338, %add3A_503 : vector<256x1xf32>
      %sub3A_505 = vector.broadcast %sub3A_495 : vector<256x1xf32> to vector<256x768xf32>
      %sub3A_506 = arith.subf %sub3A_505, %mul3A_430 : vector<256x768xf32>
      %sub3A_507 = vector.broadcast %sub3A_504 : vector<256x1xf32> to vector<256x768xf32>
      %sub3A_508 = arith.subf %sub3A_507, %mul3A_440 : vector<256x768xf32>
      %max3A = arith.maximumf %sub3A_506, %sub3A_508 : vector<256x768xf32>
      %sub3A_509 = arith.subf %sub3A_508, %sub3A_506 : vector<256x768xf32>
      %abs3A = math.absf %sub3A_509 : vector<256x768xf32>
      %neg3A = arith.constant 0.000000e+00 : f32
      %neg3A_510 = vector.broadcast %neg3A : f32 to vector<256x768xf32>
      %neg3A_511 = arith.subf %neg3A_510, %abs3A : vector<256x768xf32>
      %exp3A_512 = math.exp %neg3A_511 : vector<256x768xf32>
      %log1p3A = math.log1p %exp3A_512 : vector<256x768xf32>
      %add3A_513 = arith.addf %max3A, %log1p3A : vector<256x768xf32>
      %sub3A_514 = vector.broadcast %select_n3A_420 : vector<256x1xf32> to vector<256x768xf32>
      %sub3A_515 = arith.subf %sub3A_514, %add3A_513 : vector<256x768xf32>
      %jit3A_516 = arith.constant 0xFF800000 : f32
      %broadcast_in_dim3A_517 = vector.broadcast %jit3A_516 : f32 to vector<256x768xf32>
      %select_n3A_518 = arith.select %eq3A_12, %sub3A_515, %broadcast_in_dim3A_517 : vector<256x768xi1>, vector<256x768xf32>
      scf.yield %select_n3A_518, %sub3A_504 : vector<256x768xf32>, vector<256x1xf32>
    }
    %add3A_451 = vector.broadcast %scan3A_450#1 : vector<256x1xf32> to vector<256x768xf32>
    %add3A_452 = arith.addf %scan3A_450#0, %add3A_451 : vector<256x768xf32>
    %sub3A_453 = arith.subf %add3A_452, %mul3A_440 : vector<256x768xf32>
    %exp3A = math.exp %sub3A_453 : vector<256x768xf32>
    %mul3A_454 = arith.mulf %get3A_4, %exp3A : vector<256x768xf32>
    %jit3A_455 = arith.constant 0.000000e+00 : f32
    %broadcast_in_dim3A_456 = vector.broadcast %jit3A_455 : f32 to vector<256x768xf32>
    %select_n3A_457 = arith.select %eq3A_12, %mul3A_454, %broadcast_in_dim3A_456 : vector<256x768xi1>, vector<256x768xf32>
    %reduce_sum3A = arith.constant dense<0.000000e+00> : vector<256xf32>
    %reduce_sum3A_458 = vector.multi_reduction <add>, %select_n3A_457, %reduce_sum3A [1] : vector<256x768xf32> to vector<256xf32>
    %broadcast_in_dim3A_459 = vector.shape_cast %reduce_sum3A_458 : vector<256xf32> to vector<256x1xf32>
    %get3A_460 = arith.constant 0 : index
    %get3A_461 = arith.constant 0 : index
    %get3A_462 = vector.load %arg3[%get3A_460, %get3A_461] : memref<256x2048xf32, #tpu.memory_space<vmem>>, vector<256x2048xf32>
    %sub3A_463 = vector.broadcast %broadcast_in_dim3A_459 : vector<256x1xf32> to vector<256x2048xf32>
    %sub3A_464 = arith.subf %sub3A_463, %get3A_462 : vector<256x2048xf32>
    %ge3A = arith.constant 0.000000e+00 : f32
    %ge3A_465 = vector.broadcast %ge3A : f32 to vector<256x2048xf32>
    %ge3A_466 = arith.cmpf oge, %sub3A_464, %ge3A_465 : vector<256x2048xf32>
    %jit3A_467 = arith.constant 1.000000e+00 : f32
    %jit3A_468 = arith.constant 0.000000e+00 : f32
    %broadcast_in_dim3A_469 = vector.broadcast %jit3A_467 : f32 to vector<256x2048xf32>
    %broadcast_in_dim3A_470 = vector.broadcast %jit3A_468 : f32 to vector<256x2048xf32>
    %select_n3A_471 = arith.select %ge3A_466, %broadcast_in_dim3A_469, %broadcast_in_dim3A_470 : vector<256x2048xi1>, vector<256x2048xf32>
    %reduce_sum3A_472 = arith.constant dense<0.000000e+00> : vector<256xf32>
    %reduce_sum3A_473 = vector.multi_reduction <add>, %select_n3A_471, %reduce_sum3A_472 [1] : vector<256x2048xf32> to vector<256xf32>
    %broadcast_in_dim3A_474 = vector.shape_cast %reduce_sum3A_473 : vector<256xf32> to vector<256x1xf32>
    %swap3A = arith.constant 0 : index
    %swap3A_475 = arith.constant 0 : index
    %swap3A_476 = vector.load %arg6[%swap3A, %swap3A_475] : memref<256x1xf32, #tpu.memory_space<vmem>>, vector<256x1xf32>
    tpu.vector_store %arg6[%swap3A, %swap3A_475], %broadcast_in_dim3A_474 {strides = array<i32>} : memref<256x1xf32, #tpu.memory_space<vmem>>, vector<256x1xf32>,
    return
  }
  func.func @transform_0(%arg0: i32) -> (i32, i32) {
    %c0_i32 = arith.constant 0 : i32
    %c0_i32_0 = arith.constant 0 : i32
    %c0_i32_1 = arith.constant 0 : i32
    return %c0_i32, %c0_i32_0 : i32, i32
  }
  func.func @transform_1(%arg0: i32) -> (i32, i32) {
    %c0_i32 = arith.constant 0 : i32
    %c0_i32_0 = arith.constant 0 : i32
    %c0_i32_1 = arith.constant 0 : i32
    return %c0_i32, %c0_i32_0 : i32, i32
  }
  func.func @transform_2(%arg0: i32) -> (i32, i32) {
    %c0_i32 = arith.constant 0 : i32
    %c0_i32_0 = arith.constant 0 : i32
    return %arg0, %c0_i32 : i32, i32
  }
  func.func @transform_3(%arg0: i32) -> (i32, i32) {
    %c0_i32 = arith.constant 0 : i32
    %c0_i32_0 = arith.constant 0 : i32
    %c0_i32_1 = arith.constant 0 : i32
    return %c0_i32, %c0_i32_0 : i32, i32
  }
  func.func @transform_4(%arg0: i32) -> (i32, i32) {
    %c0_i32 = arith.constant 0 : i32
    %c0_i32_0 = arith.constant 0 : i32
    return %arg0, %c0_i32 : i32, i32
  }
  func.func @transform_5(%arg0: i32) -> (i32, i32) {
    %c0_i32 = arith.constant 0 : i32
    %c0_i32_0 = arith.constant 0 : i32
    return %arg0, %c0_i32 : i32, i32
  }
}

</mosaic_0001>

<sc_bundles>
// kernel: gather_offload_async_start.1
scs
__scs_entry_jumppad:
0x0: {  	(pc) =	sbr.rel $0x88, $3  }
0x1: {  	(tag) =	ssettag $0x0;
	lr =	simm.s32 $0x1  }
0x2: {  	[smem:$0x3F9F] =	sst lr;
	_ =	strace $0xD0000000  }
0x3: {  	_ = 	snop  }
0x4: {  	_ = 	snop  }
0x5: {  	_ = 	snop  }
0x6: {  	_ = 	snop  }
0x7: {  	_ = 	snop  }
__scs_overlays_trampoline_lowered:
0x8: {  	[smem:$0x3FAE] =	sst s0  }
0x9: {  	[smem:$0x3FAF] =	sst s1  }
0xa: {  	[smem:$0x3FB0] =	sst s2  }
0xb: {  	[smem:$0x3FB1] =	sst s3  }
0xc: {  	[smem:$0x3FB2] =	sst s4  }
0xd: {  	[smem:$0x3FB3] =	sst s5  }
0xe: {  	[smem:$0x3FB4] =	sst s6  }
0xf: {  	[smem:$0x3FB5] =	sst s7  }
0x10: {  	[smem:$0x3FB6] =	sst s8  }
0x11: {  	[smem:$0x3FB7] =	sst s9;
	s0 =	simm.s32 @!p0 $0x0  }
0x12: {  	s1 =	sld [smem:$0x3F9D];
	s0 =	simm.s32 @p0 $0x1  }
0x13: {  	[smem:$0x3FB8] =	sst s0;
	s0 =	simm.s32 @!p1 $0x0  }
0x14: {  	s2 =	sld [smem:$0x3F9C];
	s0 =	simm.s32 @p1 $0x1  }
0x15: {  	[smem:$0x3FB9] =	sst s0;
	s0 =	simm.s32 @!p2 $0x0  }
0x16: {  	s3 =	sld [smem:$0x3FDB];
	s0 =	simm.s32 @p2 $0x1  }
0x17: {  	s4 =	simm.s32 $0x1BF5;
	[smem:$0x3FBB] =	sst s0  }
0x18: {  	s0 =	sld [smem:$0x3F9E];
	_ =	swait.ge [sflag:s4], $0x0  }
0x19: {  	s7 =	sld [smem:$0x3F9F]  }
0x1a: {  	s8 =	sadd.s32 $0xFFFFE003, lr  }
0x1b: {  	s9 =	sadd.s32 $0xFFFFFEF7, lr;
	s5 =	simm.s32 $0xFFFFFFFF;
	p2 =	slt.u32 s8, $0xFFFFF086  }
0x1c: {  	p1 =	slt.u32 s9, $0xF7A;
	s5 =	simm.s32 @!p2 $0x0  }
0x1d: {  	s5 =	simm.s32 @p1 $0x1;
	p0 =	seq.s32 s7, s2  }
0x1e: {  	s7 =	smul.u32 @!p0 $0xF7A, s2;
	p2 =	seq.s32 @!p0 s5, $0x0  }
0x1f: {  	s9 =	smul.u32 $0xF7A, s1;
	s8 =	simm.s32 @!p0 $0x1BF5;
	p2 =	por !p2, p0  }
0x20: {  	[sflag:s8] =	ssyncset.s32 @!p0 $0xFFFFF086;
	s6 =	sadd.s32 @!p0 s3, s7;
	s7 =	simm.s32 @!p0 $0x108  }
0x21: {  	s3 =	sadd.s32 s3, s9;
	s6 =	sadd.s32 @!p0 $0x88, s6;
	s7 =	simm.s32 @p2 $0x1082  }
0x22: {  	[simem:s7], [sflag:s8] =	dma.local @!p0 [hbm:s6], $0xF7A  }
0x23: {  	s9 =	sor.u32 $0xD0000000, s2;
	s6 =	simm.s32 $0x108;
	_ =	swait.ge @!p0 [sflag:s8], $0x0  }
0x24: {  	s3 =	sadd.s32 $0x88, s3;
	s6 =	simm.s32 @!p1 $0x1082;
	[sflag:s4] =	ssyncset.s32 $0xFFFFF086  }
0x25: {  	[simem:s6], [sflag:s4] =	dma.local [hbm:s3], $0xF7A  }
0x26: {  	[smem:$0x3F9F] =	sst s1;
	(tag) =	ssettag s2;
	_ =	strace s9  }
0x27: {  	s1 =	sld [smem:$0x3FAF]  }
0x28: {  	s2 =	sld [smem:$0x3FB0]  }
0x29: {  	s4 =	sld [smem:$0x3FB2]  }
0x2a: {  	p0 =	seq.s32 s5, $0x0;
	s5 =	sld [smem:$0x3FB3]  }
0x2b: {  	s6 =	sld [smem:$0x3FB4]  }
0x2c: {  	s7 =	sld [smem:$0x3FB5]  }
0x2d: {  	s3 =	simm.s32 $0x108;
	s8 =	sld [smem:$0x3FB6]  }
0x2e: {  	s3 =	simm.s32 @!p0 $0x1082;
	s9 =	sld [smem:$0x3FB7]  }
0x2f: {  	lr =	sadd.s32 s0, s3;
	s0 =	sld [smem:$0x3FAE]  }
0x30: {  	s3 =	sld [smem:$0x3FB1]  }
0x31: {  	[smem:$0x3FBA] =	sst s10  }
0x32: {  	s10 =	sld [smem:$0x3FB8];
	_ =	sdelay $0x3  }
0x33: {  	p0 =	seq.s32 s10, $0x1;
	s10 =	sld [smem:$0x3FBA];
	_ =	sdelay $0x3  }
0x34: {  	[smem:$0x3FBA] =	sst s10  }
0x35: {  	s10 =	sld [smem:$0x3FB9];
	_ =	sdelay $0x3  }
0x36: {  	p1 =	seq.s32 s10, $0x1;
	s10 =	sld [smem:$0x3FBA];
	_ =	sdelay $0x3  }
0x37: {  	[smem:$0x3FBA] =	sst s10  }
0x38: {  	s10 =	sld [smem:$0x3FBB]  }
0x39: {  	_ = 	snop;
	(pc) =	sbr.ind lr, $3  }
0x3a: {  	_ = 	snop  }
0x3b: {  	_ = 	snop  }
0x3c: {  	p2 =	seq.s32 s10, $0x1;
	s10 =	sld [smem:$0x3FBA]  }
0x3d: {  	_ =	shalt  }
0x3e: {  	_ =	shalt  }
0x3f: {  	_ =	shalt  }
0x40: {  	_ =	shalt  }
0x41: {  	_ =	shalt  }
0x42: {  	_ =	shalt  }
0x43: {  	_ =	shalt  }
0x44: {  	_ =	shalt  }
0x45: {  	_ =	shalt  }
0x46: {  	_ =	shalt  }
0x47: {  	_ =	shalt  }
0x48: {  	_ =	shalt  }
0x49: {  	_ =	shalt  }
0x4a: {  	_ =	shalt  }
0x4b: {  	_ =	shalt  }
0x4c: {  	_ =	shalt  }
0x4d: {  	_ =	shalt  }
0x4e: {  	_ =	shalt  }
0x4f: {  	_ =	shalt  }
0x50: {  	_ =	shalt  }
0x51: {  	_ =	shalt  }
0x52: {  	_ =	shalt  }
0x53: {  	_ =	shalt  }
0x54: {  	_ =	shalt  }
0x55: {  	_ =	shalt  }
0x56: {  	_ =	shalt  }
0x57: {  	_ =	shalt  }
0x58: {  	_ =	shalt  }
0x59: {  	_ =	shalt  }
0x5a: {  	_ =	shalt  }
0x5b: {  	_ =	shalt  }
0x5c: {  	_ =	shalt  }
0x5d: {  	_ =	shalt  }
0x5e: {  	_ =	shalt  }
0x5f: {  	_ =	shalt  }
0x60: {  	_ =	shalt  }
0x61: {  	_ =	shalt  }
0x62: {  	_ =	shalt  }
0x63: {  	_ =	shalt  }
0x64: {  	_ =	shalt  }
0x65: {  	_ =	shalt  }
0x66: {  	_ =	shalt  }
0x67: {  	_ =	shalt  }
0x68: {  	_ =	shalt  }
0x69: {  	_ =	shalt  }
0x6a: {  	_ =	shalt  }
0x6b: {  	_ =	shalt  }
0x6c: {  	_ =	shalt  }
0x6d: {  	_ =	shalt  }
0x6e: {  	_ =	shalt  }
0x6f: {  	_ =	shalt  }
0x70: {  	_ =	shalt  }
0x71: {  	_ =	shalt  }
0x72: {  	_ =	shalt  }
0x73: {  	_ =	shalt  }
0x74: {  	_ =	shalt  }
0x75: {  	_ =	shalt  }
0x76: {  	_ =	shalt  }
0x77: {  	_ =	shalt  }
0x78: {  	_ =	shalt  }
0x79: {  	_ =	shalt  }
0x7a: {  	_ =	shalt  }
0x7b: {  	_ =	shalt  }
0x7c: {  	_ =	shalt  }
0x7d: {  	_ =	shalt  }
0x7e: {  	_ =	shalt  }
0x7f: {  	_ =	shalt  }
0x80: {  	_ =	shalt  }
0x81: {  	_ =	shalt  }
0x82: {  	_ =	shalt  }
0x83: {  	_ =	shalt  }
0x84: {  	_ =	shalt  }
0x85: {  	_ =	shalt  }
0x86: {  	_ =	shalt  }
0x87: {  	_ =	shalt  }
.Lfunc_end0:
.L_simem_size_0:
called_computation.1_lowered:
.L_overlay_start_0:
0x88: {  	s2 =	sld [smem:$0x3FD9]  }
0x89: {  	s3 =	sld [smem:$0x3FFE];
	_ =	sdelay $0x1  }
0x8a: {  	s1 =	srdreg.scid  }
0x8b: {  	s0 =	sand.u32 $0x1, s1  }
0x8c: {  	s17 =	sshll.u32 s0, $0xA;
	s2 =	sadd.s32 s3, s2  }
0x8d: {  	s2 =	sadd.s32 s2, s17  }
0x8e: {  	[smem:$0x3FC6] =	sst s2  }
0x8f: {  	_ = 	snop  }
0x90: {  	s18 =	sld [smem:$0x3FC9];
	(tm) =	ssettm $0x1  }
0x91: {  	s19 =	sld [smem:$0x3FFB];
	_ =	sdelay $0x3  }
0x92: {  	_ =	strace s19  }
0x93: {  	s2 =	sld [smem:$0x3FFC];
	_ =	sdelay $0x3  }
0x94: {  	_ =	strace s2  }
0x95: {  	s2 =	sld [smem:$0x3FFD];
	_ =	sdelay $0x3  }
0x96: {  	_ =	strace s2  }
0x97: {  	_ =	strace $0x8FFFFFFF  }
0x98: {  	s20 =	sld [smem:$0x3FDB];
	_ =	sdelay $0x1  }
0x99: {  	s4 =	simm.s32 $_scs_section_size  }
0x9a: {  	s5 =	simm.s32 $_size__tile_overlayer_lowered;
	s6 =	simm.s32 $_tile_overlayer_lowered  }
0x9b: {  	s7 =	simm.s32 $0x1BFF;
	s21 =	sshll.u32 s6, $0x1;
	s4 =	sadd.s32 s4, s20  }
0x9c: {  	s22 =	simm.s32 $0x0;
	s5 =	sshll.u32 s5, $0x1;
	s6 =	sadd.s32 s21, s4  }
0x9d: {  	[timem:s22], [sflag:s7] =	dma.local [hbm:s6], s5  }
0x9e: {  	_ =	swait.ge [sflag:s7], s5  }
0x9f: {  	s5 =	ssub.s32 $0x0, s5;
	[sflag:s7] =	ssyncset.done $0x0  }
0xa0: {  	[sflag:s7] =	ssyncadd.s32 s5;
	_ =	sdelay $0x1  }
0xa1: {  	s23 =	simm.s32 $0x1B8B  }
0xa2: {  	_ =	swait.ge [sflag:s23], $0x1  }
0xa3: {  	[sflag:s23] =	ssyncset.done $0x0  }
0xa4: {  	[sflag:s23] =	ssyncadd.s32 $0xFFFFFFFF  }
0xa5: {  	s5 =	sld [smem:$0x0]  }
0xa6: {  	s6 =	sand.u32 $0xFFFFFFFE, s1  }
0xa7: {  	p0 =	sne.s32 s1, s6  }
0xa8: {  	s6 =	sshll.u32 @p0 s6, $0xE  }
0xa9: {  	s6 =	sadd.s32 @p0 $0x11B8D, s6;
	s7 =	sshll.u32 @p0 s5, $0x11  }
0xaa: {  	s6 =	sor.u32 @p0 s7, s6  }
0xab: {  	[sflag:s6] =	ssyncadd.remote.s32 @p0 $0x1;
	_ =	sdelay $0x1  }
0xac: {  	s6 =	simm.s32 @p0 $0x1B8D  }
0xad: {  	_ =	swait.eq @p0 [sflag:s6], $0x1  }
0xae: {  	[sflag:s6] =	ssyncadd.s32 @p0 $0xFFFFFFFF  }
0xaf: {  	s7 =	sshll.u32 @!p0 s1, $0xE  }
0xb0: {  	s7 =	sor.u32 @!p0 $0x4000, s7;
	s6 =	simm.s32 @!p0 $0x1B8D  }
0xb1: {  	s5 =	sshll.u32 @!p0 s5, $0x11;
	s7 =	sadd.s32 @!p0 $0x11B8D, s7;
	_ =	swait.eq @!p0 [sflag:s6], $0x1  }
0xb2: {  	s5 =	sor.u32 @!p0 s5, s7;
	[sflag:s6] =	ssyncadd.s32 @!p0 $0xFFFFFFFF  }
0xb3: {  	s25 =	simm.s32 $0x1B8E;
	s24 =	sld [smem:$0x3FFE];
	[sflag:s5] =	ssyncadd.remote.s32 @!p0 $0x1  }
0xb4: {  	s26 =	simm.s32 $execute0_lowered;
	[smem:$0x3FD2] =	sst s25  }
0xb5: {  	s6 =	sshll.u32 s26, $0x1;
	_ =	strace $0x80000049;
	[dreg:$0x1] =	wrdreg $0xFFFFFFFF  }
0xb6: {  	s28 =	simm.s32 $_size_execute0_lowered;
	s4 =	sadd.s32 s4, s6;
	[dreg:$0x0] =	wrdreg $0x0  }
0xb7: {  	s6 =	sshll.u32 s28, $0x1;
	[dreg:$0x2] =	wrdreg s4  }
0xb8: {  	[dreg:$0x3] =	wrdreg s6  }
0xb9: {  	[dreg:$0x4] =	wrdreg $0xC0  }
0xba: {  	_ =	task [dreg:s22], $0x5FFFF  }
0xbb: {  	[dreg:$0x1] =	wrdreg $0xFFFFFFFF  }
0xbc: {  	[dreg:$0x0] =	wrdreg $0x60  }
0xbd: {  	[dreg:$0x2] =	wrdreg s18  }
0xbe: {  	[dreg:$0x3] =	wrdreg s24  }
0xbf: {  	[dreg:$0x4] =	wrdreg $0xA  }
0xc0: {  	_ =	task.clear_ibuf [dreg:s22], $0x5FFFF;
	_ =	strace $0x90000049  }
0xc1: {  	s29 =	simm.s32 $0xA;
	_ =	strace $0x8000004B  }
0xc2: {  	_ =	swait.ge [sflag:s29], $0x1  }
0xc3: {  	[sflag:s29] =	ssyncadd.s32 $0xFFFFFFFF  }
0xc4: {  	_ =	strace $0x9000004B  }
0xc5: {  	_ =	sfence  }
0xc6: {  	s30 =	sld [smem:$0x0];
	_ =	sdelay $0x2  }
0xc7: {  	s31 =	sshll.u32 s1, $0xD;
	s1 =	sshrl.u32 s1, $0x2  }
0xc8: {  	s4 =	sand.u32 $0x4000, s31;
	s1 =	sadd.s32 s1, s30  }
0xc9: {  	s0 =	sor.u32 s4, s0;
	s1 =	sshll.u32 s1, $0x11  }
0xca: {  	s0 =	sor.u32 s1, s0  }
0xcb: {  	s0 =	sadd.s32 $0x8F2B, s0  }
0xcc: {  	[sflag:s0] =	ssyncadd.remote.s32 $0x1  }
0xcd: {  	_ =	sfence.sel $0xFFFF  }
0xce: {  	[dreg:$0x0] =	wrdreg $0xFFFFFFFF;
	(pc) =	sbr.abs _section_cstart, $3  }
0xcf: {  	[dreg:$0x1] =	wrdreg $0xFFFFFFFF  }
0xd0: {  	_ =	task.clear_ibuf [dreg:s22], $0x2FFFF;
	_ =	strace $0x9FFFFFFF  }
0xd1: {  	(tm) =	ssettm $0x7FFFFFFF  }
tec
execute0_lowered:
.L_overlay_start_1:
0x0: {  	(tag) =	ssettag $0x1  }
0x1: {  	s2 =	rddreg [dreg:$0x0]  }
0x2: {  	s3 =	rddreg [dreg:$0x1]  }
0x3: {  	s0 =	rddreg [dreg:$0x2];
	s1 =	srdreg.scid;
	_ =	strace $0x8000004A  }
0x4: {  	s4 =	simm.s32 $0x1;
	s9 =	simm.s32 $0x3;
	s5 =	sshll.u32 s1, $0x4  }
.Ltmp0:
0x5: {  	s1 =	stileid.u32;
	s5 =	sand.u32 $0x10, s5;
	(pc) =	sbr.rel .LBB2_1-.Ltmp0, $4  }
0x6: {  	s11 =	simm.s32 $0x0;
	p0 =	por $0x0, $0x0;
	s6 =	sor.u32 s1, s5  }
0x7: {  	[sflag:s4] =	ssyncpa.u1 $0x0;
	s5 =	simm.s32 $0x2;
	s6 =	sshll.u32 s6, $0x6  }
0x8: {  	s7 =	sadd.s32 $0x400, s3;
	[sflag:s5] =	ssyncpa.u1 $0x0;
	s8 =	sadd.s32 $0x40, s6  }
0x9: {  	vm0 =	vmmov $0xff;
	vm1 =	vcmask $0x3F20;
	[sflag:s9] =	ssyncpa.u1 $0x0;
	s10 =	smov.u32 s6;
	s9 =	simm.s32 $0x0  }
.LBB2_9:
0xa: {  	p1 =	slt.u32 s9, $0x2;
	s11 =	sadd.s32 $0x20, s10  }
0xb: {  	s13 =	smov.u32 s6;
	s9 =	sadd.s32 $0x1, s9;
	p2 =	slt.s32 s11, s8  }
0xc: {  	s13 =	smov.u32 @p2 s11;
	p2 =	sne.s32 s9, $0x4  }
.Ltmp1:
0xd: {  	_ = 	snop;
	(pc) =	sbr.rel @!p2 .LBB2_10-.Ltmp1, $4  }
0xe: {  	s12 =	simm.s32 @!p1 $0x3  }
0xf: {  	_ =	swait.ge @!p1 [sflag:s12], $0x8000  }
0x10: {  	p0 =	por !p0, !p0;
	[sflag:s12] =	ssyncset.done @!p1 $0x0  }
0x11: {  	s11 =	smov.u32 s10;
	s10 =	smov.u32 s13;
	[sflag:s12] =	ssyncadd.s32 @!p1 $0xFFFF8000  }
.LBB2_1:
0x12: {  	p1 =	sgt.u32 s9, $0x1  }
0x13: {  	s12 =	sshll.u32 @!p1 s9, $0x5;
	s13 =	sshrl.u32 @!p1 s10, $0x3  }
0x14: {  	s14 =	sand.u32 @!p1 $0x7, s10;
	s12 =	sxor.u32 @!p1 $0x20, s12;
	s13 =	sadd.s32 @!p1 s3, s13  }
0x15: {  	[tilespmem:s12], [sflag:$0x2] =	stream.linear.gather @!p1 [hbm4b:s13+s14], $0x20, $0x38;
	[tilespmem:$0x10040] =	vst v63  }
0x16: {  	p1 =	seq.s32 s9, $0x0  }
0x17: {  	p2 =	seq.s32 @!p1 s9, $0x3  }
0x18: {  	p1 =	por p1, p2  }
.Ltmp2:
0x19: {  	_ = 	snop;
	(pc) =	sbr.rel @p1 .LBB2_9-.Ltmp2, $1  }
0x1a: {  	_ =	sdelay $0x3  }
0x1b: {  	s12 =	simm.s32 $0x1  }
0x1c: {  	_ =	swait.ge [sflag:s5], $0x20;
	s13 =	sand.u32 $0x1, s9;
	s12 =	simm.s32 @!p0 $0x0  }
0x1d: {  	s15 =	simm.s32 $0x0;
	p2 =	por $0x1, $0x1;
	s12 =	sshll.u32 s12, $0x11  }
0x1e: {  	[sflag:s5] =	ssyncset.done $0x0;
	s13 =	sshll.u32 s13, $0x5;
	s14 =	sshrl.u32 s12, $0x2  }
0x1f: {  	[sflag:s5] =	ssyncadd.s32 $0xFFFFFFE0;
	s12 =	sor.u32 $0x40, s14;
	s14 =	sadd.s32 $0x40, s14  }
.LBB2_3:
0x20: {  	s16 =	sshll.u32 s15, $0x4  }
0x21: {  	s16 =	sand.u32 $0x3FFFFFF0, s16  }
0x22: {  	s16 =	sadd.s32 s16, s13  }
0x23: {  	v0 =	vld.msk [tilespmem:s16+$0x0 ss:$0x1], $0xffff;
	_ =	sdelay $0x4  }
0x24: {  	vm2 =	vgt.s32 v0, $0x0  }
0x25: {  	v0 =	vnsel vm2, $0x0, v0  }
0x26: {  	v0 =	vmin.u32 v0, $0x7FF  }
0x27: {  	v1 =	vshll.u32 v0, $0x7;
	v0 =	vshll.u32 v0, $0x4  }
0x28: {  	v1 =	vand.u32 $0x3FC00, v1;
	v0 =	vand.u32 $0x70, v0  }
0x29: {  	v0 =	vor.u32 v0, v1  }
0x2a: {  	s31 =	sshll.u32 s15, $0x10  }
0x2b: {  	s15 =	sshra.s32 s31, $0x2  }
0x2c: {  	s15 =	sadd.s32 s15, s14  }
0x2d: {  	s17 =	sadd.s32 $0x0, s15  }
0x2e: {  	[tilespmem:s17], [sflag:$0x1] =	stream.indirect_vreg.gather [hbm:s2], $0x80, v0, vm0, $0x38;
	[tilespmem:$0x10040] =	vst v63  }
0x2f: {  	p1 =	por p2, p2;
	s16 =	simm.s32 $0x1000;
	v1 =	vadd.s32 $0x80, v0;
	s17 =	sadd.s32 $0x2000, s17  }
.LBB2_4:
0x30: {  	[tilespmem:s17], [sflag:$0x1] =	stream.indirect_vreg.gather [hbm:s2], $0x80, v0, vm1, $0x38;
	[tilespmem:$0x10040] =	vst v63  }
0x31: {  	v0 =	vmov v1;
	s17 =	smov.u32 s16;
	p2 =	sne.s32 s16, $0x7000  }
.Ltmp3:
0x32: {  	s16 =	sadd.s32 $0x1000, s16;
	(pc) =	sbr.rel @p2 .LBB2_4-.Ltmp3, $4  }
0x33: {  	s17 =	sshra.s32 s17, $0x2  }
0x34: {  	s17 =	sadd.s32 s17, s15  }
0x35: {  	[tilespmem:s17], [sflag:$0x1] =	stream.indirect_vreg.gather [hbm:s2], $0x80, v1, vm0, $0x38;
	[tilespmem:$0x10040] =	vst v63  }
0x36: {  	s17 =	sadd.s32 $0x2000, s17;
	v1 =	vadd.s32 $0x80, v1  }
0x37: {  	_ = 	snop  }
.Ltmp4:
0x38: {  	_ = 	snop;
	(pc) =	sbr.rel @p1 .LBB2_3-.Ltmp4, $3  }
0x39: {  	_ =	sdelay $0x1  }
0x3a: {  	[tilespmem:s17], [sflag:$0x1] =	stream.indirect_vreg.gather [hbm:s2], $0x80, v0, vm1, $0x38;
	[tilespmem:$0x10040] =	vst v63  }
0x3b: {  	s15 =	simm.s32 $0x1;
	p2 =	por $0x0, $0x0  }
0x3c: {  	s13 =	sshll.u32 s11, $0x7  }
0x3d: {  	s31 =	sshll.u32 s11, $0x4;
	s13 =	sand.u32 $0xFFFFFC00, s13  }
0x3e: {  	_ =	swait.ge [sflag:s4], $0x8000;
	s11 =	sand.u32 $0x70, s31;
	s13 =	sadd.s32 s13, s7  }
0x3f: {  	s14 =	sadd.s32 $0x2000, s12;
	[sflag:s4] =	ssyncset.done $0x0;
	s11 =	sadd.s32 s11, s13  }
0x40: {  	[sflag:s4] =	ssyncadd.s32 $0xFFFF8000;
	s13 =	simm.s32 $0x400;
	s15 =	sadd.s32 $0x0, s11  }
.LBB2_7:
0x41: {  	[hbm:s15] =	stream.linear.scatter [tilespmem:s12], [sflag:$0x3], $0x2000, $0x38;
	[tilespmem:$0x10040] =	vst v63  }
0x42: {  	s15 =	smov.u32 s13;
	s12 =	smov.u32 s14;
	p1 =	sne.s32 s13, $0xC00  }
.Ltmp5:
0x43: {  	s13 =	sadd.s32 $0x400, s13;
	(pc) =	sbr.rel @p1 .LBB2_7-.Ltmp5, $2  }
0x44: {  	_ =	sdelay $0x2  }
0x45: {  	s14 =	sadd.s32 $0x2000, s14;
	s15 =	sadd.s32 s15, s11  }
.Ltmp6:
0x46: {  	(pc) =	sbr.rel .LBB2_9-.Ltmp6, $2  }
0x47: {  	_ =	sdelay $0x2  }
0x48: {  	[hbm:s15] =	stream.linear.scatter [tilespmem:s12], [sflag:$0x3], $0x2000, $0x38;
	[tilespmem:$0x10040] =	vst v63  }
.LBB2_10:
0x49: {  	_ =	sfence.sel $0x180000  }
0x4a: {  	s2 =	simm.s32 $0x2;
	[bflag:$0x0] =	sbarrier.arrive $0xFFFF  }
0x4b: {  	s30 =	simm.s32 $0x3;
	[sflag:s2] =	ssyncpa.u1 $0x1  }
0x4c: {  	s31 =	simm.s32 $0x1;
	[sflag:s30] =	ssyncpa.u1 $0x1  }
0x4d: {  	[sflag:s31] =	ssyncpa.u1 $0x1  }
0x4e: {  	p0 =	sne.s32 s1, $0x0;
	_ =	strace $0x9000004A  }
0x4f: {  	s0 =	sadd.s32 @!p0 $0x100000, s0;
	[bflag:$0x2] =	sbarrier.arrive $0xFFFF  }
0x50: {  	[sflag:s0] =	ssyncadd.tile.s32 @!p0 $0x1;
	_ =	shalt  }
.Lfunc_end2:
_tile_overlayer_lowered:
.L_overlay_start_2:
0x51: {  	(tag) =	ssettag $0x2  }
0x52: {  	s0 =	rddreg [dreg:$0x0];
	s2 =	stileid.u32  }
0x53: {  	s1 =	rddreg [dreg:$0x1];
	p0 =	sne.s32 s2, $0x0  }
0x54: {  	s3 =	rddreg [dreg:$0x2];
	[bflag:$0x3] =	sbarrier.arrive $0xFFFF;
	s2 =	simm.s32 @!p0 $0x1C01  }
0x55: {  	[timem:s3], [sflag:s2] =	dma.local @!p0 [hbm:s0], s1  }
0x56: {  	s0 =	simm.s32 @!p0 $0x1  }
0x57: {  	_ =	swait.ge @!p0 [sflag:s0], s1  }
0x58: {  	s1 =	ssub.s32 @!p0 $0x0, s1;
	[sflag:s0] =	ssyncset.done @!p0 $0x0  }
0x59: {  	[sflag:s0] =	ssyncadd.s32 @!p0 s1  }
0x5a: {  	[bflag:$0x3] =	sbarrier.arrive $0xFFFF  }
0x5b: {  	_ =	shalt  }

// kernel: gather_offload_async_start
scs
__scs_entry_jumppad:
0x0: {  	(pc) =	sbr.rel $0x88, $3  }
0x1: {  	(tag) =	ssettag $0x0;
	lr =	simm.s32 $0x1  }
0x2: {  	[smem:$0x3F9F] =	sst lr;
	_ =	strace $0xD0000000  }
0x3: {  	_ = 	snop  }
0x4: {  	_ = 	snop  }
0x5: {  	_ = 	snop  }
0x6: {  	_ = 	snop  }
0x7: {  	_ = 	snop  }
__scs_overlays_trampoline_lowered:
0x8: {  	[smem:$0x3FAE] =	sst s0  }
0x9: {  	[smem:$0x3FAF] =	sst s1  }
0xa: {  	[smem:$0x3FB0] =	sst s2  }
0xb: {  	[smem:$0x3FB1] =	sst s3  }
0xc: {  	[smem:$0x3FB2] =	sst s4  }
0xd: {  	[smem:$0x3FB3] =	sst s5  }
0xe: {  	[smem:$0x3FB4] =	sst s6  }
0xf: {  	[smem:$0x3FB5] =	sst s7  }
0x10: {  	[smem:$0x3FB6] =	sst s8  }
0x11: {  	[smem:$0x3FB7] =	sst s9;
	s0 =	simm.s32 @!p0 $0x0  }
0x12: {  	s1 =	sld [smem:$0x3F9D];
	s0 =	simm.s32 @p0 $0x1  }
0x13: {  	[smem:$0x3FB8] =	sst s0;
	s0 =	simm.s32 @!p1 $0x0  }
0x14: {  	s2 =	sld [smem:$0x3F9C];
	s0 =	simm.s32 @p1 $0x1  }
0x15: {  	[smem:$0x3FB9] =	sst s0;
	s0 =	simm.s32 @!p2 $0x0  }
0x16: {  	s3 =	sld [smem:$0x3FDB];
	s0 =	simm.s32 @p2 $0x1  }
0x17: {  	s4 =	simm.s32 $0x1BF5;
	[smem:$0x3FBB] =	sst s0  }
0x18: {  	s0 =	sld [smem:$0x3F9E];
	_ =	swait.ge [sflag:s4], $0x0  }
0x19: {  	s7 =	sld [smem:$0x3F9F]  }
0x1a: {  	s8 =	sadd.s32 $0xFFFFE003, lr  }
0x1b: {  	s9 =	sadd.s32 $0xFFFFFEF7, lr;
	s5 =	simm.s32 $0xFFFFFFFF;
	p2 =	slt.u32 s8, $0xFFFFF086  }
0x1c: {  	p1 =	slt.u32 s9, $0xF7A;
	s5 =	simm.s32 @!p2 $0x0  }
0x1d: {  	s5 =	simm.s32 @p1 $0x1;
	p0 =	seq.s32 s7, s2  }
0x1e: {  	s7 =	smul.u32 @!p0 $0xF7A, s2;
	p2 =	seq.s32 @!p0 s5, $0x0  }
0x1f: {  	s9 =	smul.u32 $0xF7A, s1;
	s8 =	simm.s32 @!p0 $0x1BF5;
	p2 =	por !p2, p0  }
0x20: {  	[sflag:s8] =	ssyncset.s32 @!p0 $0xFFFFF086;
	s6 =	sadd.s32 @!p0 s3, s7;
	s7 =	simm.s32 @!p0 $0x108  }
0x21: {  	s3 =	sadd.s32 s3, s9;
	s6 =	sadd.s32 @!p0 $0x88, s6;
	s7 =	simm.s32 @p2 $0x1082  }
0x22: {  	[simem:s7], [sflag:s8] =	dma.local @!p0 [hbm:s6], $0xF7A  }
0x23: {  	s9 =	sor.u32 $0xD0000000, s2;
	s6 =	simm.s32 $0x108;
	_ =	swait.ge @!p0 [sflag:s8], $0x0  }
0x24: {  	s3 =	sadd.s32 $0x88, s3;
	s6 =	simm.s32 @!p1 $0x1082;
	[sflag:s4] =	ssyncset.s32 $0xFFFFF086  }
0x25: {  	[simem:s6], [sflag:s4] =	dma.local [hbm:s3], $0xF7A  }
0x26: {  	[smem:$0x3F9F] =	sst s1;
	(tag) =	ssettag s2;
	_ =	strace s9  }
0x27: {  	s1 =	sld [smem:$0x3FAF]  }
0x28: {  	s2 =	sld [smem:$0x3FB0]  }
0x29: {  	s4 =	sld [smem:$0x3FB2]  }
0x2a: {  	p0 =	seq.s32 s5, $0x0;
	s5 =	sld [smem:$0x3FB3]  }
0x2b: {  	s6 =	sld [smem:$0x3FB4]  }
0x2c: {  	s7 =	sld [smem:$0x3FB5]  }
0x2d: {  	s3 =	simm.s32 $0x108;
	s8 =	sld [smem:$0x3FB6]  }
0x2e: {  	s3 =	simm.s32 @!p0 $0x1082;
	s9 =	sld [smem:$0x3FB7]  }
0x2f: {  	lr =	sadd.s32 s0, s3;
	s0 =	sld [smem:$0x3FAE]  }
0x30: {  	s3 =	sld [smem:$0x3FB1]  }
0x31: {  	[smem:$0x3FBA] =	sst s10  }
0x32: {  	s10 =	sld [smem:$0x3FB8];
	_ =	sdelay $0x3  }
0x33: {  	p0 =	seq.s32 s10, $0x1;
	s10 =	sld [smem:$0x3FBA];
	_ =	sdelay $0x3  }
0x34: {  	[smem:$0x3FBA] =	sst s10  }
0x35: {  	s10 =	sld [smem:$0x3FB9];
	_ =	sdelay $0x3  }
0x36: {  	p1 =	seq.s32 s10, $0x1;
	s10 =	sld [smem:$0x3FBA];
	_ =	sdelay $0x3  }
0x37: {  	[smem:$0x3FBA] =	sst s10  }
0x38: {  	s10 =	sld [smem:$0x3FBB]  }
0x39: {  	_ = 	snop;
	(pc) =	sbr.ind lr, $3  }
0x3a: {  	_ = 	snop  }
0x3b: {  	_ = 	snop  }
0x3c: {  	p2 =	seq.s32 s10, $0x1;
	s10 =	sld [smem:$0x3FBA]  }
0x3d: {  	_ =	shalt  }
0x3e: {  	_ =	shalt  }
0x3f: {  	_ =	shalt  }
0x40: {  	_ =	shalt  }
0x41: {  	_ =	shalt  }
0x42: {  	_ =	shalt  }
0x43: {  	_ =	shalt  }
0x44: {  	_ =	shalt  }
0x45: {  	_ =	shalt  }
0x46: {  	_ =	shalt  }
0x47: {  	_ =	shalt  }
0x48: {  	_ =	shalt  }
0x49: {  	_ =	shalt  }
0x4a: {  	_ =	shalt  }
0x4b: {  	_ =	shalt  }
0x4c: {  	_ =	shalt  }
0x4d: {  	_ =	shalt  }
0x4e: {  	_ =	shalt  }
0x4f: {  	_ =	shalt  }
0x50: {  	_ =	shalt  }
0x51: {  	_ =	shalt  }
0x52: {  	_ =	shalt  }
0x53: {  	_ =	shalt  }
0x54: {  	_ =	shalt  }
0x55: {  	_ =	shalt  }
0x56: {  	_ =	shalt  }
0x57: {  	_ =	shalt  }
0x58: {  	_ =	shalt  }
0x59: {  	_ =	shalt  }
0x5a: {  	_ =	shalt  }
0x5b: {  	_ =	shalt  }
0x5c: {  	_ =	shalt  }
0x5d: {  	_ =	shalt  }
0x5e: {  	_ =	shalt  }
0x5f: {  	_ =	shalt  }
0x60: {  	_ =	shalt  }
0x61: {  	_ =	shalt  }
0x62: {  	_ =	shalt  }
0x63: {  	_ =	shalt  }
0x64: {  	_ =	shalt  }
0x65: {  	_ =	shalt  }
0x66: {  	_ =	shalt  }
0x67: {  	_ =	shalt  }
0x68: {  	_ =	shalt  }
0x69: {  	_ =	shalt  }
0x6a: {  	_ =	shalt  }
0x6b: {  	_ =	shalt  }
0x6c: {  	_ =	shalt  }
0x6d: {  	_ =	shalt  }
0x6e: {  	_ =	shalt  }
0x6f: {  	_ =	shalt  }
0x70: {  	_ =	shalt  }
0x71: {  	_ =	shalt  }
0x72: {  	_ =	shalt  }
0x73: {  	_ =	shalt  }
0x74: {  	_ =	shalt  }
0x75: {  	_ =	shalt  }
0x76: {  	_ =	shalt  }
0x77: {  	_ =	shalt  }
0x78: {  	_ =	shalt  }
0x79: {  	_ =	shalt  }
0x7a: {  	_ =	shalt  }
0x7b: {  	_ =	shalt  }
0x7c: {  	_ =	shalt  }
0x7d: {  	_ =	shalt  }
0x7e: {  	_ =	shalt  }
0x7f: {  	_ =	shalt  }
0x80: {  	_ =	shalt  }
0x81: {  	_ =	shalt  }
0x82: {  	_ =	shalt  }
0x83: {  	_ =	shalt  }
0x84: {  	_ =	shalt  }
0x85: {  	_ =	shalt  }
0x86: {  	_ =	shalt  }
0x87: {  	_ =	shalt  }
.Lfunc_end0:
.L_simem_size_0:
called_computation_lowered:
.L_overlay_start_0:
0x88: {  	s2 =	sld [smem:$0x3FD9]  }
0x89: {  	s3 =	sld [smem:$0x3FFE];
	_ =	sdelay $0x1  }
0x8a: {  	s1 =	srdreg.scid  }
0x8b: {  	s0 =	sand.u32 $0x1, s1  }
0x8c: {  	s17 =	sshll.u32 s0, $0xA;
	s2 =	sadd.s32 s3, s2  }
0x8d: {  	s2 =	sadd.s32 s2, s17  }
0x8e: {  	[smem:$0x3FC6] =	sst s2  }
0x8f: {  	_ = 	snop  }
0x90: {  	s2 =	sld [smem:$0x3FC8];
	(tm) =	ssettm $0x1  }
0x91: {  	s18 =	sld [smem:$0x3FFB];
	_ =	sdelay $0x3  }
0x92: {  	_ =	strace s18  }
0x93: {  	s3 =	sld [smem:$0x3FFC];
	_ =	sdelay $0x3  }
0x94: {  	_ =	strace s3  }
0x95: {  	s3 =	sld [smem:$0x3FFD];
	_ =	sdelay $0x3  }
0x96: {  	_ =	strace s3  }
0x97: {  	_ =	strace $0x8FFFFFFF  }
0x98: {  	s19 =	sld [smem:$0x3FDB];
	_ =	sdelay $0x1  }
0x99: {  	s4 =	simm.s32 $_scs_section_size  }
0x9a: {  	s5 =	simm.s32 $_size__tile_overlayer_lowered;
	s6 =	simm.s32 $_tile_overlayer_lowered  }
0x9b: {  	s22 =	simm.s32 $0x1BFF;
	s21 =	sshll.u32 s6, $0x1;
	s3 =	sadd.s32 s4, s19  }
0x9c: {  	s7 =	simm.s32 $0x0;
	s20 =	sshll.u32 s5, $0x1;
	s5 =	sadd.s32 s21, s3  }
0x9d: {  	[timem:s7], [sflag:s22] =	dma.local [hbm:s5], s20  }
0x9e: {  	_ =	swait.ge [sflag:s22], s20  }
0x9f: {  	s4 =	ssub.s32 $0x0, s20;
	[sflag:s22] =	ssyncset.done $0x0  }
0xa0: {  	[sflag:s22] =	ssyncadd.s32 s4;
	_ =	sdelay $0x1  }
0xa1: {  	s23 =	simm.s32 $0x1B8B  }
0xa2: {  	_ =	swait.ge [sflag:s23], $0x1  }
0xa3: {  	[sflag:s23] =	ssyncset.done $0x0  }
0xa4: {  	s25 =	simm.s32 $0x1B8E;
	s24 =	sld [smem:$0x3FFE];
	[sflag:s23] =	ssyncadd.s32 $0xFFFFFFFF  }
0xa5: {  	s26 =	simm.s32 $execute0_lowered;
	[smem:$0x3FD2] =	sst s25  }
0xa6: {  	s5 =	sshll.u32 s26, $0x1;
	_ =	strace $0x80000046;
	[dreg:$0x1] =	wrdreg $0xFFFFFFFF  }
0xa7: {  	s28 =	simm.s32 $_size_execute0_lowered;
	s3 =	sadd.s32 s3, s5;
	[dreg:$0x0] =	wrdreg $0x0  }
0xa8: {  	s5 =	sshll.u32 s28, $0x1;
	[dreg:$0x2] =	wrdreg s3  }
0xa9: {  	[dreg:$0x3] =	wrdreg s5  }
0xaa: {  	[dreg:$0x4] =	wrdreg $0xC0  }
0xab: {  	_ =	task [dreg:s7], $0x5FFFF  }
0xac: {  	[dreg:$0x1] =	wrdreg $0xFFFFFFFF  }
0xad: {  	[dreg:$0x0] =	wrdreg $0x60  }
0xae: {  	[dreg:$0x2] =	wrdreg s2  }
0xaf: {  	[dreg:$0x3] =	wrdreg s24  }
0xb0: {  	[dreg:$0x4] =	wrdreg $0x9  }
0xb1: {  	_ =	task.clear_ibuf [dreg:s7], $0x5FFFF;
	_ =	strace $0x90000046  }
0xb2: {  	s29 =	simm.s32 $0x9;
	_ =	strace $0x80000048  }
0xb3: {  	_ =	swait.ge [sflag:s29], $0x1  }
0xb4: {  	[sflag:s29] =	ssyncadd.s32 $0xFFFFFFFF  }
0xb5: {  	_ =	strace $0x90000048  }
0xb6: {  	_ =	sfence  }
0xb7: {  	s30 =	sld [smem:$0x0];
	_ =	sdelay $0x2  }
0xb8: {  	s31 =	sshll.u32 s1, $0xD;
	s1 =	sshrl.u32 s1, $0x2  }
0xb9: {  	s3 =	sand.u32 $0x4000, s31;
	s1 =	sadd.s32 s1, s30  }
0xba: {  	s0 =	sor.u32 s3, s0;
	s1 =	sshll.u32 s1, $0x11  }
0xbb: {  	s0 =	sor.u32 s1, s0  }
0xbc: {  	s0 =	sadd.s32 $0x8F2B, s0  }
0xbd: {  	[sflag:s0] =	ssyncadd.remote.s32 $0x1  }
0xbe: {  	_ =	sfence.sel $0xFFFF  }
0xbf: {  	[dreg:$0x0] =	wrdreg $0xFFFFFFFF;
	(pc) =	sbr.abs _section_cstart, $3  }
0xc0: {  	[dreg:$0x1] =	wrdreg $0xFFFFFFFF  }
0xc1: {  	_ =	task.clear_ibuf [dreg:s7], $0x2FFFF;
	_ =	strace $0x9FFFFFFF  }
0xc2: {  	(tm) =	ssettm $0x7FFFFFFF  }
0xc3: {  	_ =	shalt  }
tec
execute0_lowered:
.L_overlay_start_1:
0x0: {  	(tag) =	ssettag $0x1  }
0x1: {  	s1 =	srdreg.scid  }
0x2: {  	s0 =	stileid.u32;
	s2 =	rddreg [dreg:$0x0];
	s1 =	sshll.u32 s1, $0x5  }
0x3: {  	s3 =	rddreg [dreg:$0x1];
	s4 =	sshll.u32 s0, $0x6;
	s1 =	sand.u32 $0x20, s1  }
0x4: {  	s6 =	simm.s32 $0x1;
	s30 =	simm.s32 $0x2;
	s4 =	sor.u32 s4, s1  }
0x5: {  	s31 =	simm.s32 $0x3;
	s11 =	simm.s32 $0x0;
	s5 =	ssub.s32 $0x800, s4  }
0x6: {  	s8 =	simm.s32 $0x0;
	s9 =	simm.s32 $0x0;
	s7 =	sand.u32 $0x3E0, s5  }
0x7: {  	s1 =	rddreg [dreg:$0x2];
	_ =	strace $0x80000047;
	p0 =	sne.s32 s7, $0x0  }
0x8: {  	[sflag:s6] =	ssyncpa.u1 $0x0;
	s5 =	sshrl.u32 s5, $0xA;
	s6 =	simm.s32 @!p0 $0x0  }
0x9: {  	s10 =	smov.u32 s4;
	[sflag:s30] =	ssyncpa.u1 $0x0;
	s5 =	sadd.s32 s6, s5  }
0xa: {  	[sflag:s31] =	ssyncpa.u1 $0x0;
	s6 =	sadd.s32 $0x200, s3;
	s7 =	sadd.s32 $0x1, s5  }
.LBB2_1:
0xb: {  	p0 =	sge.u32 s9, s5  }
0xc: {  	s31 =	sadd.s32 $0xFFFFFFFF, s9;
	s12 =	sxor.u32 @!p0 $0xFFFFFFFF, s8;
	s13 =	sshrl.u32 @!p0 s10, $0x3  }
0xd: {  	s14 =	sand.u32 @!p0 $0x7, s10;
	s12 =	sand.u32 @!p0 $0x20, s12;
	s13 =	sadd.s32 @!p0 s3, s13  }
0xe: {  	[tilespmem:s12], [sflag:$0x2] =	stream.linear.gather @!p0 [hbm4b:s13+s14], $0x20, $0x38;
	[tilespmem:$0x80] =	vst v63  }
0xf: {  	p0 =	sge.u32 s31, s5  }
0x10: {  	s12 =	simm.s32 @!p0 $0x2  }
0x11: {  	_ =	swait.ge @!p0 [sflag:s12], $0x20  }
0x12: {  	[sflag:s12] =	ssyncset.done @!p0 $0x0  }
0x13: {  	[sflag:s12] =	ssyncadd.s32 @!p0 $0xFFFFFFE0;
	s12 =	sand.u32 @!p0 $0x20, s8  }
0x14: {  	(ifvalue) =	ssetifvalue @!p0 $0x7FFFFFFF;
	v0 =	vld.msk @!p0 [tilespmem:s12+$0x0 ss:$0x1], $0xffff;
	_ =	sdelay $0x4  }
0x15: {  	vm0 =	vgt.s32 @!p0 v0, $0x0  }
0x16: {  	v0 =	vnsel @!p0 vm0, $0x0, v0  }
0x17: {  	v0 =	vmin.u32 @!p0 v0, $0x7FF;
	_ =	sdelay $0x2  }
0x18: {  	s14 =	simm.s32 @!p0 $0x0  }
0x19: {  	s13 =	sor.u32 @!p0 $0x40, s12;
	(ifvalue) =	ssetifvalue @!p0 $0x7FFFFFFF;
	s15 =	sor.u32 @!p0 $0x10, s12;
	vm0 =	vmmov @!p0 $0xffff  }
0x1a: {  	[tilespmem:s13], [sflag:$0x1] =	stream.indirect_vreg.gather @!p0 [hbm4b:s2+s14], $0x1, v0, vm0, $0x4038;
	[tilespmem:$0x80] =	vst v63  }
0x1b: {  	v0 =	vld.msk @!p0 [tilespmem:s15+$0x0 ss:$0x1], $0xffff;
	_ =	sdelay $0x4  }
0x1c: {  	vm1 =	vgt.s32 @!p0 v0, $0x0  }
0x1d: {  	v0 =	vnsel @!p0 vm1, $0x0, v0  }
0x1e: {  	v0 =	vmin.u32 @!p0 v0, $0x7FF;
	_ =	sdelay $0x3  }
0x1f: {  	s12 =	sor.u32 @!p0 $0x50, s12;
	(ifvalue) =	ssetifvalue @!p0 $0x7FFFFFFF  }
0x20: {  	[tilespmem:s12], [sflag:$0x1] =	stream.indirect_vreg.gather @!p0 [hbm4b:s2+s14], $0x1, v0, vm0, $0x4038;
	[tilespmem:$0x80] =	vst v63  }
0x21: {  	s12 =	simm.s32 @!p0 $0x1  }
0x22: {  	_ =	swait.ge @!p0 [sflag:s12], $0x20  }
0x23: {  	s14 =	sshrl.u32 @!p0 s11, $0x3;
	[sflag:s12] =	ssyncset.done @!p0 $0x0  }
0x24: {  	s11 =	sand.u32 @!p0 $0x7, s11;
	[sflag:s12] =	ssyncadd.s32 @!p0 $0xFFFFFFE0;
	s12 =	sadd.s32 @!p0 s6, s14  }
0x25: {  	[hbm4b:s12+s11] =	stream.linear.scatter @!p0 [tilespmem:s13], [sflag:$0x3], $0x20, $0x38;
	[tilespmem:$0x80] =	vst v63  }
0x26: {  	s13 =	sadd.s32 $0x400, s10  }
0x27: {  	p1 =	sgt.s32 s13, $0x7FF  }
0x28: {  	s13 =	smov.u32 @p1 s4;
	p1 =	sne.s32 s9, s7  }
.Ltmp0:
0x29: {  	p0 =	slt.u32 s9, $0x2;
	(pc) =	sbr.rel @p1 .LBB2_1-.Ltmp0, $4  }
0x2a: {  	s12 =	simm.s32 @!p0 $0x3  }
0x2b: {  	_ =	swait.ge @!p0 [sflag:s12], $0x20  }
0x2c: {  	s8 =	sadd.s32 $0x20, s8;
	s11 =	smov.u32 s10;
	[sflag:s12] =	ssyncset.done @!p0 $0x0  }
0x2d: {  	s9 =	sadd.s32 $0x1, s9;
	s10 =	smov.u32 s13;
	[sflag:s12] =	ssyncadd.s32 @!p0 $0xFFFFFFE0  }
0x2e: {  	_ =	sfence.sel $0x180000  }
0x2f: {  	s2 =	simm.s32 $0x2;
	[bflag:$0x0] =	sbarrier.arrive $0xFFFF  }
0x30: {  	s30 =	simm.s32 $0x3;
	[sflag:s2] =	ssyncpa.u1 $0x1  }
0x31: {  	s31 =	simm.s32 $0x1;
	[sflag:s30] =	ssyncpa.u1 $0x1  }
0x32: {  	[sflag:s31] =	ssyncpa.u1 $0x1  }
0x33: {  	p0 =	sne.s32 s0, $0x0;
	_ =	strace $0x90000047  }
0x34: {  	s0 =	sadd.s32 @!p0 $0x100000, s1;
	[bflag:$0x2] =	sbarrier.arrive $0xFFFF  }
0x35: {  	[sflag:s0] =	ssyncadd.tile.s32 @!p0 $0x1;
	_ =	shalt  }
.Lfunc_end2:
_tile_overlayer_lowered:
.L_overlay_start_2:
0x36: {  	(tag) =	ssettag $0x2  }
0x37: {  	s0 =	rddreg [dreg:$0x0];
	s2 =	stileid.u32  }
0x38: {  	s1 =	rddreg [dreg:$0x1];
	p0 =	sne.s32 s2, $0x0  }
0x39: {  	s3 =	rddreg [dreg:$0x2];
	[bflag:$0x3] =	sbarrier.arrive $0xFFFF;
	s2 =	simm.s32 @!p0 $0x1C01  }
0x3a: {  	[timem:s3], [sflag:s2] =	dma.local @!p0 [hbm:s0], s1  }
0x3b: {  	s0 =	simm.s32 @!p0 $0x1  }
0x3c: {  	_ =	swait.ge @!p0 [sflag:s0], s1  }
0x3d: {  	s1 =	ssub.s32 @!p0 $0x0, s1;
	[sflag:s0] =	ssyncset.done @!p0 $0x0  }
0x3e: {  	[sflag:s0] =	ssyncadd.s32 @!p0 s1  }
0x3f: {  	[bflag:$0x3] =	sbarrier.arrive $0xFFFF  }
0x40: {  	_ =	shalt  }

</sc_bundles>
